<compile_context>
chip_gen: v7x
topology: tpu7x:2x2x1
jax: 0.10.2.dev20260603
libtpu: 0.0.44.dev20260713+nightly
codegen_flags: <defaults>
</compile_context>

<pallas_src>
import functools

import jax
import jax.numpy as jnp
from jax import lax
from jax.experimental import pallas as pl
from jax.experimental.pallas import tpu as pltpu
from jax.experimental.pallas import tpu_sc as plsc

N_CLS_K = 1000
SEQ_K = 77
N_CTX_K = 16
CTX_DIM_K = 512
CHUNK = 48
N_CHUNKS = 21
LAST_START = N_CLS_K - CHUNK
N_TASKS = SEQ_K * N_CHUNKS
NBUF = 5

NC, NS = 2, 16
NW = NC * NS
BASE_T = N_TASKS // NW
EXTRA_T = N_TASKS - BASE_T * NW
ROUNDS = 55
assert ROUNDS % NBUF == 0 and ROUNDS >= BASE_T + 1


def _make_kernel():
    mesh = plsc.VectorSubcoreMesh(core_axis_name="c", subcore_axis_name="s")

    @functools.partial(
        pl.kernel,
        mesh=mesh,
        out_type=jax.ShapeDtypeStruct((SEQ_K, N_CLS_K, CTX_DIM_K), jnp.float32),
        scratch_types=(
            [pltpu.VMEM((CHUNK, CTX_DIM_K), jnp.float32) for _ in range(NBUF)]
            + [pltpu.VMEM((CHUNK,), jnp.int32) for _ in range(NBUF)]
            + [pltpu.SemaphoreType.DMA for _ in range(3 * NBUF)]
        ),
    )
    def sc_kernel(idx_hbm, table_hbm, ctxb_hbm, out_hbm, *scratch):
        bufs = scratch[:NBUF]
        ibufs = scratch[NBUF : 2 * NBUF]
        sidx = scratch[2 * NBUF : 3 * NBUF]
        sin = scratch[3 * NBUF : 4 * NBUF]
        sw = scratch[4 * NBUF : 5 * NBUF]
        wid = lax.axis_index("s") * NC + lax.axis_index("c")
        n_t = jnp.where(wid < EXTRA_T, BASE_T + 1, BASE_T)

        def params(t_local):
            t = wid + NW * lax.rem(t_local, n_t)
            s = t // N_CHUNKS
            ch = lax.rem(t, N_CHUNKS)
            c0 = pl.multiple_of(
                jnp.where(ch == N_CHUNKS - 1, LAST_START, ch * CHUNK), 8
            )
            is_ctx = jnp.logical_and(s >= 1, s < 1 + N_CTX_K)
            row = jnp.where(jnp.logical_or(is_ctx, s == 0), 0, s - N_CTX_K)
            ioff = pl.multiple_of(row * N_CLS_K + c0, 8)
            return s, c0, is_ctx, ioff

        def stage_idx(t_local, b):
            _, _, _, ioff = params(t_local)
            pltpu.async_copy(idx_hbm.at[pl.ds(ioff, CHUNK)], ibufs[b], sidx[b])

        def wait_idx(b):
            pltpu.make_async_copy(
                idx_hbm.at[pl.ds(0, CHUNK)], ibufs[b], sidx[b]
            ).wait()

        def issue_main(t_local, b):
            s, _, is_ctx, _ = params(t_local)

            @pl.when(is_ctx)
            def _():
                pltpu.async_copy(
                    ctxb_hbm.at[s - 1], bufs[b].at[pl.ds(0, 8)], sin[b]
                )

            @pl.when(jnp.logical_not(is_ctx))
            def _():
                pltpu.async_copy(table_hbm.at[ibufs[b]], bufs[b], sin[b])

        def wait_main(t_local, b):
            _, _, is_ctx, _ = params(t_local)

            @pl.when(is_ctx)
            def _():
                pltpu.make_async_copy(
                    ctxb_hbm.at[0], bufs[b].at[pl.ds(0, 8)], sin[b]
                ).wait()

            @pl.when(jnp.logical_not(is_ctx))
            def _():
                pltpu.make_async_copy(
                    table_hbm.at[pl.ds(0, CHUNK)], bufs[b], sin[b]
                ).wait()

        def issue_write(t_local, b):
            s, c0, is_ctx, _ = params(t_local)

            @pl.when(is_ctx)
            def _():
                for i in range(CHUNK // 8):
                    pltpu.async_copy(
                        bufs[b].at[pl.ds(0, 8)],
                        out_hbm.at[s, pl.ds(c0 + 8 * i, 8)],
                        sw[b],
                    )

            @pl.when(jnp.logical_not(is_ctx))
            def _():
                pltpu.async_copy(
                    bufs[b], out_hbm.at[s, pl.ds(c0, CHUNK)], sw[b]
                )

        def drain_write(b):
            pltpu.make_async_copy(
                bufs[b], out_hbm.at[0, pl.ds(0, CHUNK)], sw[b]
            ).wait()

        for j in range(4):
            stage_idx(j, j)
        for j in range(3):
            wait_idx(j)
            issue_main(j, j)

        def quad(tt, carry):
            for b in range(NBUF):
                t = tt * NBUF + b
                b3, b4 = (b + 3) % NBUF, (b + 4) % NBUF

                @pl.when(t < n_t)
                def _():
                    wait_main(t, b)
                    issue_write(t, b)

                @pl.when(t + 4 < n_t)
                def _():
                    stage_idx(t + 4, b4)

                @pl.when(t + 3 < n_t)
                def _():
                    wait_idx(b3)

                    @pl.when(t >= 2)
                    def _():
                        drain_write(b3)

                    issue_main(t + 3, b3)
            return carry

        lax.fori_loop(0, ROUNDS // NBUF, quad, 0)
        for b in range(NBUF):
            drain_write(b)

    return sc_kernel


_SC_KERNEL = _make_kernel()


@jax.jit
def kernel(tokenized_prompts, token_embedding, ctx):
    cols = jnp.concatenate(
        [tokenized_prompts[:, :1], tokenized_prompts[:, 1 + N_CTX_K :]], axis=1
    )
    idx = cols.T.reshape(-1)
    ctxb = jnp.broadcast_to(ctx[:, None, :], (N_CTX_K, 8, CTX_DIM_K))
    out_t = _SC_KERNEL(idx, token_embedding, ctxb)
    return jnp.transpose(out_t, (1, 0, 2))

# --- scband reference (transcript-rebuilt; emitter-appended) ---
"""Pipeline reference for scband-clip-test-time-prompt-tuning-17360257811033 (READ-ONLY COPY).

The authoritative reference and input builder live on the scoring server;
editing this copy changes nothing except your own understanding.
"""

import jax, jax.numpy as jnp
import numpy as np

N_CLS = 1000   # ImageNet-scale class set
SEQ = 77       # CLIP context length
N_CTX = 16     # learnable context tokens
CTX_DIM = 512  # ViT-B/16 text width
VOCAB = 49408  # CLIP BPE vocab


def setup_inputs(seed: int = 0) -> dict:
    key = jax.random.key(seed)
    k1, k2, k3 = jax.random.split(key, 3)
    tokenized_prompts = jax.random.randint(k1, (N_CLS, SEQ), 0, VOCAB, dtype=jnp.int32)
    token_embedding = jax.random.normal(k2, (VOCAB, CTX_DIM), dtype=jnp.float32) * 0.02
    ctx = jax.random.normal(k3, (N_CTX, CTX_DIM), dtype=jnp.float32) * 0.02
    return {"tokenized_prompts": tokenized_prompts, "token_embedding": token_embedding, "ctx": ctx}


def reference(tokenized_prompts, token_embedding, ctx):
    # token_embedding lookup (the core SparseCore op):
    # embedding = self.token_embedding(tokenized_prompts)
    embedding = jnp.take(token_embedding, tokenized_prompts, axis=0)  # (n_cls, 77, dim)
    # register_buffer('token_prefix', embedding[:, :1, :])
    prefix = embedding[:, :1, :]
    # register_buffer('token_suffix', embedding[:, 1 + n_ctx:, :])
    suffix = embedding[:, 1 + N_CTX:, :]
    # forward: ctx.dim() == 2 -> expand to (n_cls, n_ctx, dim)
    ctx_e = jnp.broadcast_to(ctx[None, :, :], (N_CLS, N_CTX, CTX_DIM))
    # class_token_position == 'end': cat([prefix, ctx, suffix], dim=-2)
    prompts = jnp.concatenate([prefix, ctx_e, suffix], axis=1)  # (n_cls, 77, dim)
    return prompts

if __name__ == "__main__":
    import jax
    _d = setup_inputs()
    print(jax.jit(kernel)(*tuple(_d.values())))

</pallas_src>

<mosaic_0001>
#map = affine_map<(d0, d1) -> (0)>
#map1 = affine_map<(d0, d1) -> (0, 0)>
#map2 = affine_map<(d0, d1) -> (0, 0, 0)>
module attributes {stable_mosaic.version = 14 : i64} {
  func.func @sc_kernel(%arg0: i32, %arg1: i32, %arg2: memref<61000xi32, #tpu.memory_space<hbm>>, %arg3: memref<49408x512xf32, #tpu.memory_space<hbm>>, %arg4: memref<16x8x512xf32, #tpu.memory_space<hbm>>, %arg5: memref<77x1000x512xf32, #tpu.memory_space<hbm>>, %arg6: memref<48x512xf32, #tpu.memory_space<vmem>>, %arg7: memref<48x512xf32, #tpu.memory_space<vmem>>, %arg8: memref<48x512xf32, #tpu.memory_space<vmem>>, %arg9: memref<48x512xf32, #tpu.memory_space<vmem>>, %arg10: memref<48x512xf32, #tpu.memory_space<vmem>>, %arg11: memref<48xi32, #tpu.memory_space<vmem>>, %arg12: memref<48xi32, #tpu.memory_space<vmem>>, %arg13: memref<48xi32, #tpu.memory_space<vmem>>, %arg14: memref<48xi32, #tpu.memory_space<vmem>>, %arg15: memref<48xi32, #tpu.memory_space<vmem>>, %arg16: memref<!tpu.dma_semaphore, #tpu.memory_space<semaphore_mem>>, %arg17: memref<!tpu.dma_semaphore, #tpu.memory_space<semaphore_mem>>, %arg18: memref<!tpu.dma_semaphore, #tpu.memory_space<semaphore_mem>>, %arg19: memref<!tpu.dma_semaphore, #tpu.memory_space<semaphore_mem>>, %arg20: memref<!tpu.dma_semaphore, #tpu.memory_space<semaphore_mem>>, %arg21: memref<!tpu.dma_semaphore, #tpu.memory_space<semaphore_mem>>, %arg22: memref<!tpu.dma_semaphore, #tpu.memory_space<semaphore_mem>>, %arg23: memref<!tpu.dma_semaphore, #tpu.memory_space<semaphore_mem>>, %arg24: memref<!tpu.dma_semaphore, #tpu.memory_space<semaphore_mem>>, %arg25: memref<!tpu.dma_semaphore, #tpu.memory_space<semaphore_mem>>, %arg26: memref<!tpu.dma_semaphore, #tpu.memory_space<semaphore_mem>>, %arg27: memref<!tpu.dma_semaphore, #tpu.memory_space<semaphore_mem>>, %arg28: memref<!tpu.dma_semaphore, #tpu.memory_space<semaphore_mem>>, %arg29: memref<!tpu.dma_semaphore, #tpu.memory_space<semaphore_mem>>, %arg30: memref<!tpu.dma_semaphore, #tpu.memory_space<semaphore_mem>>) attributes {dimension_semantics = [#tpu.dimension_semantics<core_parallel>, #tpu.dimension_semantics<subcore_parallel>], iteration_bounds = array<i64: 2, 16>, scalar_prefetch = 0 : i64, scratch_operands = 25 : i64, tpu.core_type = #tpu.core_type<sc_vector_subcore>, window_params = [{transform_indices = #map}, {transform_indices = #map1}, {transform_indices = #map2}, {transform_indices = #map2}]} {
    %mul3A = arith.constant 2 : i32
    %mul3A_0 = arith.muli %arg1, %mul3A : i32
    %add3A = arith.addi %mul3A_0, %arg0 : i32
    %lt3A = arith.constant 17 : i32
    %lt3A_1 = arith.cmpi slt, %add3A, %lt3A : i32
    %jit3A = arith.constant 51 : i32
    %jit3A_2 = arith.constant 50 : i32
    %select_n3A = arith.select %lt3A_1, %jit3A, %jit3A_2 : i32
    %rem3A = arith.constant 0 : i32
    %rem3A_3 = arith.remsi %rem3A, %select_n3A : i32
    %mul3A_4 = arith.constant 32 : i32
    %mul3A_5 = arith.muli %mul3A_4, %rem3A_3 : i32
    %add3A_6 = arith.addi %add3A, %mul3A_5 : i32
    %jit3A_7 = arith.constant 21 : i32
    %div3A = arith.divsi %add3A_6, %jit3A_7 : i32
    %sign3A = arith.constant 0 : i32
    %sign3A_8 = arith.cmpi sgt, %add3A_6, %sign3A : i32
    %sign3A_9 = arith.extui %sign3A_8 : i1 to i32
    %sign3A_10 = arith.constant 0 : i32
    %sign3A_11 = arith.cmpi slt, %add3A_6, %sign3A_10 : i32
    %sign3A_12 = arith.extui %sign3A_11 : i1 to i32
    %sign3A_13 = arith.subi %sign3A_9, %sign3A_12 : i32
    %sign3A_14 = arith.constant 0 : i32
    %sign3A_15 = arith.cmpi sgt, %jit3A_7, %sign3A_14 : i32
    %sign3A_16 = arith.extui %sign3A_15 : i1 to i32
    %sign3A_17 = arith.constant 0 : i32
    %sign3A_18 = arith.cmpi slt, %jit3A_7, %sign3A_17 : i32
    %sign3A_19 = arith.extui %sign3A_18 : i1 to i32
    %sign3A_20 = arith.subi %sign3A_16, %sign3A_19 : i32
    %ne3A = arith.cmpi ne, %sign3A_13, %sign3A_20 : i32
    %rem3A_21 = arith.remsi %add3A_6, %jit3A_7 : i32
    %ne3A_22 = arith.constant 0 : i32
    %ne3A_23 = arith.cmpi ne, %rem3A_21, %ne3A_22 : i32
    %and3A = arith.andi %ne3A, %ne3A_23 : i1
    %sub3A = arith.constant 1 : i32
    %sub3A_24 = arith.subi %div3A, %sub3A : i32
    %select_n3A_25 = arith.select %and3A, %sub3A_24, %div3A : i32
    %rem3A_26 = arith.constant 21 : i32
    %rem3A_27 = arith.remsi %add3A_6, %rem3A_26 : i32
    %eq3A = arith.constant 20 : i32
    %eq3A_28 = arith.cmpi eq, %rem3A_27, %eq3A : i32
    %mul3A_29 = arith.constant 48 : i32
    %mul3A_30 = arith.muli %rem3A_27, %mul3A_29 : i32
    %jit3A_31 = arith.constant 952 : i32
    %select_n3A_32 = arith.select %eq3A_28, %jit3A_31, %mul3A_30 : i32
    %multiple_of3A = tpu.assume_multiple %select_n3A_32, 8 : i32
    %ge3A = arith.constant 1 : i32
    %ge3A_33 = arith.cmpi sge, %select_n3A_25, %ge3A : i32
    %lt3A_34 = arith.constant 17 : i32
    %lt3A_35 = arith.cmpi slt, %select_n3A_25, %lt3A_34 : i32
    %and3A_36 = arith.andi %ge3A_33, %lt3A_35 : i1
    %eq3A_37 = arith.constant 0 : i32
    %eq3A_38 = arith.cmpi eq, %select_n3A_25, %eq3A_37 : i32
    %or3A = arith.ori %and3A_36, %eq3A_38 : i1
    %sub3A_39 = arith.constant 16 : i32
    %sub3A_40 = arith.subi %select_n3A_25, %sub3A_39 : i32
    %jit3A_41 = arith.constant 0 : i32
    %select_n3A_42 = arith.select %or3A, %jit3A_41, %sub3A_40 : i32
    %mul3A_43 = arith.constant 1000 : i32
    %mul3A_44 = arith.muli %select_n3A_42, %mul3A_43 : i32
    %add3A_45 = arith.addi %mul3A_44, %multiple_of3A : i32
    %multiple_of3A_46 = tpu.assume_multiple %add3A_45, 8 : i32
    %dma_start3A = tpu.memref_slice %arg2[%multiple_of3A_46] : memref<61000xi32, #tpu.memory_space<hbm>> -> memref<48xi32, #tpu.memory_space<hbm>>
    %dma_start3A_47 = tpu.memref_slice %arg2[%multiple_of3A_46] : memref<61000xi32, #tpu.memory_space<hbm>> -> memref<48xi32, #tpu.memory_space<hbm>>
    tpu.enqueue_dma source(%dma_start3A_47 : memref<48xi32, #tpu.memory_space<hbm>>) target(%arg11 : memref<48xi32, #tpu.memory_space<vmem>>) target_semaphore(%arg16 : memref<!tpu.dma_semaphore, #tpu.memory_space<semaphore_mem>>)
    %rem3A_48 = arith.constant 1 : i32
    %rem3A_49 = arith.remsi %rem3A_48, %select_n3A : i32
    %mul3A_50 = arith.constant 32 : i32
    %mul3A_51 = arith.muli %mul3A_50, %rem3A_49 : i32
    %add3A_52 = arith.addi %add3A, %mul3A_51 : i32
    %jit3A_53 = arith.constant 21 : i32
    %div3A_54 = arith.divsi %add3A_52, %jit3A_53 : i32
    %sign3A_55 = arith.constant 0 : i32
    %sign3A_56 = arith.cmpi sgt, %add3A_52, %sign3A_55 : i32
    %sign3A_57 = arith.extui %sign3A_56 : i1 to i32
    %sign3A_58 = arith.constant 0 : i32
    %sign3A_59 = arith.cmpi slt, %add3A_52, %sign3A_58 : i32
    %sign3A_60 = arith.extui %sign3A_59 : i1 to i32
    %sign3A_61 = arith.subi %sign3A_57, %sign3A_60 : i32
    %sign3A_62 = arith.constant 0 : i32
    %sign3A_63 = arith.cmpi sgt, %jit3A_53, %sign3A_62 : i32
    %sign3A_64 = arith.extui %sign3A_63 : i1 to i32
    %sign3A_65 = arith.constant 0 : i32
    %sign3A_66 = arith.cmpi slt, %jit3A_53, %sign3A_65 : i32
    %sign3A_67 = arith.extui %sign3A_66 : i1 to i32
    %sign3A_68 = arith.subi %sign3A_64, %sign3A_67 : i32
    %ne3A_69 = arith.cmpi ne, %sign3A_61, %sign3A_68 : i32
    %rem3A_70 = arith.remsi %add3A_52, %jit3A_53 : i32
    %ne3A_71 = arith.constant 0 : i32
    %ne3A_72 = arith.cmpi ne, %rem3A_70, %ne3A_71 : i32
    %and3A_73 = arith.andi %ne3A_69, %ne3A_72 : i1
    %sub3A_74 = arith.constant 1 : i32
    %sub3A_75 = arith.subi %div3A_54, %sub3A_74 : i32
    %select_n3A_76 = arith.select %and3A_73, %sub3A_75, %div3A_54 : i32
    %rem3A_77 = arith.constant 21 : i32
    %rem3A_78 = arith.remsi %add3A_52, %rem3A_77 : i32
    %eq3A_79 = arith.constant 20 : i32
    %eq3A_80 = arith.cmpi eq, %rem3A_78, %eq3A_79 : i32
    %mul3A_81 = arith.constant 48 : i32
    %mul3A_82 = arith.muli %rem3A_78, %mul3A_81 : i32
    %jit3A_83 = arith.constant 952 : i32
    %select_n3A_84 = arith.select %eq3A_80, %jit3A_83, %mul3A_82 : i32
    %multiple_of3A_85 = tpu.assume_multiple %select_n3A_84, 8 : i32
    %ge3A_86 = arith.constant 1 : i32
    %ge3A_87 = arith.cmpi sge, %select_n3A_76, %ge3A_86 : i32
    %lt3A_88 = arith.constant 17 : i32
    %lt3A_89 = arith.cmpi slt, %select_n3A_76, %lt3A_88 : i32
    %and3A_90 = arith.andi %ge3A_87, %lt3A_89 : i1
    %eq3A_91 = arith.constant 0 : i32
    %eq3A_92 = arith.cmpi eq, %select_n3A_76, %eq3A_91 : i32
    %or3A_93 = arith.ori %and3A_90, %eq3A_92 : i1
    %sub3A_94 = arith.constant 16 : i32
    %sub3A_95 = arith.subi %select_n3A_76, %sub3A_94 : i32
    %jit3A_96 = arith.constant 0 : i32
    %select_n3A_97 = arith.select %or3A_93, %jit3A_96, %sub3A_95 : i32
    %mul3A_98 = arith.constant 1000 : i32
    %mul3A_99 = arith.muli %select_n3A_97, %mul3A_98 : i32
    %add3A_100 = arith.addi %mul3A_99, %multiple_of3A_85 : i32
    %multiple_of3A_101 = tpu.assume_multiple %add3A_100, 8 : i32
    %dma_start3A_102 = tpu.memref_slice %arg2[%multiple_of3A_101] : memref<61000xi32, #tpu.memory_space<hbm>> -> memref<48xi32, #tpu.memory_space<hbm>>
    %dma_start3A_103 = tpu.memref_slice %arg2[%multiple_of3A_101] : memref<61000xi32, #tpu.memory_space<hbm>> -> memref<48xi32, #tpu.memory_space<hbm>>
    tpu.enqueue_dma source(%dma_start3A_103 : memref<48xi32, #tpu.memory_space<hbm>>) target(%arg12 : memref<48xi32, #tpu.memory_space<vmem>>) target_semaphore(%arg17 : memref<!tpu.dma_semaphore, #tpu.memory_space<semaphore_mem>>)
    %rem3A_104 = arith.constant 2 : i32
    %rem3A_105 = arith.remsi %rem3A_104, %select_n3A : i32
    %mul3A_106 = arith.constant 32 : i32
    %mul3A_107 = arith.muli %mul3A_106, %rem3A_105 : i32
    %add3A_108 = arith.addi %add3A, %mul3A_107 : i32
    %jit3A_109 = arith.constant 21 : i32
    %div3A_110 = arith.divsi %add3A_108, %jit3A_109 : i32
    %sign3A_111 = arith.constant 0 : i32
    %sign3A_112 = arith.cmpi sgt, %add3A_108, %sign3A_111 : i32
    %sign3A_113 = arith.extui %sign3A_112 : i1 to i32
    %sign3A_114 = arith.constant 0 : i32
    %sign3A_115 = arith.cmpi slt, %add3A_108, %sign3A_114 : i32
    %sign3A_116 = arith.extui %sign3A_115 : i1 to i32
    %sign3A_117 = arith.subi %sign3A_113, %sign3A_116 : i32
    %sign3A_118 = arith.constant 0 : i32
    %sign3A_119 = arith.cmpi sgt, %jit3A_109, %sign3A_118 : i32
    %sign3A_120 = arith.extui %sign3A_119 : i1 to i32
    %sign3A_121 = arith.constant 0 : i32
    %sign3A_122 = arith.cmpi slt, %jit3A_109, %sign3A_121 : i32
    %sign3A_123 = arith.extui %sign3A_122 : i1 to i32
    %sign3A_124 = arith.subi %sign3A_120, %sign3A_123 : i32
    %ne3A_125 = arith.cmpi ne, %sign3A_117, %sign3A_124 : i32
    %rem3A_126 = arith.remsi %add3A_108, %jit3A_109 : i32
    %ne3A_127 = arith.constant 0 : i32
    %ne3A_128 = arith.cmpi ne, %rem3A_126, %ne3A_127 : i32
    %and3A_129 = arith.andi %ne3A_125, %ne3A_128 : i1
    %sub3A_130 = arith.constant 1 : i32
    %sub3A_131 = arith.subi %div3A_110, %sub3A_130 : i32
    %select_n3A_132 = arith.select %and3A_129, %sub3A_131, %div3A_110 : i32
    %rem3A_133 = arith.constant 21 : i32
    %rem3A_134 = arith.remsi %add3A_108, %rem3A_133 : i32
    %eq3A_135 = arith.constant 20 : i32
    %eq3A_136 = arith.cmpi eq, %rem3A_134, %eq3A_135 : i32
    %mul3A_137 = arith.constant 48 : i32
    %mul3A_138 = arith.muli %rem3A_134, %mul3A_137 : i32
    %jit3A_139 = arith.constant 952 : i32
    %select_n3A_140 = arith.select %eq3A_136, %jit3A_139, %mul3A_138 : i32
    %multiple_of3A_141 = tpu.assume_multiple %select_n3A_140, 8 : i32
    %ge3A_142 = arith.constant 1 : i32
    %ge3A_143 = arith.cmpi sge, %select_n3A_132, %ge3A_142 : i32
    %lt3A_144 = arith.constant 17 : i32
    %lt3A_145 = arith.cmpi slt, %select_n3A_132, %lt3A_144 : i32
    %and3A_146 = arith.andi %ge3A_143, %lt3A_145 : i1
    %eq3A_147 = arith.constant 0 : i32
    %eq3A_148 = arith.cmpi eq, %select_n3A_132, %eq3A_147 : i32
    %or3A_149 = arith.ori %and3A_146, %eq3A_148 : i1
    %sub3A_150 = arith.constant 16 : i32
    %sub3A_151 = arith.subi %select_n3A_132, %sub3A_150 : i32
    %jit3A_152 = arith.constant 0 : i32
    %select_n3A_153 = arith.select %or3A_149, %jit3A_152, %sub3A_151 : i32
    %mul3A_154 = arith.constant 1000 : i32
    %mul3A_155 = arith.muli %select_n3A_153, %mul3A_154 : i32
    %add3A_156 = arith.addi %mul3A_155, %multiple_of3A_141 : i32
    %multiple_of3A_157 = tpu.assume_multiple %add3A_156, 8 : i32
    %dma_start3A_158 = tpu.memref_slice %arg2[%multiple_of3A_157] : memref<61000xi32, #tpu.memory_space<hbm>> -> memref<48xi32, #tpu.memory_space<hbm>>
    %dma_start3A_159 = tpu.memref_slice %arg2[%multiple_of3A_157] : memref<61000xi32, #tpu.memory_space<hbm>> -> memref<48xi32, #tpu.memory_space<hbm>>
    tpu.enqueue_dma source(%dma_start3A_159 : memref<48xi32, #tpu.memory_space<hbm>>) target(%arg13 : memref<48xi32, #tpu.memory_space<vmem>>) target_semaphore(%arg18 : memref<!tpu.dma_semaphore, #tpu.memory_space<semaphore_mem>>)
    %rem3A_160 = arith.constant 3 : i32
    %rem3A_161 = arith.remsi %rem3A_160, %select_n3A : i32
    %mul3A_162 = arith.constant 32 : i32
    %mul3A_163 = arith.muli %mul3A_162, %rem3A_161 : i32
    %add3A_164 = arith.addi %add3A, %mul3A_163 : i32
    %jit3A_165 = arith.constant 21 : i32
    %div3A_166 = arith.divsi %add3A_164, %jit3A_165 : i32
    %sign3A_167 = arith.constant 0 : i32
    %sign3A_168 = arith.cmpi sgt, %add3A_164, %sign3A_167 : i32
    %sign3A_169 = arith.extui %sign3A_168 : i1 to i32
    %sign3A_170 = arith.constant 0 : i32
    %sign3A_171 = arith.cmpi slt, %add3A_164, %sign3A_170 : i32
    %sign3A_172 = arith.extui %sign3A_171 : i1 to i32
    %sign3A_173 = arith.subi %sign3A_169, %sign3A_172 : i32
    %sign3A_174 = arith.constant 0 : i32
    %sign3A_175 = arith.cmpi sgt, %jit3A_165, %sign3A_174 : i32
    %sign3A_176 = arith.extui %sign3A_175 : i1 to i32
    %sign3A_177 = arith.constant 0 : i32
    %sign3A_178 = arith.cmpi slt, %jit3A_165, %sign3A_177 : i32
    %sign3A_179 = arith.extui %sign3A_178 : i1 to i32
    %sign3A_180 = arith.subi %sign3A_176, %sign3A_179 : i32
    %ne3A_181 = arith.cmpi ne, %sign3A_173, %sign3A_180 : i32
    %rem3A_182 = arith.remsi %add3A_164, %jit3A_165 : i32
    %ne3A_183 = arith.constant 0 : i32
    %ne3A_184 = arith.cmpi ne, %rem3A_182, %ne3A_183 : i32
    %and3A_185 = arith.andi %ne3A_181, %ne3A_184 : i1
    %sub3A_186 = arith.constant 1 : i32
    %sub3A_187 = arith.subi %div3A_166, %sub3A_186 : i32
    %select_n3A_188 = arith.select %and3A_185, %sub3A_187, %div3A_166 : i32
    %rem3A_189 = arith.constant 21 : i32
    %rem3A_190 = arith.remsi %add3A_164, %rem3A_189 : i32
    %eq3A_191 = arith.constant 20 : i32
    %eq3A_192 = arith.cmpi eq, %rem3A_190, %eq3A_191 : i32
    %mul3A_193 = arith.constant 48 : i32
    %mul3A_194 = arith.muli %rem3A_190, %mul3A_193 : i32
    %jit3A_195 = arith.constant 952 : i32
    %select_n3A_196 = arith.select %eq3A_192, %jit3A_195, %mul3A_194 : i32
    %multiple_of3A_197 = tpu.assume_multiple %select_n3A_196, 8 : i32
    %ge3A_198 = arith.constant 1 : i32
    %ge3A_199 = arith.cmpi sge, %select_n3A_188, %ge3A_198 : i32
    %lt3A_200 = arith.constant 17 : i32
    %lt3A_201 = arith.cmpi slt, %select_n3A_188, %lt3A_200 : i32
    %and3A_202 = arith.andi %ge3A_199, %lt3A_201 : i1
    %eq3A_203 = arith.constant 0 : i32
    %eq3A_204 = arith.cmpi eq, %select_n3A_188, %eq3A_203 : i32
    %or3A_205 = arith.ori %and3A_202, %eq3A_204 : i1
    %sub3A_206 = arith.constant 16 : i32
    %sub3A_207 = arith.subi %select_n3A_188, %sub3A_206 : i32
    %jit3A_208 = arith.constant 0 : i32
    %select_n3A_209 = arith.select %or3A_205, %jit3A_208, %sub3A_207 : i32
    %mul3A_210 = arith.constant 1000 : i32
    %mul3A_211 = arith.muli %select_n3A_209, %mul3A_210 : i32
    %add3A_212 = arith.addi %mul3A_211, %multiple_of3A_197 : i32
    %multiple_of3A_213 = tpu.assume_multiple %add3A_212, 8 : i32
    %dma_start3A_214 = tpu.memref_slice %arg2[%multiple_of3A_213] : memref<61000xi32, #tpu.memory_space<hbm>> -> memref<48xi32, #tpu.memory_space<hbm>>
    %dma_start3A_215 = tpu.memref_slice %arg2[%multiple_of3A_213] : memref<61000xi32, #tpu.memory_space<hbm>> -> memref<48xi32, #tpu.memory_space<hbm>>
    tpu.enqueue_dma source(%dma_start3A_215 : memref<48xi32, #tpu.memory_space<hbm>>) target(%arg14 : memref<48xi32, #tpu.memory_space<vmem>>) target_semaphore(%arg19 : memref<!tpu.dma_semaphore, #tpu.memory_space<semaphore_mem>>)
    %dma_wait3A = arith.constant 0 : i32
    %dma_wait3A_216 = tpu.memref_slice %arg2[%dma_wait3A] : memref<61000xi32, #tpu.memory_space<hbm>> -> memref<48xi32, #tpu.memory_space<hbm>>
    %dma_wait3A_217 = arith.constant 0 : i32
    %dma_wait3A_218 = tpu.memref_slice %arg2[%dma_wait3A_217] : memref<61000xi32, #tpu.memory_space<hbm>> -> memref<48xi32, #tpu.memory_space<hbm>>
    tpu.wait_dma2 semaphore(%arg16 : memref<!tpu.dma_semaphore, #tpu.memory_space<semaphore_mem>>) src(%dma_wait3A_218 : memref<48xi32, #tpu.memory_space<hbm>>) dst(%arg11 : memref<48xi32, #tpu.memory_space<vmem>>)
    %rem3A_219 = arith.constant 0 : i32
    %rem3A_220 = arith.remsi %rem3A_219, %select_n3A : i32
    %mul3A_221 = arith.constant 32 : i32
    %mul3A_222 = arith.muli %mul3A_221, %rem3A_220 : i32
    %add3A_223 = arith.addi %add3A, %mul3A_222 : i32
    %jit3A_224 = arith.constant 21 : i32
    %div3A_225 = arith.divsi %add3A_223, %jit3A_224 : i32
    %sign3A_226 = arith.constant 0 : i32
    %sign3A_227 = arith.cmpi sgt, %add3A_223, %sign3A_226 : i32
    %sign3A_228 = arith.extui %sign3A_227 : i1 to i32
    %sign3A_229 = arith.constant 0 : i32
    %sign3A_230 = arith.cmpi slt, %add3A_223, %sign3A_229 : i32
    %sign3A_231 = arith.extui %sign3A_230 : i1 to i32
    %sign3A_232 = arith.subi %sign3A_228, %sign3A_231 : i32
    %sign3A_233 = arith.constant 0 : i32
    %sign3A_234 = arith.cmpi sgt, %jit3A_224, %sign3A_233 : i32
    %sign3A_235 = arith.extui %sign3A_234 : i1 to i32
    %sign3A_236 = arith.constant 0 : i32
    %sign3A_237 = arith.cmpi slt, %jit3A_224, %sign3A_236 : i32
    %sign3A_238 = arith.extui %sign3A_237 : i1 to i32
    %sign3A_239 = arith.subi %sign3A_235, %sign3A_238 : i32
    %ne3A_240 = arith.cmpi ne, %sign3A_232, %sign3A_239 : i32
    %rem3A_241 = arith.remsi %add3A_223, %jit3A_224 : i32
    %ne3A_242 = arith.constant 0 : i32
    %ne3A_243 = arith.cmpi ne, %rem3A_241, %ne3A_242 : i32
    %and3A_244 = arith.andi %ne3A_240, %ne3A_243 : i1
    %sub3A_245 = arith.constant 1 : i32
    %sub3A_246 = arith.subi %div3A_225, %sub3A_245 : i32
    %select_n3A_247 = arith.select %and3A_244, %sub3A_246, %div3A_225 : i32
    %rem3A_248 = arith.constant 21 : i32
    %rem3A_249 = arith.remsi %add3A_223, %rem3A_248 : i32
    %eq3A_250 = arith.constant 20 : i32
    %eq3A_251 = arith.cmpi eq, %rem3A_249, %eq3A_250 : i32
    %mul3A_252 = arith.constant 48 : i32
    %mul3A_253 = arith.muli %rem3A_249, %mul3A_252 : i32
    %jit3A_254 = arith.constant 952 : i32
    %select_n3A_255 = arith.select %eq3A_251, %jit3A_254, %mul3A_253 : i32
    %multiple_of3A_256 = tpu.assume_multiple %select_n3A_255, 8 : i32
    %ge3A_257 = arith.constant 1 : i32
    %ge3A_258 = arith.cmpi sge, %select_n3A_247, %ge3A_257 : i32
    %lt3A_259 = arith.constant 17 : i32
    %lt3A_260 = arith.cmpi slt, %select_n3A_247, %lt3A_259 : i32
    %and3A_261 = arith.andi %ge3A_258, %lt3A_260 : i1
    %eq3A_262 = arith.constant 0 : i32
    %eq3A_263 = arith.cmpi eq, %select_n3A_247, %eq3A_262 : i32
    %or3A_264 = arith.ori %and3A_261, %eq3A_263 : i1
    %sub3A_265 = arith.constant 16 : i32
    %sub3A_266 = arith.subi %select_n3A_247, %sub3A_265 : i32
    %jit3A_267 = arith.constant 0 : i32
    %select_n3A_268 = arith.select %or3A_264, %jit3A_267, %sub3A_266 : i32
    %mul3A_269 = arith.constant 1000 : i32
    %mul3A_270 = arith.muli %select_n3A_268, %mul3A_269 : i32
    %add3A_271 = arith.addi %mul3A_270, %multiple_of3A_256 : i32
    %multiple_of3A_272 = tpu.assume_multiple %add3A_271, 8 : i32
    %convert_element_type3A = arith.extui %and3A_261 : i1 to i32
    %cond3A = arith.constant 0 : i32
    %cond3A_273 = arith.cmpi ne, %convert_element_type3A, %cond3A : i32
    scf.if %cond3A_273 {
      %sub3A_460 = arith.constant 1 : i32
      %sub3A_461 = arith.subi %select_n3A_247, %sub3A_460 : i32
      %dma_start3A_462 = arith.constant 0 : i32
      %dma_start3A_463 = arith.constant 0 : i32
      %dma_start3A_464 = tpu.memref_slice %arg6[%dma_start3A_462, %dma_start3A_463] : memref<48x512xf32, #tpu.memory_space<vmem>> -> memref<8x512xf32, #tpu.memory_space<vmem>>
      %dma_start3A_465 = arith.constant 0 : i32
      %dma_start3A_466 = arith.constant 0 : i32
      %dma_start3A_467 = tpu.memref_slice %arg4[%sub3A_461, %dma_start3A_465, %dma_start3A_466] : memref<16x8x512xf32, #tpu.memory_space<hbm>> -> memref<1x8x512xf32, #tpu.memory_space<hbm>>
      %dma_start3A_468 = tpu.memref_squeeze %dma_start3A_467 : memref<1x8x512xf32, #tpu.memory_space<hbm>> -> memref<8x512xf32, #tpu.memory_space<hbm>>
      %dma_start3A_469 = arith.constant 0 : i32
      %dma_start3A_470 = arith.constant 0 : i32
      %dma_start3A_471 = tpu.memref_slice %arg6[%dma_start3A_469, %dma_start3A_470] : memref<48x512xf32, #tpu.memory_space<vmem>> -> memref<8x512xf32, #tpu.memory_space<vmem>>
      %dma_start3A_472 = arith.constant 0 : i32
      %dma_start3A_473 = arith.constant 0 : i32
      %dma_start3A_474 = tpu.memref_slice %arg4[%sub3A_461, %dma_start3A_472, %dma_start3A_473] : memref<16x8x512xf32, #tpu.memory_space<hbm>> -> memref<1x8x512xf32, #tpu.memory_space<hbm>>
      %dma_start3A_475 = tpu.memref_squeeze %dma_start3A_474 : memref<1x8x512xf32, #tpu.memory_space<hbm>> -> memref<8x512xf32, #tpu.memory_space<hbm>>
      tpu.enqueue_dma source(%dma_start3A_475 : memref<8x512xf32, #tpu.memory_space<hbm>>) target(%dma_start3A_471 : memref<8x512xf32, #tpu.memory_space<vmem>>) target_semaphore(%arg21 : memref<!tpu.dma_semaphore, #tpu.memory_space<semaphore_mem>>)
    } else {
    }
    %not3A = arith.constant true
    %not3A_274 = arith.xori %and3A_261, %not3A : i1
    %convert_element_type3A_275 = arith.extui %not3A_274 : i1 to i32
    %cond3A_276 = arith.constant 0 : i32
    %cond3A_277 = arith.cmpi ne, %convert_element_type3A_275, %cond3A_276 : i32
    scf.if %cond3A_277 {
      %dma_start3A_460 = arith.constant 0 : i32
      %dma_start3A_461 = arith.constant 0 : i32
      %dma_start3A_462 = tpu.memref_slice %arg3[%dma_start3A_460, %dma_start3A_461] : memref<49408x512xf32, #tpu.memory_space<hbm>> -> memref<49408x512xf32, #tpu.memory_space<hbm>>
      tpu.enqueue_indirect_dma source(%dma_start3A_462 : memref<49408x512xf32, #tpu.memory_space<hbm>>) target(%arg6 : memref<48x512xf32, #tpu.memory_space<vmem>>) offsets(%arg11 : memref<48xi32, #tpu.memory_space<vmem>>) semaphore(%arg21 : memref<!tpu.dma_semaphore, #tpu.memory_space<semaphore_mem>>)
    } else {
    }
    %dma_wait3A_278 = arith.constant 0 : i32
    %dma_wait3A_279 = tpu.memref_slice %arg2[%dma_wait3A_278] : memref<61000xi32, #tpu.memory_space<hbm>> -> memref<48xi32, #tpu.memory_space<hbm>>
    %dma_wait3A_280 = arith.constant 0 : i32
    %dma_wait3A_281 = tpu.memref_slice %arg2[%dma_wait3A_280] : memref<61000xi32, #tpu.memory_space<hbm>> -> memref<48xi32, #tpu.memory_space<hbm>>
    tpu.wait_dma2 semaphore(%arg17 : memref<!tpu.dma_semaphore, #tpu.memory_space<semaphore_mem>>) src(%dma_wait3A_281 : memref<48xi32, #tpu.memory_space<hbm>>) dst(%arg12 : memref<48xi32, #tpu.memory_space<vmem>>)
    %rem3A_282 = arith.constant 1 : i32
    %rem3A_283 = arith.remsi %rem3A_282, %select_n3A : i32
    %mul3A_284 = arith.constant 32 : i32
    %mul3A_285 = arith.muli %mul3A_284, %rem3A_283 : i32
    %add3A_286 = arith.addi %add3A, %mul3A_285 : i32
    %jit3A_287 = arith.constant 21 : i32
    %div3A_288 = arith.divsi %add3A_286, %jit3A_287 : i32
    %sign3A_289 = arith.constant 0 : i32
    %sign3A_290 = arith.cmpi sgt, %add3A_286, %sign3A_289 : i32
    %sign3A_291 = arith.extui %sign3A_290 : i1 to i32
    %sign3A_292 = arith.constant 0 : i32
    %sign3A_293 = arith.cmpi slt, %add3A_286, %sign3A_292 : i32
    %sign3A_294 = arith.extui %sign3A_293 : i1 to i32
    %sign3A_295 = arith.subi %sign3A_291, %sign3A_294 : i32
    %sign3A_296 = arith.constant 0 : i32
    %sign3A_297 = arith.cmpi sgt, %jit3A_287, %sign3A_296 : i32
    %sign3A_298 = arith.extui %sign3A_297 : i1 to i32
    %sign3A_299 = arith.constant 0 : i32
    %sign3A_300 = arith.cmpi slt, %jit3A_287, %sign3A_299 : i32
    %sign3A_301 = arith.extui %sign3A_300 : i1 to i32
    %sign3A_302 = arith.subi %sign3A_298, %sign3A_301 : i32
    %ne3A_303 = arith.cmpi ne, %sign3A_295, %sign3A_302 : i32
    %rem3A_304 = arith.remsi %add3A_286, %jit3A_287 : i32
    %ne3A_305 = arith.constant 0 : i32
    %ne3A_306 = arith.cmpi ne, %rem3A_304, %ne3A_305 : i32
    %and3A_307 = arith.andi %ne3A_303, %ne3A_306 : i1
    %sub3A_308 = arith.constant 1 : i32
    %sub3A_309 = arith.subi %div3A_288, %sub3A_308 : i32
    %select_n3A_310 = arith.select %and3A_307, %sub3A_309, %div3A_288 : i32
    %rem3A_311 = arith.constant 21 : i32
    %rem3A_312 = arith.remsi %add3A_286, %rem3A_311 : i32
    %eq3A_313 = arith.constant 20 : i32
    %eq3A_314 = arith.cmpi eq, %rem3A_312, %eq3A_313 : i32
    %mul3A_315 = arith.constant 48 : i32
    %mul3A_316 = arith.muli %rem3A_312, %mul3A_315 : i32
    %jit3A_317 = arith.constant 952 : i32
    %select_n3A_318 = arith.select %eq3A_314, %jit3A_317, %mul3A_316 : i32
    %multiple_of3A_319 = tpu.assume_multiple %select_n3A_318, 8 : i32
    %ge3A_320 = arith.constant 1 : i32
    %ge3A_321 = arith.cmpi sge, %select_n3A_310, %ge3A_320 : i32
    %lt3A_322 = arith.constant 17 : i32
    %lt3A_323 = arith.cmpi slt, %select_n3A_310, %lt3A_322 : i32
    %and3A_324 = arith.andi %ge3A_321, %lt3A_323 : i1
    %eq3A_325 = arith.constant 0 : i32
    %eq3A_326 = arith.cmpi eq, %select_n3A_310, %eq3A_325 : i32
    %or3A_327 = arith.ori %and3A_324, %eq3A_326 : i1
    %sub3A_328 = arith.constant 16 : i32
    %sub3A_329 = arith.subi %select_n3A_310, %sub3A_328 : i32
    %jit3A_330 = arith.constant 0 : i32
    %select_n3A_331 = arith.select %or3A_327, %jit3A_330, %sub3A_329 : i32
    %mul3A_332 = arith.constant 1000 : i32
    %mul3A_333 = arith.muli %select_n3A_331, %mul3A_332 : i32
    %add3A_334 = arith.addi %mul3A_333, %multiple_of3A_319 : i32
    %multiple_of3A_335 = tpu.assume_multiple %add3A_334, 8 : i32
    %convert_element_type3A_336 = arith.extui %and3A_324 : i1 to i32
    %cond3A_337 = arith.constant 0 : i32
    %cond3A_338 = arith.cmpi ne, %convert_element_type3A_336, %cond3A_337 : i32
    scf.if %cond3A_338 {
      %sub3A_460 = arith.constant 1 : i32
      %sub3A_461 = arith.subi %select_n3A_310, %sub3A_460 : i32
      %dma_start3A_462 = arith.constant 0 : i32
      %dma_start3A_463 = arith.constant 0 : i32
      %dma_start3A_464 = tpu.memref_slice %arg7[%dma_start3A_462, %dma_start3A_463] : memref<48x512xf32, #tpu.memory_space<vmem>> -> memref<8x512xf32, #tpu.memory_space<vmem>>
      %dma_start3A_465 = arith.constant 0 : i32
      %dma_start3A_466 = arith.constant 0 : i32
      %dma_start3A_467 = tpu.memref_slice %arg4[%sub3A_461, %dma_start3A_465, %dma_start3A_466] : memref<16x8x512xf32, #tpu.memory_space<hbm>> -> memref<1x8x512xf32, #tpu.memory_space<hbm>>
      %dma_start3A_468 = tpu.memref_squeeze %dma_start3A_467 : memref<1x8x512xf32, #tpu.memory_space<hbm>> -> memref<8x512xf32, #tpu.memory_space<hbm>>
      %dma_start3A_469 = arith.constant 0 : i32
      %dma_start3A_470 = arith.constant 0 : i32
      %dma_start3A_471 = tpu.memref_slice %arg7[%dma_start3A_469, %dma_start3A_470] : memref<48x512xf32, #tpu.memory_space<vmem>> -> memref<8x512xf32, #tpu.memory_space<vmem>>
      %dma_start3A_472 = arith.constant 0 : i32
      %dma_start3A_473 = arith.constant 0 : i32
      %dma_start3A_474 = tpu.memref_slice %arg4[%sub3A_461, %dma_start3A_472, %dma_start3A_473] : memref<16x8x512xf32, #tpu.memory_space<hbm>> -> memref<1x8x512xf32, #tpu.memory_space<hbm>>
      %dma_start3A_475 = tpu.memref_squeeze %dma_start3A_474 : memref<1x8x512xf32, #tpu.memory_space<hbm>> -> memref<8x512xf32, #tpu.memory_space<hbm>>
      tpu.enqueue_dma source(%dma_start3A_475 : memref<8x512xf32, #tpu.memory_space<hbm>>) target(%dma_start3A_471 : memref<8x512xf32, #tpu.memory_space<vmem>>) target_semaphore(%arg22 : memref<!tpu.dma_semaphore, #tpu.memory_space<semaphore_mem>>)
    } else {
    }
    %not3A_339 = arith.constant true
    %not3A_340 = arith.xori %and3A_324, %not3A_339 : i1
    %convert_element_type3A_341 = arith.extui %not3A_340 : i1 to i32
    %cond3A_342 = arith.constant 0 : i32
    %cond3A_343 = arith.cmpi ne, %convert_element_type3A_341, %cond3A_342 : i32
    scf.if %cond3A_343 {
      %dma_start3A_460 = arith.constant 0 : i32
      %dma_start3A_461 = arith.constant 0 : i32
      %dma_start3A_462 = tpu.memref_slice %arg3[%dma_start3A_460, %dma_start3A_461] : memref<49408x512xf32, #tpu.memory_space<hbm>> -> memref<49408x512xf32, #tpu.memory_space<hbm>>
      tpu.enqueue_indirect_dma source(%dma_start3A_462 : memref<49408x512xf32, #tpu.memory_space<hbm>>) target(%arg7 : memref<48x512xf32, #tpu.memory_space<vmem>>) offsets(%arg12 : memref<48xi32, #tpu.memory_space<vmem>>) semaphore(%arg22 : memref<!tpu.dma_semaphore, #tpu.memory_space<semaphore_mem>>)
    } else {
    }
    %dma_wait3A_344 = arith.constant 0 : i32
    %dma_wait3A_345 = tpu.memref_slice %arg2[%dma_wait3A_344] : memref<61000xi32, #tpu.memory_space<hbm>> -> memref<48xi32, #tpu.memory_space<hbm>>
    %dma_wait3A_346 = arith.constant 0 : i32
    %dma_wait3A_347 = tpu.memref_slice %arg2[%dma_wait3A_346] : memref<61000xi32, #tpu.memory_space<hbm>> -> memref<48xi32, #tpu.memory_space<hbm>>
    tpu.wait_dma2 semaphore(%arg18 : memref<!tpu.dma_semaphore, #tpu.memory_space<semaphore_mem>>) src(%dma_wait3A_347 : memref<48xi32, #tpu.memory_space<hbm>>) dst(%arg13 : memref<48xi32, #tpu.memory_space<vmem>>)
    %rem3A_348 = arith.constant 2 : i32
    %rem3A_349 = arith.remsi %rem3A_348, %select_n3A : i32
    %mul3A_350 = arith.constant 32 : i32
    %mul3A_351 = arith.muli %mul3A_350, %rem3A_349 : i32
    %add3A_352 = arith.addi %add3A, %mul3A_351 : i32
    %jit3A_353 = arith.constant 21 : i32
    %div3A_354 = arith.divsi %add3A_352, %jit3A_353 : i32
    %sign3A_355 = arith.constant 0 : i32
    %sign3A_356 = arith.cmpi sgt, %add3A_352, %sign3A_355 : i32
    %sign3A_357 = arith.extui %sign3A_356 : i1 to i32
    %sign3A_358 = arith.constant 0 : i32
    %sign3A_359 = arith.cmpi slt, %add3A_352, %sign3A_358 : i32
    %sign3A_360 = arith.extui %sign3A_359 : i1 to i32
    %sign3A_361 = arith.subi %sign3A_357, %sign3A_360 : i32
    %sign3A_362 = arith.constant 0 : i32
    %sign3A_363 = arith.cmpi sgt, %jit3A_353, %sign3A_362 : i32
    %sign3A_364 = arith.extui %sign3A_363 : i1 to i32
    %sign3A_365 = arith.constant 0 : i32
    %sign3A_366 = arith.cmpi slt, %jit3A_353, %sign3A_365 : i32
    %sign3A_367 = arith.extui %sign3A_366 : i1 to i32
    %sign3A_368 = arith.subi %sign3A_364, %sign3A_367 : i32
    %ne3A_369 = arith.cmpi ne, %sign3A_361, %sign3A_368 : i32
    %rem3A_370 = arith.remsi %add3A_352, %jit3A_353 : i32
    %ne3A_371 = arith.constant 0 : i32
    %ne3A_372 = arith.cmpi ne, %rem3A_370, %ne3A_371 : i32
    %and3A_373 = arith.andi %ne3A_369, %ne3A_372 : i1
    %sub3A_374 = arith.constant 1 : i32
    %sub3A_375 = arith.subi %div3A_354, %sub3A_374 : i32
    %select_n3A_376 = arith.select %and3A_373, %sub3A_375, %div3A_354 : i32
    %rem3A_377 = arith.constant 21 : i32
    %rem3A_378 = arith.remsi %add3A_352, %rem3A_377 : i32
    %eq3A_379 = arith.constant 20 : i32
    %eq3A_380 = arith.cmpi eq, %rem3A_378, %eq3A_379 : i32
    %mul3A_381 = arith.constant 48 : i32
    %mul3A_382 = arith.muli %rem3A_378, %mul3A_381 : i32
    %jit3A_383 = arith.constant 952 : i32
    %select_n3A_384 = arith.select %eq3A_380, %jit3A_383, %mul3A_382 : i32
    %multiple_of3A_385 = tpu.assume_multiple %select_n3A_384, 8 : i32
    %ge3A_386 = arith.constant 1 : i32
    %ge3A_387 = arith.cmpi sge, %select_n3A_376, %ge3A_386 : i32
    %lt3A_388 = arith.constant 17 : i32
    %lt3A_389 = arith.cmpi slt, %select_n3A_376, %lt3A_388 : i32
    %and3A_390 = arith.andi %ge3A_387, %lt3A_389 : i1
    %eq3A_391 = arith.constant 0 : i32
    %eq3A_392 = arith.cmpi eq, %select_n3A_376, %eq3A_391 : i32
    %or3A_393 = arith.ori %and3A_390, %eq3A_392 : i1
    %sub3A_394 = arith.constant 16 : i32
    %sub3A_395 = arith.subi %select_n3A_376, %sub3A_394 : i32
    %jit3A_396 = arith.constant 0 : i32
    %select_n3A_397 = arith.select %or3A_393, %jit3A_396, %sub3A_395 : i32
    %mul3A_398 = arith.constant 1000 : i32
    %mul3A_399 = arith.muli %select_n3A_397, %mul3A_398 : i32
    %add3A_400 = arith.addi %mul3A_399, %multiple_of3A_385 : i32
    %multiple_of3A_401 = tpu.assume_multiple %add3A_400, 8 : i32
    %convert_element_type3A_402 = arith.extui %and3A_390 : i1 to i32
    %cond3A_403 = arith.constant 0 : i32
    %cond3A_404 = arith.cmpi ne, %convert_element_type3A_402, %cond3A_403 : i32
    scf.if %cond3A_404 {
      %sub3A_460 = arith.constant 1 : i32
      %sub3A_461 = arith.subi %select_n3A_376, %sub3A_460 : i32
      %dma_start3A_462 = arith.constant 0 : i32
      %dma_start3A_463 = arith.constant 0 : i32
      %dma_start3A_464 = tpu.memref_slice %arg8[%dma_start3A_462, %dma_start3A_463] : memref<48x512xf32, #tpu.memory_space<vmem>> -> memref<8x512xf32, #tpu.memory_space<vmem>>
      %dma_start3A_465 = arith.constant 0 : i32
      %dma_start3A_466 = arith.constant 0 : i32
      %dma_start3A_467 = tpu.memref_slice %arg4[%sub3A_461, %dma_start3A_465, %dma_start3A_466] : memref<16x8x512xf32, #tpu.memory_space<hbm>> -> memref<1x8x512xf32, #tpu.memory_space<hbm>>
      %dma_start3A_468 = tpu.memref_squeeze %dma_start3A_467 : memref<1x8x512xf32, #tpu.memory_space<hbm>> -> memref<8x512xf32, #tpu.memory_space<hbm>>
      %dma_start3A_469 = arith.constant 0 : i32
      %dma_start3A_470 = arith.constant 0 : i32
      %dma_start3A_471 = tpu.memref_slice %arg8[%dma_start3A_469, %dma_start3A_470] : memref<48x512xf32, #tpu.memory_space<vmem>> -> memref<8x512xf32, #tpu.memory_space<vmem>>
      %dma_start3A_472 = arith.constant 0 : i32
      %dma_start3A_473 = arith.constant 0 : i32
      %dma_start3A_474 = tpu.memref_slice %arg4[%sub3A_461, %dma_start3A_472, %dma_start3A_473] : memref<16x8x512xf32, #tpu.memory_space<hbm>> -> memref<1x8x512xf32, #tpu.memory_space<hbm>>
      %dma_start3A_475 = tpu.memref_squeeze %dma_start3A_474 : memref<1x8x512xf32, #tpu.memory_space<hbm>> -> memref<8x512xf32, #tpu.memory_space<hbm>>
      tpu.enqueue_dma source(%dma_start3A_475 : memref<8x512xf32, #tpu.memory_space<hbm>>) target(%dma_start3A_471 : memref<8x512xf32, #tpu.memory_space<vmem>>) target_semaphore(%arg23 : memref<!tpu.dma_semaphore, #tpu.memory_space<semaphore_mem>>)
    } else {
    }
    %not3A_405 = arith.constant true
    %not3A_406 = arith.xori %and3A_390, %not3A_405 : i1
    %convert_element_type3A_407 = arith.extui %not3A_406 : i1 to i32
    %cond3A_408 = arith.constant 0 : i32
    %cond3A_409 = arith.cmpi ne, %convert_element_type3A_407, %cond3A_408 : i32
    scf.if %cond3A_409 {
      %dma_start3A_460 = arith.constant 0 : i32
      %dma_start3A_461 = arith.constant 0 : i32
      %dma_start3A_462 = tpu.memref_slice %arg3[%dma_start3A_460, %dma_start3A_461] : memref<49408x512xf32, #tpu.memory_space<hbm>> -> memref<49408x512xf32, #tpu.memory_space<hbm>>
      tpu.enqueue_indirect_dma source(%dma_start3A_462 : memref<49408x512xf32, #tpu.memory_space<hbm>>) target(%arg8 : memref<48x512xf32, #tpu.memory_space<vmem>>) offsets(%arg13 : memref<48xi32, #tpu.memory_space<vmem>>) semaphore(%arg23 : memref<!tpu.dma_semaphore, #tpu.memory_space<semaphore_mem>>)
    } else {
    }
    %scan3A = arith.constant 0 : i32
    %scan3A_410 = arith.constant 0 : i32
    %scan3A_411 = arith.constant 11 : i32
    %scan3A_412 = arith.addi %scan3A_410, %scan3A_411 : i32
    %scan3A_413 = arith.constant 1 : i32
    scf.for %scan3A_460 = %scan3A_410 to %scan3A_412 step %scan3A_413  : i32 {
      %mul3A_461 = arith.constant 5 : i32
      %mul3A_462 = arith.muli %scan3A_460, %mul3A_461 : i32
      %add3A_463 = arith.constant 0 : i32
      %add3A_464 = arith.addi %mul3A_462, %add3A_463 : i32
      %lt3A_465 = arith.cmpi slt, %add3A_464, %select_n3A : i32
      %convert_element_type3A_466 = arith.extui %lt3A_465 : i1 to i32
      %cond3A_467 = arith.constant 0 : i32
      %cond3A_468 = arith.cmpi ne, %convert_element_type3A_466, %cond3A_467 : i32
      scf.if %cond3A_468 {
        %rem3A_561 = arith.remsi %add3A_464, %select_n3A : i32
        %mul3A_562 = arith.constant 32 : i32
        %mul3A_563 = arith.muli %mul3A_562, %rem3A_561 : i32
        %add3A_564 = arith.addi %add3A, %mul3A_563 : i32
        %jit3A_565 = arith.constant 21 : i32
        %div3A_566 = arith.divsi %add3A_564, %jit3A_565 : i32
        %sign3A_567 = arith.constant 0 : i32
        %sign3A_568 = arith.cmpi sgt, %add3A_564, %sign3A_567 : i32
        %sign3A_569 = arith.extui %sign3A_568 : i1 to i32
        %sign3A_570 = arith.constant 0 : i32
        %sign3A_571 = arith.cmpi slt, %add3A_564, %sign3A_570 : i32
        %sign3A_572 = arith.extui %sign3A_571 : i1 to i32
        %sign3A_573 = arith.subi %sign3A_569, %sign3A_572 : i32
        %sign3A_574 = arith.constant 0 : i32
        %sign3A_575 = arith.cmpi sgt, %jit3A_565, %sign3A_574 : i32
        %sign3A_576 = arith.extui %sign3A_575 : i1 to i32
        %sign3A_577 = arith.constant 0 : i32
        %sign3A_578 = arith.cmpi slt, %jit3A_565, %sign3A_577 : i32
        %sign3A_579 = arith.extui %sign3A_578 : i1 to i32
        %sign3A_580 = arith.subi %sign3A_576, %sign3A_579 : i32
        %ne3A_581 = arith.cmpi ne, %sign3A_573, %sign3A_580 : i32
        %rem3A_582 = arith.remsi %add3A_564, %jit3A_565 : i32
        %ne3A_583 = arith.constant 0 : i32
        %ne3A_584 = arith.cmpi ne, %rem3A_582, %ne3A_583 : i32
        %and3A_585 = arith.andi %ne3A_581, %ne3A_584 : i1
        %sub3A_586 = arith.constant 1 : i32
        %sub3A_587 = arith.subi %div3A_566, %sub3A_586 : i32
        %select_n3A_588 = arith.select %and3A_585, %sub3A_587, %div3A_566 : i32
        %rem3A_589 = arith.constant 21 : i32
        %rem3A_590 = arith.remsi %add3A_564, %rem3A_589 : i32
        %eq3A_591 = arith.constant 20 : i32
        %eq3A_592 = arith.cmpi eq, %rem3A_590, %eq3A_591 : i32
        %mul3A_593 = arith.constant 48 : i32
        %mul3A_594 = arith.muli %rem3A_590, %mul3A_593 : i32
        %jit3A_595 = arith.constant 952 : i32
        %select_n3A_596 = arith.select %eq3A_592, %jit3A_595, %mul3A_594 : i32
        %multiple_of3A_597 = tpu.assume_multiple %select_n3A_596, 8 : i32
        %ge3A_598 = arith.constant 1 : i32
        %ge3A_599 = arith.cmpi sge, %select_n3A_588, %ge3A_598 : i32
        %lt3A_600 = arith.constant 17 : i32
        %lt3A_601 = arith.cmpi slt, %select_n3A_588, %lt3A_600 : i32
        %and3A_602 = arith.andi %ge3A_599, %lt3A_601 : i1
        %eq3A_603 = arith.constant 0 : i32
        %eq3A_604 = arith.cmpi eq, %select_n3A_588, %eq3A_603 : i32
        %or3A_605 = arith.ori %and3A_602, %eq3A_604 : i1
        %sub3A_606 = arith.constant 16 : i32
        %sub3A_607 = arith.subi %select_n3A_588, %sub3A_606 : i32
        %jit3A_608 = arith.constant 0 : i32
        %select_n3A_609 = arith.select %or3A_605, %jit3A_608, %sub3A_607 : i32
        %mul3A_610 = arith.constant 1000 : i32
        %mul3A_611 = arith.muli %select_n3A_609, %mul3A_610 : i32
        %add3A_612 = arith.addi %mul3A_611, %multiple_of3A_597 : i32
        %multiple_of3A_613 = tpu.assume_multiple %add3A_612, 8 : i32
        %convert_element_type3A_614 = arith.extui %and3A_602 : i1 to i32
        %cond3A_615 = arith.constant 0 : i32
        %cond3A_616 = arith.cmpi ne, %convert_element_type3A_614, %cond3A_615 : i32
        scf.if %cond3A_616 {
          %dma_wait3A_683 = arith.constant 0 : i32
          %dma_wait3A_684 = arith.constant 0 : i32
          %dma_wait3A_685 = arith.constant 0 : i32
          %dma_wait3A_686 = tpu.memref_slice %arg6[%dma_wait3A_684, %dma_wait3A_685] : memref<48x512xf32, #tpu.memory_space<vmem>> -> memref<8x512xf32, #tpu.memory_space<vmem>>
          %dma_wait3A_687 = arith.constant 0 : i32
          %dma_wait3A_688 = arith.constant 0 : i32
          %dma_wait3A_689 = tpu.memref_slice %arg4[%dma_wait3A_683, %dma_wait3A_687, %dma_wait3A_688] : memref<16x8x512xf32, #tpu.memory_space<hbm>> -> memref<1x8x512xf32, #tpu.memory_space<hbm>>
          %dma_wait3A_690 = tpu.memref_squeeze %dma_wait3A_689 : memref<1x8x512xf32, #tpu.memory_space<hbm>> -> memref<8x512xf32, #tpu.memory_space<hbm>>
          %dma_wait3A_691 = arith.constant 0 : i32
          %dma_wait3A_692 = arith.constant 0 : i32
          %dma_wait3A_693 = tpu.memref_slice %arg6[%dma_wait3A_691, %dma_wait3A_692] : memref<48x512xf32, #tpu.memory_space<vmem>> -> memref<8x512xf32, #tpu.memory_space<vmem>>
          %dma_wait3A_694 = arith.constant 0 : i32
          %dma_wait3A_695 = arith.constant 0 : i32
          %dma_wait3A_696 = tpu.memref_slice %arg4[%dma_wait3A_683, %dma_wait3A_694, %dma_wait3A_695] : memref<16x8x512xf32, #tpu.memory_space<hbm>> -> memref<1x8x512xf32, #tpu.memory_space<hbm>>
          %dma_wait3A_697 = tpu.memref_squeeze %dma_wait3A_696 : memref<1x8x512xf32, #tpu.memory_space<hbm>> -> memref<8x512xf32, #tpu.memory_space<hbm>>
          tpu.wait_dma2 semaphore(%arg21 : memref<!tpu.dma_semaphore, #tpu.memory_space<semaphore_mem>>) src(%dma_wait3A_697 : memref<8x512xf32, #tpu.memory_space<hbm>>) dst(%dma_wait3A_693 : memref<8x512xf32, #tpu.memory_space<vmem>>)
        } else {
        }
        %not3A_617 = arith.constant true
        %not3A_618 = arith.xori %and3A_602, %not3A_617 : i1
        %convert_element_type3A_619 = arith.extui %not3A_618 : i1 to i32
        %cond3A_620 = arith.constant 0 : i32
        %cond3A_621 = arith.cmpi ne, %convert_element_type3A_619, %cond3A_620 : i32
        scf.if %cond3A_621 {
          %dma_wait3A_683 = arith.constant 0 : i32
          %dma_wait3A_684 = arith.constant 0 : i32
          %dma_wait3A_685 = tpu.memref_slice %arg3[%dma_wait3A_683, %dma_wait3A_684] : memref<49408x512xf32, #tpu.memory_space<hbm>> -> memref<48x512xf32, #tpu.memory_space<hbm>>
          %dma_wait3A_686 = arith.constant 0 : i32
          %dma_wait3A_687 = arith.constant 0 : i32
          %dma_wait3A_688 = tpu.memref_slice %arg3[%dma_wait3A_686, %dma_wait3A_687] : memref<49408x512xf32, #tpu.memory_space<hbm>> -> memref<48x512xf32, #tpu.memory_space<hbm>>
          tpu.wait_dma2 semaphore(%arg21 : memref<!tpu.dma_semaphore, #tpu.memory_space<semaphore_mem>>) src(%dma_wait3A_688 : memref<48x512xf32, #tpu.memory_space<hbm>>) dst(%arg6 : memref<48x512xf32, #tpu.memory_space<vmem>>)
        } else {
        }
        %rem3A_622 = arith.remsi %add3A_464, %select_n3A : i32
        %mul3A_623 = arith.constant 32 : i32
        %mul3A_624 = arith.muli %mul3A_623, %rem3A_622 : i32
        %add3A_625 = arith.addi %add3A, %mul3A_624 : i32
        %jit3A_626 = arith.constant 21 : i32
        %div3A_627 = arith.divsi %add3A_625, %jit3A_626 : i32
        %sign3A_628 = arith.constant 0 : i32
        %sign3A_629 = arith.cmpi sgt, %add3A_625, %sign3A_628 : i32
        %sign3A_630 = arith.extui %sign3A_629 : i1 to i32
        %sign3A_631 = arith.constant 0 : i32
        %sign3A_632 = arith.cmpi slt, %add3A_625, %sign3A_631 : i32
        %sign3A_633 = arith.extui %sign3A_632 : i1 to i32
        %sign3A_634 = arith.subi %sign3A_630, %sign3A_633 : i32
        %sign3A_635 = arith.constant 0 : i32
        %sign3A_636 = arith.cmpi sgt, %jit3A_626, %sign3A_635 : i32
        %sign3A_637 = arith.extui %sign3A_636 : i1 to i32
        %sign3A_638 = arith.constant 0 : i32
        %sign3A_639 = arith.cmpi slt, %jit3A_626, %sign3A_638 : i32
        %sign3A_640 = arith.extui %sign3A_639 : i1 to i32
        %sign3A_641 = arith.subi %sign3A_637, %sign3A_640 : i32
        %ne3A_642 = arith.cmpi ne, %sign3A_634, %sign3A_641 : i32
        %rem3A_643 = arith.remsi %add3A_625, %jit3A_626 : i32
        %ne3A_644 = arith.constant 0 : i32
        %ne3A_645 = arith.cmpi ne, %rem3A_643, %ne3A_644 : i32
        %and3A_646 = arith.andi %ne3A_642, %ne3A_645 : i1
        %sub3A_647 = arith.constant 1 : i32
        %sub3A_648 = arith.subi %div3A_627, %sub3A_647 : i32
        %select_n3A_649 = arith.select %and3A_646, %sub3A_648, %div3A_627 : i32
        %rem3A_650 = arith.constant 21 : i32
        %rem3A_651 = arith.remsi %add3A_625, %rem3A_650 : i32
        %eq3A_652 = arith.constant 20 : i32
        %eq3A_653 = arith.cmpi eq, %rem3A_651, %eq3A_652 : i32
        %mul3A_654 = arith.constant 48 : i32
        %mul3A_655 = arith.muli %rem3A_651, %mul3A_654 : i32
        %jit3A_656 = arith.constant 952 : i32
        %select_n3A_657 = arith.select %eq3A_653, %jit3A_656, %mul3A_655 : i32
        %multiple_of3A_658 = tpu.assume_multiple %select_n3A_657, 8 : i32
        %ge3A_659 = arith.constant 1 : i32
        %ge3A_660 = arith.cmpi sge, %select_n3A_649, %ge3A_659 : i32
        %lt3A_661 = arith.constant 17 : i32
        %lt3A_662 = arith.cmpi slt, %select_n3A_649, %lt3A_661 : i32
        %and3A_663 = arith.andi %ge3A_660, %lt3A_662 : i1
        %eq3A_664 = arith.constant 0 : i32
        %eq3A_665 = arith.cmpi eq, %select_n3A_649, %eq3A_664 : i32
        %or3A_666 = arith.ori %and3A_663, %eq3A_665 : i1
        %sub3A_667 = arith.constant 16 : i32
        %sub3A_668 = arith.subi %select_n3A_649, %sub3A_667 : i32
        %jit3A_669 = arith.constant 0 : i32
        %select_n3A_670 = arith.select %or3A_666, %jit3A_669, %sub3A_668 : i32
        %mul3A_671 = arith.constant 1000 : i32
        %mul3A_672 = arith.muli %select_n3A_670, %mul3A_671 : i32
        %add3A_673 = arith.addi %mul3A_672, %multiple_of3A_658 : i32
        %multiple_of3A_674 = tpu.assume_multiple %add3A_673, 8 : i32
        %convert_element_type3A_675 = arith.extui %and3A_663 : i1 to i32
        %cond3A_676 = arith.constant 0 : i32
        %cond3A_677 = arith.cmpi ne, %convert_element_type3A_675, %cond3A_676 : i32
        scf.if %cond3A_677 {
          %add3A_683 = arith.constant 0 : i32
          %add3A_684 = arith.addi %multiple_of3A_658, %add3A_683 : i32
          %dma_start3A_685 = arith.constant 0 : i32
          %dma_start3A_686 = arith.constant 0 : i32
          %dma_start3A_687 = tpu.memref_slice %arg6[%dma_start3A_685, %dma_start3A_686] : memref<48x512xf32, #tpu.memory_space<vmem>> -> memref<8x512xf32, #tpu.memory_space<vmem>>
          %dma_start3A_688 = arith.constant 0 : i32
          %dma_start3A_689 = tpu.memref_slice %arg5[%select_n3A_649, %add3A_684, %dma_start3A_688] : memref<77x1000x512xf32, #tpu.memory_space<hbm>> -> memref<1x8x512xf32, #tpu.memory_space<hbm>>
          %dma_start3A_690 = tpu.memref_squeeze %dma_start3A_689 : memref<1x8x512xf32, #tpu.memory_space<hbm>> -> memref<8x512xf32, #tpu.memory_space<hbm>>
          %dma_start3A_691 = arith.constant 0 : i32
          %dma_start3A_692 = tpu.memref_slice %arg5[%select_n3A_649, %add3A_684, %dma_start3A_691] : memref<77x1000x512xf32, #tpu.memory_space<hbm>> -> memref<1x8x512xf32, #tpu.memory_space<hbm>>
          %dma_start3A_693 = tpu.memref_squeeze %dma_start3A_692 : memref<1x8x512xf32, #tpu.memory_space<hbm>> -> memref<8x512xf32, #tpu.memory_space<hbm>>
          %dma_start3A_694 = arith.constant 0 : i32
          %dma_start3A_695 = arith.constant 0 : i32
          %dma_start3A_696 = tpu.memref_slice %arg6[%dma_start3A_694, %dma_start3A_695] : memref<48x512xf32, #tpu.memory_space<vmem>> -> memref<8x512xf32, #tpu.memory_space<vmem>>
          tpu.enqueue_dma source(%dma_start3A_696 : memref<8x512xf32, #tpu.memory_space<vmem>>) target(%dma_start3A_693 : memref<8x512xf32, #tpu.memory_space<hbm>>) target_semaphore(%arg26 : memref<!tpu.dma_semaphore, #tpu.memory_space<semaphore_mem>>)
          %add3A_697 = arith.constant 8 : i32
          %add3A_698 = arith.addi %multiple_of3A_658, %add3A_697 : i32
          %dma_start3A_699 = arith.constant 0 : i32
          %dma_start3A_700 = arith.constant 0 : i32
          %dma_start3A_701 = tpu.memref_slice %arg6[%dma_start3A_699, %dma_start3A_700] : memref<48x512xf32, #tpu.memory_space<vmem>> -> memref<8x512xf32, #tpu.memory_space<vmem>>
          %dma_start3A_702 = arith.constant 0 : i32
          %dma_start3A_703 = tpu.memref_slice %arg5[%select_n3A_649, %add3A_698, %dma_start3A_702] : memref<77x1000x512xf32, #tpu.memory_space<hbm>> -> memref<1x8x512xf32, #tpu.memory_space<hbm>>
          %dma_start3A_704 = tpu.memref_squeeze %dma_start3A_703 : memref<1x8x512xf32, #tpu.memory_space<hbm>> -> memref<8x512xf32, #tpu.memory_space<hbm>>
          %dma_start3A_705 = arith.constant 0 : i32
          %dma_start3A_706 = tpu.memref_slice %arg5[%select_n3A_649, %add3A_698, %dma_start3A_705] : memref<77x1000x512xf32, #tpu.memory_space<hbm>> -> memref<1x8x512xf32, #tpu.memory_space<hbm>>
          %dma_start3A_707 = tpu.memref_squeeze %dma_start3A_706 : memref<1x8x512xf32, #tpu.memory_space<hbm>> -> memref<8x512xf32, #tpu.memory_space<hbm>>
          %dma_start3A_708 = arith.constant 0 : i32
          %dma_start3A_709 = arith.constant 0 : i32
          %dma_start3A_710 = tpu.memref_slice %arg6[%dma_start3A_708, %dma_start3A_709] : memref<48x512xf32, #tpu.memory_space<vmem>> -> memref<8x512xf32, #tpu.memory_space<vmem>>
          tpu.enqueue_dma source(%dma_start3A_710 : memref<8x512xf32, #tpu.memory_space<vmem>>) target(%dma_start3A_707 : memref<8x512xf32, #tpu.memory_space<hbm>>) target_semaphore(%arg26 : memref<!tpu.dma_semaphore, #tpu.memory_space<semaphore_mem>>)
          %add3A_711 = arith.constant 16 : i32
          %add3A_712 = arith.addi %multiple_of3A_658, %add3A_711 : i32
          %dma_start3A_713 = arith.constant 0 : i32
          %dma_start3A_714 = arith.constant 0 : i32
          %dma_start3A_715 = tpu.memref_slice %arg6[%dma_start3A_713, %dma_start3A_714] : memref<48x512xf32, #tpu.memory_space<vmem>> -> memref<8x512xf32, #tpu.memory_space<vmem>>
          %dma_start3A_716 = arith.constant 0 : i32
          %dma_start3A_717 = tpu.memref_slice %arg5[%select_n3A_649, %add3A_712, %dma_start3A_716] : memref<77x1000x512xf32, #tpu.memory_space<hbm>> -> memref<1x8x512xf32, #tpu.memory_space<hbm>>
          %dma_start3A_718 = tpu.memref_squeeze %dma_start3A_717 : memref<1x8x512xf32, #tpu.memory_space<hbm>> -> memref<8x512xf32, #tpu.memory_space<hbm>>
          %dma_start3A_719 = arith.constant 0 : i32
          %dma_start3A_720 = tpu.memref_slice %arg5[%select_n3A_649, %add3A_712, %dma_start3A_719] : memref<77x1000x512xf32, #tpu.memory_space<hbm>> -> memref<1x8x512xf32, #tpu.memory_space<hbm>>
          %dma_start3A_721 = tpu.memref_squeeze %dma_start3A_720 : memref<1x8x512xf32, #tpu.memory_space<hbm>> -> memref<8x512xf32, #tpu.memory_space<hbm>>
          %dma_start3A_722 = arith.constant 0 : i32
          %dma_start3A_723 = arith.constant 0 : i32
          %dma_start3A_724 = tpu.memref_slice %arg6[%dma_start3A_722, %dma_start3A_723] : memref<48x512xf32, #tpu.memory_space<vmem>> -> memref<8x512xf32, #tpu.memory_space<vmem>>
          tpu.enqueue_dma source(%dma_start3A_724 : memref<8x512xf32, #tpu.memory_space<vmem>>) target(%dma_start3A_721 : memref<8x512xf32, #tpu.memory_space<hbm>>) target_semaphore(%arg26 : memref<!tpu.dma_semaphore, #tpu.memory_space<semaphore_mem>>)
          %add3A_725 = arith.constant 24 : i32
          %add3A_726 = arith.addi %multiple_of3A_658, %add3A_725 : i32
          %dma_start3A_727 = arith.constant 0 : i32
          %dma_start3A_728 = arith.constant 0 : i32
          %dma_start3A_729 = tpu.memref_slice %arg6[%dma_start3A_727, %dma_start3A_728] : memref<48x512xf32, #tpu.memory_space<vmem>> -> memref<8x512xf32, #tpu.memory_space<vmem>>
          %dma_start3A_730 = arith.constant 0 : i32
          %dma_start3A_731 = tpu.memref_slice %arg5[%select_n3A_649, %add3A_726, %dma_start3A_730] : memref<77x1000x512xf32, #tpu.memory_space<hbm>> -> memref<1x8x512xf32, #tpu.memory_space<hbm>>
          %dma_start3A_732 = tpu.memref_squeeze %dma_start3A_731 : memref<1x8x512xf32, #tpu.memory_space<hbm>> -> memref<8x512xf32, #tpu.memory_space<hbm>>
          %dma_start3A_733 = arith.constant 0 : i32
          %dma_start3A_734 = tpu.memref_slice %arg5[%select_n3A_649, %add3A_726, %dma_start3A_733] : memref<77x1000x512xf32, #tpu.memory_space<hbm>> -> memref<1x8x512xf32, #tpu.memory_space<hbm>>
          %dma_start3A_735 = tpu.memref_squeeze %dma_start3A_734 : memref<1x8x512xf32, #tpu.memory_space<hbm>> -> memref<8x512xf32, #tpu.memory_space<hbm>>
          %dma_start3A_736 = arith.constant 0 : i32
          %dma_start3A_737 = arith.constant 0 : i32
          %dma_start3A_738 = tpu.memref_slice %arg6[%dma_start3A_736, %dma_start3A_737] : memref<48x512xf32, #tpu.memory_space<vmem>> -> memref<8x512xf32, #tpu.memory_space<vmem>>
          tpu.enqueue_dma source(%dma_start3A_738 : memref<8x512xf32, #tpu.memory_space<vmem>>) target(%dma_start3A_735 : memref<8x512xf32, #tpu.memory_space<hbm>>) target_semaphore(%arg26 : memref<!tpu.dma_semaphore, #tpu.memory_space<semaphore_mem>>)
          %add3A_739 = arith.constant 32 : i32
          %add3A_740 = arith.addi %multiple_of3A_658, %add3A_739 : i32
          %dma_start3A_741 = arith.constant 0 : i32
          %dma_start3A_742 = arith.constant 0 : i32
          %dma_start3A_743 = tpu.memref_slice %arg6[%dma_start3A_741, %dma_start3A_742] : memref<48x512xf32, #tpu.memory_space<vmem>> -> memref<8x512xf32, #tpu.memory_space<vmem>>
          %dma_start3A_744 = arith.constant 0 : i32
          %dma_start3A_745 = tpu.memref_slice %arg5[%select_n3A_649, %add3A_740, %dma_start3A_744] : memref<77x1000x512xf32, #tpu.memory_space<hbm>> -> memref<1x8x512xf32, #tpu.memory_space<hbm>>
          %dma_start3A_746 = tpu.memref_squeeze %dma_start3A_745 : memref<1x8x512xf32, #tpu.memory_space<hbm>> -> memref<8x512xf32, #tpu.memory_space<hbm>>
          %dma_start3A_747 = arith.constant 0 : i32
          %dma_start3A_748 = tpu.memref_slice %arg5[%select_n3A_649, %add3A_740, %dma_start3A_747] : memref<77x1000x512xf32, #tpu.memory_space<hbm>> -> memref<1x8x512xf32, #tpu.memory_space<hbm>>
          %dma_start3A_749 = tpu.memref_squeeze %dma_start3A_748 : memref<1x8x512xf32, #tpu.memory_space<hbm>> -> memref<8x512xf32, #tpu.memory_space<hbm>>
          %dma_start3A_750 = arith.constant 0 : i32
          %dma_start3A_751 = arith.constant 0 : i32
          %dma_start3A_752 = tpu.memref_slice %arg6[%dma_start3A_750, %dma_start3A_751] : memref<48x512xf32, #tpu.memory_space<vmem>> -> memref<8x512xf32, #tpu.memory_space<vmem>>
          tpu.enqueue_dma source(%dma_start3A_752 : memref<8x512xf32, #tpu.memory_space<vmem>>) target(%dma_start3A_749 : memref<8x512xf32, #tpu.memory_space<hbm>>) target_semaphore(%arg26 : memref<!tpu.dma_semaphore, #tpu.memory_space<semaphore_mem>>)
          %add3A_753 = arith.constant 40 : i32
          %add3A_754 = arith.addi %multiple_of3A_658, %add3A_753 : i32
          %dma_start3A_755 = arith.constant 0 : i32
          %dma_start3A_756 = arith.constant 0 : i32
          %dma_start3A_757 = tpu.memref_slice %arg6[%dma_start3A_755, %dma_start3A_756] : memref<48x512xf32, #tpu.memory_space<vmem>> -> memref<8x512xf32, #tpu.memory_space<vmem>>
          %dma_start3A_758 = arith.constant 0 : i32
          %dma_start3A_759 = tpu.memref_slice %arg5[%select_n3A_649, %add3A_754, %dma_start3A_758] : memref<77x1000x512xf32, #tpu.memory_space<hbm>> -> memref<1x8x512xf32, #tpu.memory_space<hbm>>
          %dma_start3A_760 = tpu.memref_squeeze %dma_start3A_759 : memref<1x8x512xf32, #tpu.memory_space<hbm>> -> memref<8x512xf32, #tpu.memory_space<hbm>>
          %dma_start3A_761 = arith.constant 0 : i32
          %dma_start3A_762 = tpu.memref_slice %arg5[%select_n3A_649, %add3A_754, %dma_start3A_761] : memref<77x1000x512xf32, #tpu.memory_space<hbm>> -> memref<1x8x512xf32, #tpu.memory_space<hbm>>
          %dma_start3A_763 = tpu.memref_squeeze %dma_start3A_762 : memref<1x8x512xf32, #tpu.memory_space<hbm>> -> memref<8x512xf32, #tpu.memory_space<hbm>>
          %dma_start3A_764 = arith.constant 0 : i32
          %dma_start3A_765 = arith.constant 0 : i32
          %dma_start3A_766 = tpu.memref_slice %arg6[%dma_start3A_764, %dma_start3A_765] : memref<48x512xf32, #tpu.memory_space<vmem>> -> memref<8x512xf32, #tpu.memory_space<vmem>>
          tpu.enqueue_dma source(%dma_start3A_766 : memref<8x512xf32, #tpu.memory_space<vmem>>) target(%dma_start3A_763 : memref<8x512xf32, #tpu.memory_space<hbm>>) target_semaphore(%arg26 : memref<!tpu.dma_semaphore, #tpu.memory_space<semaphore_mem>>)
        } else {
        }
        %not3A_678 = arith.constant true
        %not3A_679 = arith.xori %and3A_663, %not3A_678 : i1
        %convert_element_type3A_680 = arith.extui %not3A_679 : i1 to i32
        %cond3A_681 = arith.constant 0 : i32
        %cond3A_682 = arith.cmpi ne, %convert_element_type3A_680, %cond3A_681 : i32
        scf.if %cond3A_682 {
          %dma_start3A_683 = arith.constant 0 : i32
          %dma_start3A_684 = tpu.memref_slice %arg5[%select_n3A_649, %multiple_of3A_658, %dma_start3A_683] : memref<77x1000x512xf32, #tpu.memory_space<hbm>> -> memref<1x48x512xf32, #tpu.memory_space<hbm>>
          %dma_start3A_685 = tpu.memref_squeeze %dma_start3A_684 : memref<1x48x512xf32, #tpu.memory_space<hbm>> -> memref<48x512xf32, #tpu.memory_space<hbm>>
          %dma_start3A_686 = arith.constant 0 : i32
          %dma_start3A_687 = tpu.memref_slice %arg5[%select_n3A_649, %multiple_of3A_658, %dma_start3A_686] : memref<77x1000x512xf32, #tpu.memory_space<hbm>> -> memref<1x48x512xf32, #tpu.memory_space<hbm>>
          %dma_start3A_688 = tpu.memref_squeeze %dma_start3A_687 : memref<1x48x512xf32, #tpu.memory_space<hbm>> -> memref<48x512xf32, #tpu.memory_space<hbm>>
          tpu.enqueue_dma source(%arg6 : memref<48x512xf32, #tpu.memory_space<vmem>>) target(%dma_start3A_688 : memref<48x512xf32, #tpu.memory_space<hbm>>) target_semaphore(%arg26 : memref<!tpu.dma_semaphore, #tpu.memory_space<semaphore_mem>>)
        } else {
        }
      } else {
      }
      %add3A_469 = arith.constant 4 : i32
      %add3A_470 = arith.addi %add3A_464, %add3A_469 : i32
      %lt3A_471 = arith.cmpi slt, %add3A_470, %select_n3A : i32
      %convert_element_type3A_472 = arith.extui %lt3A_471 : i1 to i32
      %cond3A_473 = arith.constant 0 : i32
      %cond3A_474 = arith.cmpi ne, %convert_element_type3A_472, %cond3A_473 : i32
      scf.if %cond3A_474 {
        %add3A_561 = arith.constant 4 : i32
        %add3A_562 = arith.addi %add3A_464, %add3A_561 : i32
        %rem3A_563 = arith.remsi %add3A_562, %select_n3A : i32
        %mul3A_564 = arith.constant 32 : i32
        %mul3A_565 = arith.muli %mul3A_564, %rem3A_563 : i32
        %add3A_566 = arith.addi %add3A, %mul3A_565 : i32
        %jit3A_567 = arith.constant 21 : i32
        %div3A_568 = arith.divsi %add3A_566, %jit3A_567 : i32
        %sign3A_569 = arith.constant 0 : i32
        %sign3A_570 = arith.cmpi sgt, %add3A_566, %sign3A_569 : i32
        %sign3A_571 = arith.extui %sign3A_570 : i1 to i32
        %sign3A_572 = arith.constant 0 : i32
        %sign3A_573 = arith.cmpi slt, %add3A_566, %sign3A_572 : i32
        %sign3A_574 = arith.extui %sign3A_573 : i1 to i32
        %sign3A_575 = arith.subi %sign3A_571, %sign3A_574 : i32
        %sign3A_576 = arith.constant 0 : i32
        %sign3A_577 = arith.cmpi sgt, %jit3A_567, %sign3A_576 : i32
        %sign3A_578 = arith.extui %sign3A_577 : i1 to i32
        %sign3A_579 = arith.constant 0 : i32
        %sign3A_580 = arith.cmpi slt, %jit3A_567, %sign3A_579 : i32
        %sign3A_581 = arith.extui %sign3A_580 : i1 to i32
        %sign3A_582 = arith.subi %sign3A_578, %sign3A_581 : i32
        %ne3A_583 = arith.cmpi ne, %sign3A_575, %sign3A_582 : i32
        %rem3A_584 = arith.remsi %add3A_566, %jit3A_567 : i32
        %ne3A_585 = arith.constant 0 : i32
        %ne3A_586 = arith.cmpi ne, %rem3A_584, %ne3A_585 : i32
        %and3A_587 = arith.andi %ne3A_583, %ne3A_586 : i1
        %sub3A_588 = arith.constant 1 : i32
        %sub3A_589 = arith.subi %div3A_568, %sub3A_588 : i32
        %select_n3A_590 = arith.select %and3A_587, %sub3A_589, %div3A_568 : i32
        %rem3A_591 = arith.constant 21 : i32
        %rem3A_592 = arith.remsi %add3A_566, %rem3A_591 : i32
        %eq3A_593 = arith.constant 20 : i32
        %eq3A_594 = arith.cmpi eq, %rem3A_592, %eq3A_593 : i32
        %mul3A_595 = arith.constant 48 : i32
        %mul3A_596 = arith.muli %rem3A_592, %mul3A_595 : i32
        %jit3A_597 = arith.constant 952 : i32
        %select_n3A_598 = arith.select %eq3A_594, %jit3A_597, %mul3A_596 : i32
        %multiple_of3A_599 = tpu.assume_multiple %select_n3A_598, 8 : i32
        %ge3A_600 = arith.constant 1 : i32
        %ge3A_601 = arith.cmpi sge, %select_n3A_590, %ge3A_600 : i32
        %lt3A_602 = arith.constant 17 : i32
        %lt3A_603 = arith.cmpi slt, %select_n3A_590, %lt3A_602 : i32
        %and3A_604 = arith.andi %ge3A_601, %lt3A_603 : i1
        %eq3A_605 = arith.constant 0 : i32
        %eq3A_606 = arith.cmpi eq, %select_n3A_590, %eq3A_605 : i32
        %or3A_607 = arith.ori %and3A_604, %eq3A_606 : i1
        %sub3A_608 = arith.constant 16 : i32
        %sub3A_609 = arith.subi %select_n3A_590, %sub3A_608 : i32
        %jit3A_610 = arith.constant 0 : i32
        %select_n3A_611 = arith.select %or3A_607, %jit3A_610, %sub3A_609 : i32
        %mul3A_612 = arith.constant 1000 : i32
        %mul3A_613 = arith.muli %select_n3A_611, %mul3A_612 : i32
        %add3A_614 = arith.addi %mul3A_613, %multiple_of3A_599 : i32
        %multiple_of3A_615 = tpu.assume_multiple %add3A_614, 8 : i32
        %dma_start3A_616 = tpu.memref_slice %arg2[%multiple_of3A_615] : memref<61000xi32, #tpu.memory_space<hbm>> -> memref<48xi32, #tpu.memory_space<hbm>>
        %dma_start3A_617 = tpu.memref_slice %arg2[%multiple_of3A_615] : memref<61000xi32, #tpu.memory_space<hbm>> -> memref<48xi32, #tpu.memory_space<hbm>>
        tpu.enqueue_dma source(%dma_start3A_617 : memref<48xi32, #tpu.memory_space<hbm>>) target(%arg15 : memref<48xi32, #tpu.memory_space<vmem>>) target_semaphore(%arg20 : memref<!tpu.dma_semaphore, #tpu.memory_space<semaphore_mem>>)
      } else {
      }
      %add3A_475 = arith.constant 3 : i32
      %add3A_476 = arith.addi %add3A_464, %add3A_475 : i32
      %lt3A_477 = arith.cmpi slt, %add3A_476, %select_n3A : i32
      %convert_element_type3A_478 = arith.extui %lt3A_477 : i1 to i32
      %cond3A_479 = arith.constant 0 : i32
      %cond3A_480 = arith.cmpi ne, %convert_element_type3A_478, %cond3A_479 : i32
      scf.if %cond3A_480 {
        %dma_wait3A_561 = arith.constant 0 : i32
        %dma_wait3A_562 = tpu.memref_slice %arg2[%dma_wait3A_561] : memref<61000xi32, #tpu.memory_space<hbm>> -> memref<48xi32, #tpu.memory_space<hbm>>
        %dma_wait3A_563 = arith.constant 0 : i32
        %dma_wait3A_564 = tpu.memref_slice %arg2[%dma_wait3A_563] : memref<61000xi32, #tpu.memory_space<hbm>> -> memref<48xi32, #tpu.memory_space<hbm>>
        tpu.wait_dma2 semaphore(%arg19 : memref<!tpu.dma_semaphore, #tpu.memory_space<semaphore_mem>>) src(%dma_wait3A_564 : memref<48xi32, #tpu.memory_space<hbm>>) dst(%arg14 : memref<48xi32, #tpu.memory_space<vmem>>)
        %ge3A_565 = arith.constant 2 : i32
        %ge3A_566 = arith.cmpi sge, %add3A_464, %ge3A_565 : i32
        %convert_element_type3A_567 = arith.extui %ge3A_566 : i1 to i32
        %cond3A_568 = arith.constant 0 : i32
        %cond3A_569 = arith.cmpi ne, %convert_element_type3A_567, %cond3A_568 : i32
        scf.if %cond3A_569 {
          %dma_wait3A_633 = arith.constant 0 : i32
          %dma_wait3A_634 = arith.constant 0 : i32
          %dma_wait3A_635 = arith.constant 0 : i32
          %dma_wait3A_636 = tpu.memref_slice %arg5[%dma_wait3A_633, %dma_wait3A_634, %dma_wait3A_635] : memref<77x1000x512xf32, #tpu.memory_space<hbm>> -> memref<1x48x512xf32, #tpu.memory_space<hbm>>
          %dma_wait3A_637 = tpu.memref_squeeze %dma_wait3A_636 : memref<1x48x512xf32, #tpu.memory_space<hbm>> -> memref<48x512xf32, #tpu.memory_space<hbm>>
          %dma_wait3A_638 = arith.constant 0 : i32
          %dma_wait3A_639 = arith.constant 0 : i32
          %dma_wait3A_640 = tpu.memref_slice %arg5[%dma_wait3A_633, %dma_wait3A_638, %dma_wait3A_639] : memref<77x1000x512xf32, #tpu.memory_space<hbm>> -> memref<1x48x512xf32, #tpu.memory_space<hbm>>
          %dma_wait3A_641 = tpu.memref_squeeze %dma_wait3A_640 : memref<1x48x512xf32, #tpu.memory_space<hbm>> -> memref<48x512xf32, #tpu.memory_space<hbm>>
          tpu.wait_dma2 semaphore(%arg29 : memref<!tpu.dma_semaphore, #tpu.memory_space<semaphore_mem>>) src(%arg9 : memref<48x512xf32, #tpu.memory_space<vmem>>) dst(%dma_wait3A_641 : memref<48x512xf32, #tpu.memory_space<hbm>>)
        } else {
        }
        %add3A_570 = arith.constant 3 : i32
        %add3A_571 = arith.addi %add3A_464, %add3A_570 : i32
        %rem3A_572 = arith.remsi %add3A_571, %select_n3A : i32
        %mul3A_573 = arith.constant 32 : i32
        %mul3A_574 = arith.muli %mul3A_573, %rem3A_572 : i32
        %add3A_575 = arith.addi %add3A, %mul3A_574 : i32
        %jit3A_576 = arith.constant 21 : i32
        %div3A_577 = arith.divsi %add3A_575, %jit3A_576 : i32
        %sign3A_578 = arith.constant 0 : i32
        %sign3A_579 = arith.cmpi sgt, %add3A_575, %sign3A_578 : i32
        %sign3A_580 = arith.extui %sign3A_579 : i1 to i32
        %sign3A_581 = arith.constant 0 : i32
        %sign3A_582 = arith.cmpi slt, %add3A_575, %sign3A_581 : i32
        %sign3A_583 = arith.extui %sign3A_582 : i1 to i32
        %sign3A_584 = arith.subi %sign3A_580, %sign3A_583 : i32
        %sign3A_585 = arith.constant 0 : i32
        %sign3A_586 = arith.cmpi sgt, %jit3A_576, %sign3A_585 : i32
        %sign3A_587 = arith.extui %sign3A_586 : i1 to i32
        %sign3A_588 = arith.constant 0 : i32
        %sign3A_589 = arith.cmpi slt, %jit3A_576, %sign3A_588 : i32
        %sign3A_590 = arith.extui %sign3A_589 : i1 to i32
        %sign3A_591 = arith.subi %sign3A_587, %sign3A_590 : i32
        %ne3A_592 = arith.cmpi ne, %sign3A_584, %sign3A_591 : i32
        %rem3A_593 = arith.remsi %add3A_575, %jit3A_576 : i32
        %ne3A_594 = arith.constant 0 : i32
        %ne3A_595 = arith.cmpi ne, %rem3A_593, %ne3A_594 : i32
        %and3A_596 = arith.andi %ne3A_592, %ne3A_595 : i1
        %sub3A_597 = arith.constant 1 : i32
        %sub3A_598 = arith.subi %div3A_577, %sub3A_597 : i32
        %select_n3A_599 = arith.select %and3A_596, %sub3A_598, %div3A_577 : i32
        %rem3A_600 = arith.constant 21 : i32
        %rem3A_601 = arith.remsi %add3A_575, %rem3A_600 : i32
        %eq3A_602 = arith.constant 20 : i32
        %eq3A_603 = arith.cmpi eq, %rem3A_601, %eq3A_602 : i32
        %mul3A_604 = arith.constant 48 : i32
        %mul3A_605 = arith.muli %rem3A_601, %mul3A_604 : i32
        %jit3A_606 = arith.constant 952 : i32
        %select_n3A_607 = arith.select %eq3A_603, %jit3A_606, %mul3A_605 : i32
        %multiple_of3A_608 = tpu.assume_multiple %select_n3A_607, 8 : i32
        %ge3A_609 = arith.constant 1 : i32
        %ge3A_610 = arith.cmpi sge, %select_n3A_599, %ge3A_609 : i32
        %lt3A_611 = arith.constant 17 : i32
        %lt3A_612 = arith.cmpi slt, %select_n3A_599, %lt3A_611 : i32
        %and3A_613 = arith.andi %ge3A_610, %lt3A_612 : i1
        %eq3A_614 = arith.constant 0 : i32
        %eq3A_615 = arith.cmpi eq, %select_n3A_599, %eq3A_614 : i32
        %or3A_616 = arith.ori %and3A_613, %eq3A_615 : i1
        %sub3A_617 = arith.constant 16 : i32
        %sub3A_618 = arith.subi %select_n3A_599, %sub3A_617 : i32
        %jit3A_619 = arith.constant 0 : i32
        %select_n3A_620 = arith.select %or3A_616, %jit3A_619, %sub3A_618 : i32
        %mul3A_621 = arith.constant 1000 : i32
        %mul3A_622 = arith.muli %select_n3A_620, %mul3A_621 : i32
        %add3A_623 = arith.addi %mul3A_622, %multiple_of3A_608 : i32
        %multiple_of3A_624 = tpu.assume_multiple %add3A_623, 8 : i32
        %convert_element_type3A_625 = arith.extui %and3A_613 : i1 to i32
        %cond3A_626 = arith.constant 0 : i32
        %cond3A_627 = arith.cmpi ne, %convert_element_type3A_625, %cond3A_626 : i32
        scf.if %cond3A_627 {
          %sub3A_633 = arith.constant 1 : i32
          %sub3A_634 = arith.subi %select_n3A_599, %sub3A_633 : i32
          %dma_start3A_635 = arith.constant 0 : i32
          %dma_start3A_636 = arith.constant 0 : i32
          %dma_start3A_637 = tpu.memref_slice %arg9[%dma_start3A_635, %dma_start3A_636] : memref<48x512xf32, #tpu.memory_space<vmem>> -> memref<8x512xf32, #tpu.memory_space<vmem>>
          %dma_start3A_638 = arith.constant 0 : i32
          %dma_start3A_639 = arith.constant 0 : i32
          %dma_start3A_640 = tpu.memref_slice %arg4[%sub3A_634, %dma_start3A_638, %dma_start3A_639] : memref<16x8x512xf32, #tpu.memory_space<hbm>> -> memref<1x8x512xf32, #tpu.memory_space<hbm>>
          %dma_start3A_641 = tpu.memref_squeeze %dma_start3A_640 : memref<1x8x512xf32, #tpu.memory_space<hbm>> -> memref<8x512xf32, #tpu.memory_space<hbm>>
          %dma_start3A_642 = arith.constant 0 : i32
          %dma_start3A_643 = arith.constant 0 : i32
          %dma_start3A_644 = tpu.memref_slice %arg9[%dma_start3A_642, %dma_start3A_643] : memref<48x512xf32, #tpu.memory_space<vmem>> -> memref<8x512xf32, #tpu.memory_space<vmem>>
          %dma_start3A_645 = arith.constant 0 : i32
          %dma_start3A_646 = arith.constant 0 : i32
          %dma_start3A_647 = tpu.memref_slice %arg4[%sub3A_634, %dma_start3A_645, %dma_start3A_646] : memref<16x8x512xf32, #tpu.memory_space<hbm>> -> memref<1x8x512xf32, #tpu.memory_space<hbm>>
          %dma_start3A_648 = tpu.memref_squeeze %dma_start3A_647 : memref<1x8x512xf32, #tpu.memory_space<hbm>> -> memref<8x512xf32, #tpu.memory_space<hbm>>
          tpu.enqueue_dma source(%dma_start3A_648 : memref<8x512xf32, #tpu.memory_space<hbm>>) target(%dma_start3A_644 : memref<8x512xf32, #tpu.memory_space<vmem>>) target_semaphore(%arg24 : memref<!tpu.dma_semaphore, #tpu.memory_space<semaphore_mem>>)
        } else {
        }
        %not3A_628 = arith.constant true
        %not3A_629 = arith.xori %and3A_613, %not3A_628 : i1
        %convert_element_type3A_630 = arith.extui %not3A_629 : i1 to i32
        %cond3A_631 = arith.constant 0 : i32
        %cond3A_632 = arith.cmpi ne, %convert_element_type3A_630, %cond3A_631 : i32
        scf.if %cond3A_632 {
          %dma_start3A_633 = arith.constant 0 : i32
          %dma_start3A_634 = arith.constant 0 : i32
          %dma_start3A_635 = tpu.memref_slice %arg3[%dma_start3A_633, %dma_start3A_634] : memref<49408x512xf32, #tpu.memory_space<hbm>> -> memref<49408x512xf32, #tpu.memory_space<hbm>>
          tpu.enqueue_indirect_dma source(%dma_start3A_635 : memref<49408x512xf32, #tpu.memory_space<hbm>>) target(%arg9 : memref<48x512xf32, #tpu.memory_space<vmem>>) offsets(%arg14 : memref<48xi32, #tpu.memory_space<vmem>>) semaphore(%arg24 : memref<!tpu.dma_semaphore, #tpu.memory_space<semaphore_mem>>)
        } else {
        }
      } else {
      }
      %mul3A_481 = arith.constant 5 : i32
      %mul3A_482 = arith.muli %scan3A_460, %mul3A_481 : i32
      %add3A_483 = arith.constant 1 : i32
      %add3A_484 = arith.addi %mul3A_482, %add3A_483 : i32
      %lt3A_485 = arith.cmpi slt, %add3A_484, %select_n3A : i32
      %convert_element_type3A_486 = arith.extui %lt3A_485 : i1 to i32
      %cond3A_487 = arith.constant 0 : i32
      %cond3A_488 = arith.cmpi ne, %convert_element_type3A_486, %cond3A_487 : i32
      scf.if %cond3A_488 {
        %rem3A_561 = arith.remsi %add3A_484, %select_n3A : i32
        %mul3A_562 = arith.constant 32 : i32
        %mul3A_563 = arith.muli %mul3A_562, %rem3A_561 : i32
        %add3A_564 = arith.addi %add3A, %mul3A_563 : i32
        %jit3A_565 = arith.constant 21 : i32
        %div3A_566 = arith.divsi %add3A_564, %jit3A_565 : i32
        %sign3A_567 = arith.constant 0 : i32
        %sign3A_568 = arith.cmpi sgt, %add3A_564, %sign3A_567 : i32
        %sign3A_569 = arith.extui %sign3A_568 : i1 to i32
        %sign3A_570 = arith.constant 0 : i32
        %sign3A_571 = arith.cmpi slt, %add3A_564, %sign3A_570 : i32
        %sign3A_572 = arith.extui %sign3A_571 : i1 to i32
        %sign3A_573 = arith.subi %sign3A_569, %sign3A_572 : i32
        %sign3A_574 = arith.constant 0 : i32
        %sign3A_575 = arith.cmpi sgt, %jit3A_565, %sign3A_574 : i32
        %sign3A_576 = arith.extui %sign3A_575 : i1 to i32
        %sign3A_577 = arith.constant 0 : i32
        %sign3A_578 = arith.cmpi slt, %jit3A_565, %sign3A_577 : i32
        %sign3A_579 = arith.extui %sign3A_578 : i1 to i32
        %sign3A_580 = arith.subi %sign3A_576, %sign3A_579 : i32
        %ne3A_581 = arith.cmpi ne, %sign3A_573, %sign3A_580 : i32
        %rem3A_582 = arith.remsi %add3A_564, %jit3A_565 : i32
        %ne3A_583 = arith.constant 0 : i32
        %ne3A_584 = arith.cmpi ne, %rem3A_582, %ne3A_583 : i32
        %and3A_585 = arith.andi %ne3A_581, %ne3A_584 : i1
        %sub3A_586 = arith.constant 1 : i32
        %sub3A_587 = arith.subi %div3A_566, %sub3A_586 : i32
        %select_n3A_588 = arith.select %and3A_585, %sub3A_587, %div3A_566 : i32
        %rem3A_589 = arith.constant 21 : i32
        %rem3A_590 = arith.remsi %add3A_564, %rem3A_589 : i32
        %eq3A_591 = arith.constant 20 : i32
        %eq3A_592 = arith.cmpi eq, %rem3A_590, %eq3A_591 : i32
        %mul3A_593 = arith.constant 48 : i32
        %mul3A_594 = arith.muli %rem3A_590, %mul3A_593 : i32
        %jit3A_595 = arith.constant 952 : i32
        %select_n3A_596 = arith.select %eq3A_592, %jit3A_595, %mul3A_594 : i32
        %multiple_of3A_597 = tpu.assume_multiple %select_n3A_596, 8 : i32
        %ge3A_598 = arith.constant 1 : i32
        %ge3A_599 = arith.cmpi sge, %select_n3A_588, %ge3A_598 : i32
        %lt3A_600 = arith.constant 17 : i32
        %lt3A_601 = arith.cmpi slt, %select_n3A_588, %lt3A_600 : i32
        %and3A_602 = arith.andi %ge3A_599, %lt3A_601 : i1
        %eq3A_603 = arith.constant 0 : i32
        %eq3A_604 = arith.cmpi eq, %select_n3A_588, %eq3A_603 : i32
        %or3A_605 = arith.ori %and3A_602, %eq3A_604 : i1
        %sub3A_606 = arith.constant 16 : i32
        %sub3A_607 = arith.subi %select_n3A_588, %sub3A_606 : i32
        %jit3A_608 = arith.constant 0 : i32
        %select_n3A_609 = arith.select %or3A_605, %jit3A_608, %sub3A_607 : i32
        %mul3A_610 = arith.constant 1000 : i32
        %mul3A_611 = arith.muli %select_n3A_609, %mul3A_610 : i32
        %add3A_612 = arith.addi %mul3A_611, %multiple_of3A_597 : i32
        %multiple_of3A_613 = tpu.assume_multiple %add3A_612, 8 : i32
        %convert_element_type3A_614 = arith.extui %and3A_602 : i1 to i32
        %cond3A_615 = arith.constant 0 : i32
        %cond3A_616 = arith.cmpi ne, %convert_element_type3A_614, %cond3A_615 : i32
        scf.if %cond3A_616 {
          %dma_wait3A_683 = arith.constant 0 : i32
          %dma_wait3A_684 = arith.constant 0 : i32
          %dma_wait3A_685 = arith.constant 0 : i32
          %dma_wait3A_686 = tpu.memref_slice %arg7[%dma_wait3A_684, %dma_wait3A_685] : memref<48x512xf32, #tpu.memory_space<vmem>> -> memref<8x512xf32, #tpu.memory_space<vmem>>
          %dma_wait3A_687 = arith.constant 0 : i32
          %dma_wait3A_688 = arith.constant 0 : i32
          %dma_wait3A_689 = tpu.memref_slice %arg4[%dma_wait3A_683, %dma_wait3A_687, %dma_wait3A_688] : memref<16x8x512xf32, #tpu.memory_space<hbm>> -> memref<1x8x512xf32, #tpu.memory_space<hbm>>
          %dma_wait3A_690 = tpu.memref_squeeze %dma_wait3A_689 : memref<1x8x512xf32, #tpu.memory_space<hbm>> -> memref<8x512xf32, #tpu.memory_space<hbm>>
          %dma_wait3A_691 = arith.constant 0 : i32
          %dma_wait3A_692 = arith.constant 0 : i32
          %dma_wait3A_693 = tpu.memref_slice %arg7[%dma_wait3A_691, %dma_wait3A_692] : memref<48x512xf32, #tpu.memory_space<vmem>> -> memref<8x512xf32, #tpu.memory_space<vmem>>
          %dma_wait3A_694 = arith.constant 0 : i32
          %dma_wait3A_695 = arith.constant 0 : i32
          %dma_wait3A_696 = tpu.memref_slice %arg4[%dma_wait3A_683, %dma_wait3A_694, %dma_wait3A_695] : memref<16x8x512xf32, #tpu.memory_space<hbm>> -> memref<1x8x512xf32, #tpu.memory_space<hbm>>
          %dma_wait3A_697 = tpu.memref_squeeze %dma_wait3A_696 : memref<1x8x512xf32, #tpu.memory_space<hbm>> -> memref<8x512xf32, #tpu.memory_space<hbm>>
          tpu.wait_dma2 semaphore(%arg22 : memref<!tpu.dma_semaphore, #tpu.memory_space<semaphore_mem>>) src(%dma_wait3A_697 : memref<8x512xf32, #tpu.memory_space<hbm>>) dst(%dma_wait3A_693 : memref<8x512xf32, #tpu.memory_space<vmem>>)
        } else {
        }
        %not3A_617 = arith.constant true
        %not3A_618 = arith.xori %and3A_602, %not3A_617 : i1
        %convert_element_type3A_619 = arith.extui %not3A_618 : i1 to i32
        %cond3A_620 = arith.constant 0 : i32
        %cond3A_621 = arith.cmpi ne, %convert_element_type3A_619, %cond3A_620 : i32
        scf.if %cond3A_621 {
          %dma_wait3A_683 = arith.constant 0 : i32
          %dma_wait3A_684 = arith.constant 0 : i32
          %dma_wait3A_685 = tpu.memref_slice %arg3[%dma_wait3A_683, %dma_wait3A_684] : memref<49408x512xf32, #tpu.memory_space<hbm>> -> memref<48x512xf32, #tpu.memory_space<hbm>>
          %dma_wait3A_686 = arith.constant 0 : i32
          %dma_wait3A_687 = arith.constant 0 : i32
          %dma_wait3A_688 = tpu.memref_slice %arg3[%dma_wait3A_686, %dma_wait3A_687] : memref<49408x512xf32, #tpu.memory_space<hbm>> -> memref<48x512xf32, #tpu.memory_space<hbm>>
          tpu.wait_dma2 semaphore(%arg22 : memref<!tpu.dma_semaphore, #tpu.memory_space<semaphore_mem>>) src(%dma_wait3A_688 : memref<48x512xf32, #tpu.memory_space<hbm>>) dst(%arg7 : memref<48x512xf32, #tpu.memory_space<vmem>>)
        } else {
        }
        %rem3A_622 = arith.remsi %add3A_484, %select_n3A : i32
        %mul3A_623 = arith.constant 32 : i32
        %mul3A_624 = arith.muli %mul3A_623, %rem3A_622 : i32
        %add3A_625 = arith.addi %add3A, %mul3A_624 : i32
        %jit3A_626 = arith.constant 21 : i32
        %div3A_627 = arith.divsi %add3A_625, %jit3A_626 : i32
        %sign3A_628 = arith.constant 0 : i32
        %sign3A_629 = arith.cmpi sgt, %add3A_625, %sign3A_628 : i32
        %sign3A_630 = arith.extui %sign3A_629 : i1 to i32
        %sign3A_631 = arith.constant 0 : i32
        %sign3A_632 = arith.cmpi slt, %add3A_625, %sign3A_631 : i32
        %sign3A_633 = arith.extui %sign3A_632 : i1 to i32
        %sign3A_634 = arith.subi %sign3A_630, %sign3A_633 : i32
        %sign3A_635 = arith.constant 0 : i32
        %sign3A_636 = arith.cmpi sgt, %jit3A_626, %sign3A_635 : i32
        %sign3A_637 = arith.extui %sign3A_636 : i1 to i32
        %sign3A_638 = arith.constant 0 : i32
        %sign3A_639 = arith.cmpi slt, %jit3A_626, %sign3A_638 : i32
        %sign3A_640 = arith.extui %sign3A_639 : i1 to i32
        %sign3A_641 = arith.subi %sign3A_637, %sign3A_640 : i32
        %ne3A_642 = arith.cmpi ne, %sign3A_634, %sign3A_641 : i32
        %rem3A_643 = arith.remsi %add3A_625, %jit3A_626 : i32
        %ne3A_644 = arith.constant 0 : i32
        %ne3A_645 = arith.cmpi ne, %rem3A_643, %ne3A_644 : i32
        %and3A_646 = arith.andi %ne3A_642, %ne3A_645 : i1
        %sub3A_647 = arith.constant 1 : i32
        %sub3A_648 = arith.subi %div3A_627, %sub3A_647 : i32
        %select_n3A_649 = arith.select %and3A_646, %sub3A_648, %div3A_627 : i32
        %rem3A_650 = arith.constant 21 : i32
        %rem3A_651 = arith.remsi %add3A_625, %rem3A_650 : i32
        %eq3A_652 = arith.constant 20 : i32
        %eq3A_653 = arith.cmpi eq, %rem3A_651, %eq3A_652 : i32
        %mul3A_654 = arith.constant 48 : i32
        %mul3A_655 = arith.muli %rem3A_651, %mul3A_654 : i32
        %jit3A_656 = arith.constant 952 : i32
        %select_n3A_657 = arith.select %eq3A_653, %jit3A_656, %mul3A_655 : i32
        %multiple_of3A_658 = tpu.assume_multiple %select_n3A_657, 8 : i32
        %ge3A_659 = arith.constant 1 : i32
        %ge3A_660 = arith.cmpi sge, %select_n3A_649, %ge3A_659 : i32
        %lt3A_661 = arith.constant 17 : i32
        %lt3A_662 = arith.cmpi slt, %select_n3A_649, %lt3A_661 : i32
        %and3A_663 = arith.andi %ge3A_660, %lt3A_662 : i1
        %eq3A_664 = arith.constant 0 : i32
        %eq3A_665 = arith.cmpi eq, %select_n3A_649, %eq3A_664 : i32
        %or3A_666 = arith.ori %and3A_663, %eq3A_665 : i1
        %sub3A_667 = arith.constant 16 : i32
        %sub3A_668 = arith.subi %select_n3A_649, %sub3A_667 : i32
        %jit3A_669 = arith.constant 0 : i32
        %select_n3A_670 = arith.select %or3A_666, %jit3A_669, %sub3A_668 : i32
        %mul3A_671 = arith.constant 1000 : i32
        %mul3A_672 = arith.muli %select_n3A_670, %mul3A_671 : i32
        %add3A_673 = arith.addi %mul3A_672, %multiple_of3A_658 : i32
        %multiple_of3A_674 = tpu.assume_multiple %add3A_673, 8 : i32
        %convert_element_type3A_675 = arith.extui %and3A_663 : i1 to i32
        %cond3A_676 = arith.constant 0 : i32
        %cond3A_677 = arith.cmpi ne, %convert_element_type3A_675, %cond3A_676 : i32
        scf.if %cond3A_677 {
          %add3A_683 = arith.constant 0 : i32
          %add3A_684 = arith.addi %multiple_of3A_658, %add3A_683 : i32
          %dma_start3A_685 = arith.constant 0 : i32
          %dma_start3A_686 = arith.constant 0 : i32
          %dma_start3A_687 = tpu.memref_slice %arg7[%dma_start3A_685, %dma_start3A_686] : memref<48x512xf32, #tpu.memory_space<vmem>> -> memref<8x512xf32, #tpu.memory_space<vmem>>
          %dma_start3A_688 = arith.constant 0 : i32
          %dma_start3A_689 = tpu.memref_slice %arg5[%select_n3A_649, %add3A_684, %dma_start3A_688] : memref<77x1000x512xf32, #tpu.memory_space<hbm>> -> memref<1x8x512xf32, #tpu.memory_space<hbm>>
          %dma_start3A_690 = tpu.memref_squeeze %dma_start3A_689 : memref<1x8x512xf32, #tpu.memory_space<hbm>> -> memref<8x512xf32, #tpu.memory_space<hbm>>
          %dma_start3A_691 = arith.constant 0 : i32
          %dma_start3A_692 = tpu.memref_slice %arg5[%select_n3A_649, %add3A_684, %dma_start3A_691] : memref<77x1000x512xf32, #tpu.memory_space<hbm>> -> memref<1x8x512xf32, #tpu.memory_space<hbm>>
          %dma_start3A_693 = tpu.memref_squeeze %dma_start3A_692 : memref<1x8x512xf32, #tpu.memory_space<hbm>> -> memref<8x512xf32, #tpu.memory_space<hbm>>
          %dma_start3A_694 = arith.constant 0 : i32
          %dma_start3A_695 = arith.constant 0 : i32
          %dma_start3A_696 = tpu.memref_slice %arg7[%dma_start3A_694, %dma_start3A_695] : memref<48x512xf32, #tpu.memory_space<vmem>> -> memref<8x512xf32, #tpu.memory_space<vmem>>
          tpu.enqueue_dma source(%dma_start3A_696 : memref<8x512xf32, #tpu.memory_space<vmem>>) target(%dma_start3A_693 : memref<8x512xf32, #tpu.memory_space<hbm>>) target_semaphore(%arg27 : memref<!tpu.dma_semaphore, #tpu.memory_space<semaphore_mem>>)
          %add3A_697 = arith.constant 8 : i32
          %add3A_698 = arith.addi %multiple_of3A_658, %add3A_697 : i32
          %dma_start3A_699 = arith.constant 0 : i32
          %dma_start3A_700 = arith.constant 0 : i32
          %dma_start3A_701 = tpu.memref_slice %arg7[%dma_start3A_699, %dma_start3A_700] : memref<48x512xf32, #tpu.memory_space<vmem>> -> memref<8x512xf32, #tpu.memory_space<vmem>>
          %dma_start3A_702 = arith.constant 0 : i32
          %dma_start3A_703 = tpu.memref_slice %arg5[%select_n3A_649, %add3A_698, %dma_start3A_702] : memref<77x1000x512xf32, #tpu.memory_space<hbm>> -> memref<1x8x512xf32, #tpu.memory_space<hbm>>
          %dma_start3A_704 = tpu.memref_squeeze %dma_start3A_703 : memref<1x8x512xf32, #tpu.memory_space<hbm>> -> memref<8x512xf32, #tpu.memory_space<hbm>>
          %dma_start3A_705 = arith.constant 0 : i32
          %dma_start3A_706 = tpu.memref_slice %arg5[%select_n3A_649, %add3A_698, %dma_start3A_705] : memref<77x1000x512xf32, #tpu.memory_space<hbm>> -> memref<1x8x512xf32, #tpu.memory_space<hbm>>
          %dma_start3A_707 = tpu.memref_squeeze %dma_start3A_706 : memref<1x8x512xf32, #tpu.memory_space<hbm>> -> memref<8x512xf32, #tpu.memory_space<hbm>>
          %dma_start3A_708 = arith.constant 0 : i32
          %dma_start3A_709 = arith.constant 0 : i32
          %dma_start3A_710 = tpu.memref_slice %arg7[%dma_start3A_708, %dma_start3A_709] : memref<48x512xf32, #tpu.memory_space<vmem>> -> memref<8x512xf32, #tpu.memory_space<vmem>>
          tpu.enqueue_dma source(%dma_start3A_710 : memref<8x512xf32, #tpu.memory_space<vmem>>) target(%dma_start3A_707 : memref<8x512xf32, #tpu.memory_space<hbm>>) target_semaphore(%arg27 : memref<!tpu.dma_semaphore, #tpu.memory_space<semaphore_mem>>)
          %add3A_711 = arith.constant 16 : i32
          %add3A_712 = arith.addi %multiple_of3A_658, %add3A_711 : i32
          %dma_start3A_713 = arith.constant 0 : i32
          %dma_start3A_714 = arith.constant 0 : i32
          %dma_start3A_715 = tpu.memref_slice %arg7[%dma_start3A_713, %dma_start3A_714] : memref<48x512xf32, #tpu.memory_space<vmem>> -> memref<8x512xf32, #tpu.memory_space<vmem>>
          %dma_start3A_716 = arith.constant 0 : i32
          %dma_start3A_717 = tpu.memref_slice %arg5[%select_n3A_649, %add3A_712, %dma_start3A_716] : memref<77x1000x512xf32, #tpu.memory_space<hbm>> -> memref<1x8x512xf32, #tpu.memory_space<hbm>>
          %dma_start3A_718 = tpu.memref_squeeze %dma_start3A_717 : memref<1x8x512xf32, #tpu.memory_space<hbm>> -> memref<8x512xf32, #tpu.memory_space<hbm>>
          %dma_start3A_719 = arith.constant 0 : i32
          %dma_start3A_720 = tpu.memref_slice %arg5[%select_n3A_649, %add3A_712, %dma_start3A_719] : memref<77x1000x512xf32, #tpu.memory_space<hbm>> -> memref<1x8x512xf32, #tpu.memory_space<hbm>>
          %dma_start3A_721 = tpu.memref_squeeze %dma_start3A_720 : memref<1x8x512xf32, #tpu.memory_space<hbm>> -> memref<8x512xf32, #tpu.memory_space<hbm>>
          %dma_start3A_722 = arith.constant 0 : i32
          %dma_start3A_723 = arith.constant 0 : i32
          %dma_start3A_724 = tpu.memref_slice %arg7[%dma_start3A_722, %dma_start3A_723] : memref<48x512xf32, #tpu.memory_space<vmem>> -> memref<8x512xf32, #tpu.memory_space<vmem>>
          tpu.enqueue_dma source(%dma_start3A_724 : memref<8x512xf32, #tpu.memory_space<vmem>>) target(%dma_start3A_721 : memref<8x512xf32, #tpu.memory_space<hbm>>) target_semaphore(%arg27 : memref<!tpu.dma_semaphore, #tpu.memory_space<semaphore_mem>>)
          %add3A_725 = arith.constant 24 : i32
          %add3A_726 = arith.addi %multiple_of3A_658, %add3A_725 : i32
          %dma_start3A_727 = arith.constant 0 : i32
          %dma_start3A_728 = arith.constant 0 : i32
          %dma_start3A_729 = tpu.memref_slice %arg7[%dma_start3A_727, %dma_start3A_728] : memref<48x512xf32, #tpu.memory_space<vmem>> -> memref<8x512xf32, #tpu.memory_space<vmem>>
          %dma_start3A_730 = arith.constant 0 : i32
          %dma_start3A_731 = tpu.memref_slice %arg5[%select_n3A_649, %add3A_726, %dma_start3A_730] : memref<77x1000x512xf32, #tpu.memory_space<hbm>> -> memref<1x8x512xf32, #tpu.memory_space<hbm>>
          %dma_start3A_732 = tpu.memref_squeeze %dma_start3A_731 : memref<1x8x512xf32, #tpu.memory_space<hbm>> -> memref<8x512xf32, #tpu.memory_space<hbm>>
          %dma_start3A_733 = arith.constant 0 : i32
          %dma_start3A_734 = tpu.memref_slice %arg5[%select_n3A_649, %add3A_726, %dma_start3A_733] : memref<77x1000x512xf32, #tpu.memory_space<hbm>> -> memref<1x8x512xf32, #tpu.memory_space<hbm>>
          %dma_start3A_735 = tpu.memref_squeeze %dma_start3A_734 : memref<1x8x512xf32, #tpu.memory_space<hbm>> -> memref<8x512xf32, #tpu.memory_space<hbm>>
          %dma_start3A_736 = arith.constant 0 : i32
          %dma_start3A_737 = arith.constant 0 : i32
          %dma_start3A_738 = tpu.memref_slice %arg7[%dma_start3A_736, %dma_start3A_737] : memref<48x512xf32, #tpu.memory_space<vmem>> -> memref<8x512xf32, #tpu.memory_space<vmem>>
          tpu.enqueue_dma source(%dma_start3A_738 : memref<8x512xf32, #tpu.memory_space<vmem>>) target(%dma_start3A_735 : memref<8x512xf32, #tpu.memory_space<hbm>>) target_semaphore(%arg27 : memref<!tpu.dma_semaphore, #tpu.memory_space<semaphore_mem>>)
          %add3A_739 = arith.constant 32 : i32
          %add3A_740 = arith.addi %multiple_of3A_658, %add3A_739 : i32
          %dma_start3A_741 = arith.constant 0 : i32
          %dma_start3A_742 = arith.constant 0 : i32
          %dma_start3A_743 = tpu.memref_slice %arg7[%dma_start3A_741, %dma_start3A_742] : memref<48x512xf32, #tpu.memory_space<vmem>> -> memref<8x512xf32, #tpu.memory_space<vmem>>
          %dma_start3A_744 = arith.constant 0 : i32
          %dma_start3A_745 = tpu.memref_slice %arg5[%select_n3A_649, %add3A_740, %dma_start3A_744] : memref<77x1000x512xf32, #tpu.memory_space<hbm>> -> memref<1x8x512xf32, #tpu.memory_space<hbm>>
          %dma_start3A_746 = tpu.memref_squeeze %dma_start3A_745 : memref<1x8x512xf32, #tpu.memory_space<hbm>> -> memref<8x512xf32, #tpu.memory_space<hbm>>
          %dma_start3A_747 = arith.constant 0 : i32
          %dma_start3A_748 = tpu.memref_slice %arg5[%select_n3A_649, %add3A_740, %dma_start3A_747] : memref<77x1000x512xf32, #tpu.memory_space<hbm>> -> memref<1x8x512xf32, #tpu.memory_space<hbm>>
          %dma_start3A_749 = tpu.memref_squeeze %dma_start3A_748 : memref<1x8x512xf32, #tpu.memory_space<hbm>> -> memref<8x512xf32, #tpu.memory_space<hbm>>
          %dma_start3A_750 = arith.constant 0 : i32
          %dma_start3A_751 = arith.constant 0 : i32
          %dma_start3A_752 = tpu.memref_slice %arg7[%dma_start3A_750, %dma_start3A_751] : memref<48x512xf32, #tpu.memory_space<vmem>> -> memref<8x512xf32, #tpu.memory_space<vmem>>
          tpu.enqueue_dma source(%dma_start3A_752 : memref<8x512xf32, #tpu.memory_space<vmem>>) target(%dma_start3A_749 : memref<8x512xf32, #tpu.memory_space<hbm>>) target_semaphore(%arg27 : memref<!tpu.dma_semaphore, #tpu.memory_space<semaphore_mem>>)
          %add3A_753 = arith.constant 40 : i32
          %add3A_754 = arith.addi %multiple_of3A_658, %add3A_753 : i32
          %dma_start3A_755 = arith.constant 0 : i32
          %dma_start3A_756 = arith.constant 0 : i32
          %dma_start3A_757 = tpu.memref_slice %arg7[%dma_start3A_755, %dma_start3A_756] : memref<48x512xf32, #tpu.memory_space<vmem>> -> memref<8x512xf32, #tpu.memory_space<vmem>>
          %dma_start3A_758 = arith.constant 0 : i32
          %dma_start3A_759 = tpu.memref_slice %arg5[%select_n3A_649, %add3A_754, %dma_start3A_758] : memref<77x1000x512xf32, #tpu.memory_space<hbm>> -> memref<1x8x512xf32, #tpu.memory_space<hbm>>
          %dma_start3A_760 = tpu.memref_squeeze %dma_start3A_759 : memref<1x8x512xf32, #tpu.memory_space<hbm>> -> memref<8x512xf32, #tpu.memory_space<hbm>>
          %dma_start3A_761 = arith.constant 0 : i32
          %dma_start3A_762 = tpu.memref_slice %arg5[%select_n3A_649, %add3A_754, %dma_start3A_761] : memref<77x1000x512xf32, #tpu.memory_space<hbm>> -> memref<1x8x512xf32, #tpu.memory_space<hbm>>
          %dma_start3A_763 = tpu.memref_squeeze %dma_start3A_762 : memref<1x8x512xf32, #tpu.memory_space<hbm>> -> memref<8x512xf32, #tpu.memory_space<hbm>>
          %dma_start3A_764 = arith.constant 0 : i32
          %dma_start3A_765 = arith.constant 0 : i32
          %dma_start3A_766 = tpu.memref_slice %arg7[%dma_start3A_764, %dma_start3A_765] : memref<48x512xf32, #tpu.memory_space<vmem>> -> memref<8x512xf32, #tpu.memory_space<vmem>>
          tpu.enqueue_dma source(%dma_start3A_766 : memref<8x512xf32, #tpu.memory_space<vmem>>) target(%dma_start3A_763 : memref<8x512xf32, #tpu.memory_space<hbm>>) target_semaphore(%arg27 : memref<!tpu.dma_semaphore, #tpu.memory_space<semaphore_mem>>)
        } else {
        }
        %not3A_678 = arith.constant true
        %not3A_679 = arith.xori %and3A_663, %not3A_678 : i1
        %convert_element_type3A_680 = arith.extui %not3A_679 : i1 to i32
        %cond3A_681 = arith.constant 0 : i32
        %cond3A_682 = arith.cmpi ne, %convert_element_type3A_680, %cond3A_681 : i32
        scf.if %cond3A_682 {
          %dma_start3A_683 = arith.constant 0 : i32
          %dma_start3A_684 = tpu.memref_slice %arg5[%select_n3A_649, %multiple_of3A_658, %dma_start3A_683] : memref<77x1000x512xf32, #tpu.memory_space<hbm>> -> memref<1x48x512xf32, #tpu.memory_space<hbm>>
          %dma_start3A_685 = tpu.memref_squeeze %dma_start3A_684 : memref<1x48x512xf32, #tpu.memory_space<hbm>> -> memref<48x512xf32, #tpu.memory_space<hbm>>
          %dma_start3A_686 = arith.constant 0 : i32
          %dma_start3A_687 = tpu.memref_slice %arg5[%select_n3A_649, %multiple_of3A_658, %dma_start3A_686] : memref<77x1000x512xf32, #tpu.memory_space<hbm>> -> memref<1x48x512xf32, #tpu.memory_space<hbm>>
          %dma_start3A_688 = tpu.memref_squeeze %dma_start3A_687 : memref<1x48x512xf32, #tpu.memory_space<hbm>> -> memref<48x512xf32, #tpu.memory_space<hbm>>
          tpu.enqueue_dma source(%arg7 : memref<48x512xf32, #tpu.memory_space<vmem>>) target(%dma_start3A_688 : memref<48x512xf32, #tpu.memory_space<hbm>>) target_semaphore(%arg27 : memref<!tpu.dma_semaphore, #tpu.memory_space<semaphore_mem>>)
        } else {
        }
      } else {
      }
      %add3A_489 = arith.constant 4 : i32
      %add3A_490 = arith.addi %add3A_484, %add3A_489 : i32
      %lt3A_491 = arith.cmpi slt, %add3A_490, %select_n3A : i32
      %convert_element_type3A_492 = arith.extui %lt3A_491 : i1 to i32
      %cond3A_493 = arith.constant 0 : i32
      %cond3A_494 = arith.cmpi ne, %convert_element_type3A_492, %cond3A_493 : i32
      scf.if %cond3A_494 {
        %add3A_561 = arith.constant 4 : i32
        %add3A_562 = arith.addi %add3A_484, %add3A_561 : i32
        %rem3A_563 = arith.remsi %add3A_562, %select_n3A : i32
        %mul3A_564 = arith.constant 32 : i32
        %mul3A_565 = arith.muli %mul3A_564, %rem3A_563 : i32
        %add3A_566 = arith.addi %add3A, %mul3A_565 : i32
        %jit3A_567 = arith.constant 21 : i32
        %div3A_568 = arith.divsi %add3A_566, %jit3A_567 : i32
        %sign3A_569 = arith.constant 0 : i32
        %sign3A_570 = arith.cmpi sgt, %add3A_566, %sign3A_569 : i32
        %sign3A_571 = arith.extui %sign3A_570 : i1 to i32
        %sign3A_572 = arith.constant 0 : i32
        %sign3A_573 = arith.cmpi slt, %add3A_566, %sign3A_572 : i32
        %sign3A_574 = arith.extui %sign3A_573 : i1 to i32
        %sign3A_575 = arith.subi %sign3A_571, %sign3A_574 : i32
        %sign3A_576 = arith.constant 0 : i32
        %sign3A_577 = arith.cmpi sgt, %jit3A_567, %sign3A_576 : i32
        %sign3A_578 = arith.extui %sign3A_577 : i1 to i32
        %sign3A_579 = arith.constant 0 : i32
        %sign3A_580 = arith.cmpi slt, %jit3A_567, %sign3A_579 : i32
        %sign3A_581 = arith.extui %sign3A_580 : i1 to i32
        %sign3A_582 = arith.subi %sign3A_578, %sign3A_581 : i32
        %ne3A_583 = arith.cmpi ne, %sign3A_575, %sign3A_582 : i32
        %rem3A_584 = arith.remsi %add3A_566, %jit3A_567 : i32
        %ne3A_585 = arith.constant 0 : i32
        %ne3A_586 = arith.cmpi ne, %rem3A_584, %ne3A_585 : i32
        %and3A_587 = arith.andi %ne3A_583, %ne3A_586 : i1
        %sub3A_588 = arith.constant 1 : i32
        %sub3A_589 = arith.subi %div3A_568, %sub3A_588 : i32
        %select_n3A_590 = arith.select %and3A_587, %sub3A_589, %div3A_568 : i32
        %rem3A_591 = arith.constant 21 : i32
        %rem3A_592 = arith.remsi %add3A_566, %rem3A_591 : i32
        %eq3A_593 = arith.constant 20 : i32
        %eq3A_594 = arith.cmpi eq, %rem3A_592, %eq3A_593 : i32
        %mul3A_595 = arith.constant 48 : i32
        %mul3A_596 = arith.muli %rem3A_592, %mul3A_595 : i32
        %jit3A_597 = arith.constant 952 : i32
        %select_n3A_598 = arith.select %eq3A_594, %jit3A_597, %mul3A_596 : i32
        %multiple_of3A_599 = tpu.assume_multiple %select_n3A_598, 8 : i32
        %ge3A_600 = arith.constant 1 : i32
        %ge3A_601 = arith.cmpi sge, %select_n3A_590, %ge3A_600 : i32
        %lt3A_602 = arith.constant 17 : i32
        %lt3A_603 = arith.cmpi slt, %select_n3A_590, %lt3A_602 : i32
        %and3A_604 = arith.andi %ge3A_601, %lt3A_603 : i1
        %eq3A_605 = arith.constant 0 : i32
        %eq3A_606 = arith.cmpi eq, %select_n3A_590, %eq3A_605 : i32
        %or3A_607 = arith.ori %and3A_604, %eq3A_606 : i1
        %sub3A_608 = arith.constant 16 : i32
        %sub3A_609 = arith.subi %select_n3A_590, %sub3A_608 : i32
        %jit3A_610 = arith.constant 0 : i32
        %select_n3A_611 = arith.select %or3A_607, %jit3A_610, %sub3A_609 : i32
        %mul3A_612 = arith.constant 1000 : i32
        %mul3A_613 = arith.muli %select_n3A_611, %mul3A_612 : i32
        %add3A_614 = arith.addi %mul3A_613, %multiple_of3A_599 : i32
        %multiple_of3A_615 = tpu.assume_multiple %add3A_614, 8 : i32
        %dma_start3A_616 = tpu.memref_slice %arg2[%multiple_of3A_615] : memref<61000xi32, #tpu.memory_space<hbm>> -> memref<48xi32, #tpu.memory_space<hbm>>
        %dma_start3A_617 = tpu.memref_slice %arg2[%multiple_of3A_615] : memref<61000xi32, #tpu.memory_space<hbm>> -> memref<48xi32, #tpu.memory_space<hbm>>
        tpu.enqueue_dma source(%dma_start3A_617 : memref<48xi32, #tpu.memory_space<hbm>>) target(%arg11 : memref<48xi32, #tpu.memory_space<vmem>>) target_semaphore(%arg16 : memref<!tpu.dma_semaphore, #tpu.memory_space<semaphore_mem>>)
      } else {
      }
      %add3A_495 = arith.constant 3 : i32
      %add3A_496 = arith.addi %add3A_484, %add3A_495 : i32
      %lt3A_497 = arith.cmpi slt, %add3A_496, %select_n3A : i32
      %convert_element_type3A_498 = arith.extui %lt3A_497 : i1 to i32
      %cond3A_499 = arith.constant 0 : i32
      %cond3A_500 = arith.cmpi ne, %convert_element_type3A_498, %cond3A_499 : i32
      scf.if %cond3A_500 {
        %dma_wait3A_561 = arith.constant 0 : i32
        %dma_wait3A_562 = tpu.memref_slice %arg2[%dma_wait3A_561] : memref<61000xi32, #tpu.memory_space<hbm>> -> memref<48xi32, #tpu.memory_space<hbm>>
        %dma_wait3A_563 = arith.constant 0 : i32
        %dma_wait3A_564 = tpu.memref_slice %arg2[%dma_wait3A_563] : memref<61000xi32, #tpu.memory_space<hbm>> -> memref<48xi32, #tpu.memory_space<hbm>>
        tpu.wait_dma2 semaphore(%arg20 : memref<!tpu.dma_semaphore, #tpu.memory_space<semaphore_mem>>) src(%dma_wait3A_564 : memref<48xi32, #tpu.memory_space<hbm>>) dst(%arg15 : memref<48xi32, #tpu.memory_space<vmem>>)
        %ge3A_565 = arith.constant 2 : i32
        %ge3A_566 = arith.cmpi sge, %add3A_484, %ge3A_565 : i32
        %convert_element_type3A_567 = arith.extui %ge3A_566 : i1 to i32
        %cond3A_568 = arith.constant 0 : i32
        %cond3A_569 = arith.cmpi ne, %convert_element_type3A_567, %cond3A_568 : i32
        scf.if %cond3A_569 {
          %dma_wait3A_633 = arith.constant 0 : i32
          %dma_wait3A_634 = arith.constant 0 : i32
          %dma_wait3A_635 = arith.constant 0 : i32
          %dma_wait3A_636 = tpu.memref_slice %arg5[%dma_wait3A_633, %dma_wait3A_634, %dma_wait3A_635] : memref<77x1000x512xf32, #tpu.memory_space<hbm>> -> memref<1x48x512xf32, #tpu.memory_space<hbm>>
          %dma_wait3A_637 = tpu.memref_squeeze %dma_wait3A_636 : memref<1x48x512xf32, #tpu.memory_space<hbm>> -> memref<48x512xf32, #tpu.memory_space<hbm>>
          %dma_wait3A_638 = arith.constant 0 : i32
          %dma_wait3A_639 = arith.constant 0 : i32
          %dma_wait3A_640 = tpu.memref_slice %arg5[%dma_wait3A_633, %dma_wait3A_638, %dma_wait3A_639] : memref<77x1000x512xf32, #tpu.memory_space<hbm>> -> memref<1x48x512xf32, #tpu.memory_space<hbm>>
          %dma_wait3A_641 = tpu.memref_squeeze %dma_wait3A_640 : memref<1x48x512xf32, #tpu.memory_space<hbm>> -> memref<48x512xf32, #tpu.memory_space<hbm>>
          tpu.wait_dma2 semaphore(%arg30 : memref<!tpu.dma_semaphore, #tpu.memory_space<semaphore_mem>>) src(%arg10 : memref<48x512xf32, #tpu.memory_space<vmem>>) dst(%dma_wait3A_641 : memref<48x512xf32, #tpu.memory_space<hbm>>)
        } else {
        }
        %add3A_570 = arith.constant 3 : i32
        %add3A_571 = arith.addi %add3A_484, %add3A_570 : i32
        %rem3A_572 = arith.remsi %add3A_571, %select_n3A : i32
        %mul3A_573 = arith.constant 32 : i32
        %mul3A_574 = arith.muli %mul3A_573, %rem3A_572 : i32
        %add3A_575 = arith.addi %add3A, %mul3A_574 : i32
        %jit3A_576 = arith.constant 21 : i32
        %div3A_577 = arith.divsi %add3A_575, %jit3A_576 : i32
        %sign3A_578 = arith.constant 0 : i32
        %sign3A_579 = arith.cmpi sgt, %add3A_575, %sign3A_578 : i32
        %sign3A_580 = arith.extui %sign3A_579 : i1 to i32
        %sign3A_581 = arith.constant 0 : i32
        %sign3A_582 = arith.cmpi slt, %add3A_575, %sign3A_581 : i32
        %sign3A_583 = arith.extui %sign3A_582 : i1 to i32
        %sign3A_584 = arith.subi %sign3A_580, %sign3A_583 : i32
        %sign3A_585 = arith.constant 0 : i32
        %sign3A_586 = arith.cmpi sgt, %jit3A_576, %sign3A_585 : i32
        %sign3A_587 = arith.extui %sign3A_586 : i1 to i32
        %sign3A_588 = arith.constant 0 : i32
        %sign3A_589 = arith.cmpi slt, %jit3A_576, %sign3A_588 : i32
        %sign3A_590 = arith.extui %sign3A_589 : i1 to i32
        %sign3A_591 = arith.subi %sign3A_587, %sign3A_590 : i32
        %ne3A_592 = arith.cmpi ne, %sign3A_584, %sign3A_591 : i32
        %rem3A_593 = arith.remsi %add3A_575, %jit3A_576 : i32
        %ne3A_594 = arith.constant 0 : i32
        %ne3A_595 = arith.cmpi ne, %rem3A_593, %ne3A_594 : i32
        %and3A_596 = arith.andi %ne3A_592, %ne3A_595 : i1
        %sub3A_597 = arith.constant 1 : i32
        %sub3A_598 = arith.subi %div3A_577, %sub3A_597 : i32
        %select_n3A_599 = arith.select %and3A_596, %sub3A_598, %div3A_577 : i32
        %rem3A_600 = arith.constant 21 : i32
        %rem3A_601 = arith.remsi %add3A_575, %rem3A_600 : i32
        %eq3A_602 = arith.constant 20 : i32
        %eq3A_603 = arith.cmpi eq, %rem3A_601, %eq3A_602 : i32
        %mul3A_604 = arith.constant 48 : i32
        %mul3A_605 = arith.muli %rem3A_601, %mul3A_604 : i32
        %jit3A_606 = arith.constant 952 : i32
        %select_n3A_607 = arith.select %eq3A_603, %jit3A_606, %mul3A_605 : i32
        %multiple_of3A_608 = tpu.assume_multiple %select_n3A_607, 8 : i32
        %ge3A_609 = arith.constant 1 : i32
        %ge3A_610 = arith.cmpi sge, %select_n3A_599, %ge3A_609 : i32
        %lt3A_611 = arith.constant 17 : i32
        %lt3A_612 = arith.cmpi slt, %select_n3A_599, %lt3A_611 : i32
        %and3A_613 = arith.andi %ge3A_610, %lt3A_612 : i1
        %eq3A_614 = arith.constant 0 : i32
        %eq3A_615 = arith.cmpi eq, %select_n3A_599, %eq3A_614 : i32
        %or3A_616 = arith.ori %and3A_613, %eq3A_615 : i1
        %sub3A_617 = arith.constant 16 : i32
        %sub3A_618 = arith.subi %select_n3A_599, %sub3A_617 : i32
        %jit3A_619 = arith.constant 0 : i32
        %select_n3A_620 = arith.select %or3A_616, %jit3A_619, %sub3A_618 : i32
        %mul3A_621 = arith.constant 1000 : i32
        %mul3A_622 = arith.muli %select_n3A_620, %mul3A_621 : i32
        %add3A_623 = arith.addi %mul3A_622, %multiple_of3A_608 : i32
        %multiple_of3A_624 = tpu.assume_multiple %add3A_623, 8 : i32
        %convert_element_type3A_625 = arith.extui %and3A_613 : i1 to i32
        %cond3A_626 = arith.constant 0 : i32
        %cond3A_627 = arith.cmpi ne, %convert_element_type3A_625, %cond3A_626 : i32
        scf.if %cond3A_627 {
          %sub3A_633 = arith.constant 1 : i32
          %sub3A_634 = arith.subi %select_n3A_599, %sub3A_633 : i32
          %dma_start3A_635 = arith.constant 0 : i32
          %dma_start3A_636 = arith.constant 0 : i32
          %dma_start3A_637 = tpu.memref_slice %arg10[%dma_start3A_635, %dma_start3A_636] : memref<48x512xf32, #tpu.memory_space<vmem>> -> memref<8x512xf32, #tpu.memory_space<vmem>>
          %dma_start3A_638 = arith.constant 0 : i32
          %dma_start3A_639 = arith.constant 0 : i32
          %dma_start3A_640 = tpu.memref_slice %arg4[%sub3A_634, %dma_start3A_638, %dma_start3A_639] : memref<16x8x512xf32, #tpu.memory_space<hbm>> -> memref<1x8x512xf32, #tpu.memory_space<hbm>>
          %dma_start3A_641 = tpu.memref_squeeze %dma_start3A_640 : memref<1x8x512xf32, #tpu.memory_space<hbm>> -> memref<8x512xf32, #tpu.memory_space<hbm>>
          %dma_start3A_642 = arith.constant 0 : i32
          %dma_start3A_643 = arith.constant 0 : i32
          %dma_start3A_644 = tpu.memref_slice %arg10[%dma_start3A_642, %dma_start3A_643] : memref<48x512xf32, #tpu.memory_space<vmem>> -> memref<8x512xf32, #tpu.memory_space<vmem>>
          %dma_start3A_645 = arith.constant 0 : i32
          %dma_start3A_646 = arith.constant 0 : i32
          %dma_start3A_647 = tpu.memref_slice %arg4[%sub3A_634, %dma_start3A_645, %dma_start3A_646] : memref<16x8x512xf32, #tpu.memory_space<hbm>> -> memref<1x8x512xf32, #tpu.memory_space<hbm>>
          %dma_start3A_648 = tpu.memref_squeeze %dma_start3A_647 : memref<1x8x512xf32, #tpu.memory_space<hbm>> -> memref<8x512xf32, #tpu.memory_space<hbm>>
          tpu.enqueue_dma source(%dma_start3A_648 : memref<8x512xf32, #tpu.memory_space<hbm>>) target(%dma_start3A_644 : memref<8x512xf32, #tpu.memory_space<vmem>>) target_semaphore(%arg25 : memref<!tpu.dma_semaphore, #tpu.memory_space<semaphore_mem>>)
        } else {
        }
        %not3A_628 = arith.constant true
        %not3A_629 = arith.xori %and3A_613, %not3A_628 : i1
        %convert_element_type3A_630 = arith.extui %not3A_629 : i1 to i32
        %cond3A_631 = arith.constant 0 : i32
        %cond3A_632 = arith.cmpi ne, %convert_element_type3A_630, %cond3A_631 : i32
        scf.if %cond3A_632 {
          %dma_start3A_633 = arith.constant 0 : i32
          %dma_start3A_634 = arith.constant 0 : i32
          %dma_start3A_635 = tpu.memref_slice %arg3[%dma_start3A_633, %dma_start3A_634] : memref<49408x512xf32, #tpu.memory_space<hbm>> -> memref<49408x512xf32, #tpu.memory_space<hbm>>
          tpu.enqueue_indirect_dma source(%dma_start3A_635 : memref<49408x512xf32, #tpu.memory_space<hbm>>) target(%arg10 : memref<48x512xf32, #tpu.memory_space<vmem>>) offsets(%arg15 : memref<48xi32, #tpu.memory_space<vmem>>) semaphore(%arg25 : memref<!tpu.dma_semaphore, #tpu.memory_space<semaphore_mem>>)
        } else {
        }
      } else {
      }
      %mul3A_501 = arith.constant 5 : i32
      %mul3A_502 = arith.muli %scan3A_460, %mul3A_501 : i32
      %add3A_503 = arith.constant 2 : i32
      %add3A_504 = arith.addi %mul3A_502, %add3A_503 : i32
      %lt3A_505 = arith.cmpi slt, %add3A_504, %select_n3A : i32
      %convert_element_type3A_506 = arith.extui %lt3A_505 : i1 to i32
      %cond3A_507 = arith.constant 0 : i32
      %cond3A_508 = arith.cmpi ne, %convert_element_type3A_506, %cond3A_507 : i32
      scf.if %cond3A_508 {
        %rem3A_561 = arith.remsi %add3A_504, %select_n3A : i32
        %mul3A_562 = arith.constant 32 : i32
        %mul3A_563 = arith.muli %mul3A_562, %rem3A_561 : i32
        %add3A_564 = arith.addi %add3A, %mul3A_563 : i32
        %jit3A_565 = arith.constant 21 : i32
        %div3A_566 = arith.divsi %add3A_564, %jit3A_565 : i32
        %sign3A_567 = arith.constant 0 : i32
        %sign3A_568 = arith.cmpi sgt, %add3A_564, %sign3A_567 : i32
        %sign3A_569 = arith.extui %sign3A_568 : i1 to i32
        %sign3A_570 = arith.constant 0 : i32
        %sign3A_571 = arith.cmpi slt, %add3A_564, %sign3A_570 : i32
        %sign3A_572 = arith.extui %sign3A_571 : i1 to i32
        %sign3A_573 = arith.subi %sign3A_569, %sign3A_572 : i32
        %sign3A_574 = arith.constant 0 : i32
        %sign3A_575 = arith.cmpi sgt, %jit3A_565, %sign3A_574 : i32
        %sign3A_576 = arith.extui %sign3A_575 : i1 to i32
        %sign3A_577 = arith.constant 0 : i32
        %sign3A_578 = arith.cmpi slt, %jit3A_565, %sign3A_577 : i32
        %sign3A_579 = arith.extui %sign3A_578 : i1 to i32
        %sign3A_580 = arith.subi %sign3A_576, %sign3A_579 : i32
        %ne3A_581 = arith.cmpi ne, %sign3A_573, %sign3A_580 : i32
        %rem3A_582 = arith.remsi %add3A_564, %jit3A_565 : i32
        %ne3A_583 = arith.constant 0 : i32
        %ne3A_584 = arith.cmpi ne, %rem3A_582, %ne3A_583 : i32
        %and3A_585 = arith.andi %ne3A_581, %ne3A_584 : i1
        %sub3A_586 = arith.constant 1 : i32
        %sub3A_587 = arith.subi %div3A_566, %sub3A_586 : i32
        %select_n3A_588 = arith.select %and3A_585, %sub3A_587, %div3A_566 : i32
        %rem3A_589 = arith.constant 21 : i32
        %rem3A_590 = arith.remsi %add3A_564, %rem3A_589 : i32
        %eq3A_591 = arith.constant 20 : i32
        %eq3A_592 = arith.cmpi eq, %rem3A_590, %eq3A_591 : i32
        %mul3A_593 = arith.constant 48 : i32
        %mul3A_594 = arith.muli %rem3A_590, %mul3A_593 : i32
        %jit3A_595 = arith.constant 952 : i32
        %select_n3A_596 = arith.select %eq3A_592, %jit3A_595, %mul3A_594 : i32
        %multiple_of3A_597 = tpu.assume_multiple %select_n3A_596, 8 : i32
        %ge3A_598 = arith.constant 1 : i32
        %ge3A_599 = arith.cmpi sge, %select_n3A_588, %ge3A_598 : i32
        %lt3A_600 = arith.constant 17 : i32
        %lt3A_601 = arith.cmpi slt, %select_n3A_588, %lt3A_600 : i32
        %and3A_602 = arith.andi %ge3A_599, %lt3A_601 : i1
        %eq3A_603 = arith.constant 0 : i32
        %eq3A_604 = arith.cmpi eq, %select_n3A_588, %eq3A_603 : i32
        %or3A_605 = arith.ori %and3A_602, %eq3A_604 : i1
        %sub3A_606 = arith.constant 16 : i32
        %sub3A_607 = arith.subi %select_n3A_588, %sub3A_606 : i32
        %jit3A_608 = arith.constant 0 : i32
        %select_n3A_609 = arith.select %or3A_605, %jit3A_608, %sub3A_607 : i32
        %mul3A_610 = arith.constant 1000 : i32
        %mul3A_611 = arith.muli %select_n3A_609, %mul3A_610 : i32
        %add3A_612 = arith.addi %mul3A_611, %multiple_of3A_597 : i32
        %multiple_of3A_613 = tpu.assume_multiple %add3A_612, 8 : i32
        %convert_element_type3A_614 = arith.extui %and3A_602 : i1 to i32
        %cond3A_615 = arith.constant 0 : i32
        %cond3A_616 = arith.cmpi ne, %convert_element_type3A_614, %cond3A_615 : i32
        scf.if %cond3A_616 {
          %dma_wait3A_683 = arith.constant 0 : i32
          %dma_wait3A_684 = arith.constant 0 : i32
          %dma_wait3A_685 = arith.constant 0 : i32
          %dma_wait3A_686 = tpu.memref_slice %arg8[%dma_wait3A_684, %dma_wait3A_685] : memref<48x512xf32, #tpu.memory_space<vmem>> -> memref<8x512xf32, #tpu.memory_space<vmem>>
          %dma_wait3A_687 = arith.constant 0 : i32
          %dma_wait3A_688 = arith.constant 0 : i32
          %dma_wait3A_689 = tpu.memref_slice %arg4[%dma_wait3A_683, %dma_wait3A_687, %dma_wait3A_688] : memref<16x8x512xf32, #tpu.memory_space<hbm>> -> memref<1x8x512xf32, #tpu.memory_space<hbm>>
          %dma_wait3A_690 = tpu.memref_squeeze %dma_wait3A_689 : memref<1x8x512xf32, #tpu.memory_space<hbm>> -> memref<8x512xf32, #tpu.memory_space<hbm>>
          %dma_wait3A_691 = arith.constant 0 : i32
          %dma_wait3A_692 = arith.constant 0 : i32
          %dma_wait3A_693 = tpu.memref_slice %arg8[%dma_wait3A_691, %dma_wait3A_692] : memref<48x512xf32, #tpu.memory_space<vmem>> -> memref<8x512xf32, #tpu.memory_space<vmem>>
          %dma_wait3A_694 = arith.constant 0 : i32
          %dma_wait3A_695 = arith.constant 0 : i32
          %dma_wait3A_696 = tpu.memref_slice %arg4[%dma_wait3A_683, %dma_wait3A_694, %dma_wait3A_695] : memref<16x8x512xf32, #tpu.memory_space<hbm>> -> memref<1x8x512xf32, #tpu.memory_space<hbm>>
          %dma_wait3A_697 = tpu.memref_squeeze %dma_wait3A_696 : memref<1x8x512xf32, #tpu.memory_space<hbm>> -> memref<8x512xf32, #tpu.memory_space<hbm>>
          tpu.wait_dma2 semaphore(%arg23 : memref<!tpu.dma_semaphore, #tpu.memory_space<semaphore_mem>>) src(%dma_wait3A_697 : memref<8x512xf32, #tpu.memory_space<hbm>>) dst(%dma_wait3A_693 : memref<8x512xf32, #tpu.memory_space<vmem>>)
        } else {
        }
        %not3A_617 = arith.constant true
        %not3A_618 = arith.xori %and3A_602, %not3A_617 : i1
        %convert_element_type3A_619 = arith.extui %not3A_618 : i1 to i32
        %cond3A_620 = arith.constant 0 : i32
        %cond3A_621 = arith.cmpi ne, %convert_element_type3A_619, %cond3A_620 : i32
        scf.if %cond3A_621 {
          %dma_wait3A_683 = arith.constant 0 : i32
          %dma_wait3A_684 = arith.constant 0 : i32
          %dma_wait3A_685 = tpu.memref_slice %arg3[%dma_wait3A_683, %dma_wait3A_684] : memref<49408x512xf32, #tpu.memory_space<hbm>> -> memref<48x512xf32, #tpu.memory_space<hbm>>
          %dma_wait3A_686 = arith.constant 0 : i32
          %dma_wait3A_687 = arith.constant 0 : i32
          %dma_wait3A_688 = tpu.memref_slice %arg3[%dma_wait3A_686, %dma_wait3A_687] : memref<49408x512xf32, #tpu.memory_space<hbm>> -> memref<48x512xf32, #tpu.memory_space<hbm>>
          tpu.wait_dma2 semaphore(%arg23 : memref<!tpu.dma_semaphore, #tpu.memory_space<semaphore_mem>>) src(%dma_wait3A_688 : memref<48x512xf32, #tpu.memory_space<hbm>>) dst(%arg8 : memref<48x512xf32, #tpu.memory_space<vmem>>)
        } else {
        }
        %rem3A_622 = arith.remsi %add3A_504, %select_n3A : i32
        %mul3A_623 = arith.constant 32 : i32
        %mul3A_624 = arith.muli %mul3A_623, %rem3A_622 : i32
        %add3A_625 = arith.addi %add3A, %mul3A_624 : i32
        %jit3A_626 = arith.constant 21 : i32
        %div3A_627 = arith.divsi %add3A_625, %jit3A_626 : i32
        %sign3A_628 = arith.constant 0 : i32
        %sign3A_629 = arith.cmpi sgt, %add3A_625, %sign3A_628 : i32
        %sign3A_630 = arith.extui %sign3A_629 : i1 to i32
        %sign3A_631 = arith.constant 0 : i32
        %sign3A_632 = arith.cmpi slt, %add3A_625, %sign3A_631 : i32
        %sign3A_633 = arith.extui %sign3A_632 : i1 to i32
        %sign3A_634 = arith.subi %sign3A_630, %sign3A_633 : i32
        %sign3A_635 = arith.constant 0 : i32
        %sign3A_636 = arith.cmpi sgt, %jit3A_626, %sign3A_635 : i32
        %sign3A_637 = arith.extui %sign3A_636 : i1 to i32
        %sign3A_638 = arith.constant 0 : i32
        %sign3A_639 = arith.cmpi slt, %jit3A_626, %sign3A_638 : i32
        %sign3A_640 = arith.extui %sign3A_639 : i1 to i32
        %sign3A_641 = arith.subi %sign3A_637, %sign3A_640 : i32
        %ne3A_642 = arith.cmpi ne, %sign3A_634, %sign3A_641 : i32
        %rem3A_643 = arith.remsi %add3A_625, %jit3A_626 : i32
        %ne3A_644 = arith.constant 0 : i32
        %ne3A_645 = arith.cmpi ne, %rem3A_643, %ne3A_644 : i32
        %and3A_646 = arith.andi %ne3A_642, %ne3A_645 : i1
        %sub3A_647 = arith.constant 1 : i32
        %sub3A_648 = arith.subi %div3A_627, %sub3A_647 : i32
        %select_n3A_649 = arith.select %and3A_646, %sub3A_648, %div3A_627 : i32
        %rem3A_650 = arith.constant 21 : i32
        %rem3A_651 = arith.remsi %add3A_625, %rem3A_650 : i32
        %eq3A_652 = arith.constant 20 : i32
        %eq3A_653 = arith.cmpi eq, %rem3A_651, %eq3A_652 : i32
        %mul3A_654 = arith.constant 48 : i32
        %mul3A_655 = arith.muli %rem3A_651, %mul3A_654 : i32
        %jit3A_656 = arith.constant 952 : i32
        %select_n3A_657 = arith.select %eq3A_653, %jit3A_656, %mul3A_655 : i32
        %multiple_of3A_658 = tpu.assume_multiple %select_n3A_657, 8 : i32
        %ge3A_659 = arith.constant 1 : i32
        %ge3A_660 = arith.cmpi sge, %select_n3A_649, %ge3A_659 : i32
        %lt3A_661 = arith.constant 17 : i32
        %lt3A_662 = arith.cmpi slt, %select_n3A_649, %lt3A_661 : i32
        %and3A_663 = arith.andi %ge3A_660, %lt3A_662 : i1
        %eq3A_664 = arith.constant 0 : i32
        %eq3A_665 = arith.cmpi eq, %select_n3A_649, %eq3A_664 : i32
        %or3A_666 = arith.ori %and3A_663, %eq3A_665 : i1
        %sub3A_667 = arith.constant 16 : i32
        %sub3A_668 = arith.subi %select_n3A_649, %sub3A_667 : i32
        %jit3A_669 = arith.constant 0 : i32
        %select_n3A_670 = arith.select %or3A_666, %jit3A_669, %sub3A_668 : i32
        %mul3A_671 = arith.constant 1000 : i32
        %mul3A_672 = arith.muli %select_n3A_670, %mul3A_671 : i32
        %add3A_673 = arith.addi %mul3A_672, %multiple_of3A_658 : i32
        %multiple_of3A_674 = tpu.assume_multiple %add3A_673, 8 : i32
        %convert_element_type3A_675 = arith.extui %and3A_663 : i1 to i32
        %cond3A_676 = arith.constant 0 : i32
        %cond3A_677 = arith.cmpi ne, %convert_element_type3A_675, %cond3A_676 : i32
        scf.if %cond3A_677 {
          %add3A_683 = arith.constant 0 : i32
          %add3A_684 = arith.addi %multiple_of3A_658, %add3A_683 : i32
          %dma_start3A_685 = arith.constant 0 : i32
          %dma_start3A_686 = arith.constant 0 : i32
          %dma_start3A_687 = tpu.memref_slice %arg8[%dma_start3A_685, %dma_start3A_686] : memref<48x512xf32, #tpu.memory_space<vmem>> -> memref<8x512xf32, #tpu.memory_space<vmem>>
          %dma_start3A_688 = arith.constant 0 : i32
          %dma_start3A_689 = tpu.memref_slice %arg5[%select_n3A_649, %add3A_684, %dma_start3A_688] : memref<77x1000x512xf32, #tpu.memory_space<hbm>> -> memref<1x8x512xf32, #tpu.memory_space<hbm>>
          %dma_start3A_690 = tpu.memref_squeeze %dma_start3A_689 : memref<1x8x512xf32, #tpu.memory_space<hbm>> -> memref<8x512xf32, #tpu.memory_space<hbm>>
          %dma_start3A_691 = arith.constant 0 : i32
          %dma_start3A_692 = tpu.memref_slice %arg5[%select_n3A_649, %add3A_684, %dma_start3A_691] : memref<77x1000x512xf32, #tpu.memory_space<hbm>> -> memref<1x8x512xf32, #tpu.memory_space<hbm>>
          %dma_start3A_693 = tpu.memref_squeeze %dma_start3A_692 : memref<1x8x512xf32, #tpu.memory_space<hbm>> -> memref<8x512xf32, #tpu.memory_space<hbm>>
          %dma_start3A_694 = arith.constant 0 : i32
          %dma_start3A_695 = arith.constant 0 : i32
          %dma_start3A_696 = tpu.memref_slice %arg8[%dma_start3A_694, %dma_start3A_695] : memref<48x512xf32, #tpu.memory_space<vmem>> -> memref<8x512xf32, #tpu.memory_space<vmem>>
          tpu.enqueue_dma source(%dma_start3A_696 : memref<8x512xf32, #tpu.memory_space<vmem>>) target(%dma_start3A_693 : memref<8x512xf32, #tpu.memory_space<hbm>>) target_semaphore(%arg28 : memref<!tpu.dma_semaphore, #tpu.memory_space<semaphore_mem>>)
          %add3A_697 = arith.constant 8 : i32
          %add3A_698 = arith.addi %multiple_of3A_658, %add3A_697 : i32
          %dma_start3A_699 = arith.constant 0 : i32
          %dma_start3A_700 = arith.constant 0 : i32
          %dma_start3A_701 = tpu.memref_slice %arg8[%dma_start3A_699, %dma_start3A_700] : memref<48x512xf32, #tpu.memory_space<vmem>> -> memref<8x512xf32, #tpu.memory_space<vmem>>
          %dma_start3A_702 = arith.constant 0 : i32
          %dma_start3A_703 = tpu.memref_slice %arg5[%select_n3A_649, %add3A_698, %dma_start3A_702] : memref<77x1000x512xf32, #tpu.memory_space<hbm>> -> memref<1x8x512xf32, #tpu.memory_space<hbm>>
          %dma_start3A_704 = tpu.memref_squeeze %dma_start3A_703 : memref<1x8x512xf32, #tpu.memory_space<hbm>> -> memref<8x512xf32, #tpu.memory_space<hbm>>
          %dma_start3A_705 = arith.constant 0 : i32
          %dma_start3A_706 = tpu.memref_slice %arg5[%select_n3A_649, %add3A_698, %dma_start3A_705] : memref<77x1000x512xf32, #tpu.memory_space<hbm>> -> memref<1x8x512xf32, #tpu.memory_space<hbm>>
          %dma_start3A_707 = tpu.memref_squeeze %dma_start3A_706 : memref<1x8x512xf32, #tpu.memory_space<hbm>> -> memref<8x512xf32, #tpu.memory_space<hbm>>
          %dma_start3A_708 = arith.constant 0 : i32
          %dma_start3A_709 = arith.constant 0 : i32
          %dma_start3A_710 = tpu.memref_slice %arg8[%dma_start3A_708, %dma_start3A_709] : memref<48x512xf32, #tpu.memory_space<vmem>> -> memref<8x512xf32, #tpu.memory_space<vmem>>
          tpu.enqueue_dma source(%dma_start3A_710 : memref<8x512xf32, #tpu.memory_space<vmem>>) target(%dma_start3A_707 : memref<8x512xf32, #tpu.memory_space<hbm>>) target_semaphore(%arg28 : memref<!tpu.dma_semaphore, #tpu.memory_space<semaphore_mem>>)
          %add3A_711 = arith.constant 16 : i32
          %add3A_712 = arith.addi %multiple_of3A_658, %add3A_711 : i32
          %dma_start3A_713 = arith.constant 0 : i32
          %dma_start3A_714 = arith.constant 0 : i32
          %dma_start3A_715 = tpu.memref_slice %arg8[%dma_start3A_713, %dma_start3A_714] : memref<48x512xf32, #tpu.memory_space<vmem>> -> memref<8x512xf32, #tpu.memory_space<vmem>>
          %dma_start3A_716 = arith.constant 0 : i32
          %dma_start3A_717 = tpu.memref_slice %arg5[%select_n3A_649, %add3A_712, %dma_start3A_716] : memref<77x1000x512xf32, #tpu.memory_space<hbm>> -> memref<1x8x512xf32, #tpu.memory_space<hbm>>
          %dma_start3A_718 = tpu.memref_squeeze %dma_start3A_717 : memref<1x8x512xf32, #tpu.memory_space<hbm>> -> memref<8x512xf32, #tpu.memory_space<hbm>>
          %dma_start3A_719 = arith.constant 0 : i32
          %dma_start3A_720 = tpu.memref_slice %arg5[%select_n3A_649, %add3A_712, %dma_start3A_719] : memref<77x1000x512xf32, #tpu.memory_space<hbm>> -> memref<1x8x512xf32, #tpu.memory_space<hbm>>
          %dma_start3A_721 = tpu.memref_squeeze %dma_start3A_720 : memref<1x8x512xf32, #tpu.memory_space<hbm>> -> memref<8x512xf32, #tpu.memory_space<hbm>>
          %dma_start3A_722 = arith.constant 0 : i32
          %dma_start3A_723 = arith.constant 0 : i32
          %dma_start3A_724 = tpu.memref_slice %arg8[%dma_start3A_722, %dma_start3A_723] : memref<48x512xf32, #tpu.memory_space<vmem>> -> memref<8x512xf32, #tpu.memory_space<vmem>>
          tpu.enqueue_dma source(%dma_start3A_724 : memref<8x512xf32, #tpu.memory_space<vmem>>) target(%dma_start3A_721 : memref<8x512xf32, #tpu.memory_space<hbm>>) target_semaphore(%arg28 : memref<!tpu.dma_semaphore, #tpu.memory_space<semaphore_mem>>)
          %add3A_725 = arith.constant 24 : i32
          %add3A_726 = arith.addi %multiple_of3A_658, %add3A_725 : i32
          %dma_start3A_727 = arith.constant 0 : i32
          %dma_start3A_728 = arith.constant 0 : i32
          %dma_start3A_729 = tpu.memref_slice %arg8[%dma_start3A_727, %dma_start3A_728] : memref<48x512xf32, #tpu.memory_space<vmem>> -> memref<8x512xf32, #tpu.memory_space<vmem>>
          %dma_start3A_730 = arith.constant 0 : i32
          %dma_start3A_731 = tpu.memref_slice %arg5[%select_n3A_649, %add3A_726, %dma_start3A_730] : memref<77x1000x512xf32, #tpu.memory_space<hbm>> -> memref<1x8x512xf32, #tpu.memory_space<hbm>>
          %dma_start3A_732 = tpu.memref_squeeze %dma_start3A_731 : memref<1x8x512xf32, #tpu.memory_space<hbm>> -> memref<8x512xf32, #tpu.memory_space<hbm>>
          %dma_start3A_733 = arith.constant 0 : i32
          %dma_start3A_734 = tpu.memref_slice %arg5[%select_n3A_649, %add3A_726, %dma_start3A_733] : memref<77x1000x512xf32, #tpu.memory_space<hbm>> -> memref<1x8x512xf32, #tpu.memory_space<hbm>>
          %dma_start3A_735 = tpu.memref_squeeze %dma_start3A_734 : memref<1x8x512xf32, #tpu.memory_space<hbm>> -> memref<8x512xf32, #tpu.memory_space<hbm>>
          %dma_start3A_736 = arith.constant 0 : i32
          %dma_start3A_737 = arith.constant 0 : i32
          %dma_start3A_738 = tpu.memref_slice %arg8[%dma_start3A_736, %dma_start3A_737] : memref<48x512xf32, #tpu.memory_space<vmem>> -> memref<8x512xf32, #tpu.memory_space<vmem>>
          tpu.enqueue_dma source(%dma_start3A_738 : memref<8x512xf32, #tpu.memory_space<vmem>>) target(%dma_start3A_735 : memref<8x512xf32, #tpu.memory_space<hbm>>) target_semaphore(%arg28 : memref<!tpu.dma_semaphore, #tpu.memory_space<semaphore_mem>>)
          %add3A_739 = arith.constant 32 : i32
          %add3A_740 = arith.addi %multiple_of3A_658, %add3A_739 : i32
          %dma_start3A_741 = arith.constant 0 : i32
          %dma_start3A_742 = arith.constant 0 : i32
          %dma_start3A_743 = tpu.memref_slice %arg8[%dma_start3A_741, %dma_start3A_742] : memref<48x512xf32, #tpu.memory_space<vmem>> -> memref<8x512xf32, #tpu.memory_space<vmem>>
          %dma_start3A_744 = arith.constant 0 : i32
          %dma_start3A_745 = tpu.memref_slice %arg5[%select_n3A_649, %add3A_740, %dma_start3A_744] : memref<77x1000x512xf32, #tpu.memory_space<hbm>> -> memref<1x8x512xf32, #tpu.memory_space<hbm>>
          %dma_start3A_746 = tpu.memref_squeeze %dma_start3A_745 : memref<1x8x512xf32, #tpu.memory_space<hbm>> -> memref<8x512xf32, #tpu.memory_space<hbm>>
          %dma_start3A_747 = arith.constant 0 : i32
          %dma_start3A_748 = tpu.memref_slice %arg5[%select_n3A_649, %add3A_740, %dma_start3A_747] : memref<77x1000x512xf32, #tpu.memory_space<hbm>> -> memref<1x8x512xf32, #tpu.memory_space<hbm>>
          %dma_start3A_749 = tpu.memref_squeeze %dma_start3A_748 : memref<1x8x512xf32, #tpu.memory_space<hbm>> -> memref<8x512xf32, #tpu.memory_space<hbm>>
          %dma_start3A_750 = arith.constant 0 : i32
          %dma_start3A_751 = arith.constant 0 : i32
          %dma_start3A_752 = tpu.memref_slice %arg8[%dma_start3A_750, %dma_start3A_751] : memref<48x512xf32, #tpu.memory_space<vmem>> -> memref<8x512xf32, #tpu.memory_space<vmem>>
          tpu.enqueue_dma source(%dma_start3A_752 : memref<8x512xf32, #tpu.memory_space<vmem>>) target(%dma_start3A_749 : memref<8x512xf32, #tpu.memory_space<hbm>>) target_semaphore(%arg28 : memref<!tpu.dma_semaphore, #tpu.memory_space<semaphore_mem>>)
          %add3A_753 = arith.constant 40 : i32
          %add3A_754 = arith.addi %multiple_of3A_658, %add3A_753 : i32
          %dma_start3A_755 = arith.constant 0 : i32
          %dma_start3A_756 = arith.constant 0 : i32
          %dma_start3A_757 = tpu.memref_slice %arg8[%dma_start3A_755, %dma_start3A_756] : memref<48x512xf32, #tpu.memory_space<vmem>> -> memref<8x512xf32, #tpu.memory_space<vmem>>
          %dma_start3A_758 = arith.constant 0 : i32
          %dma_start3A_759 = tpu.memref_slice %arg5[%select_n3A_649, %add3A_754, %dma_start3A_758] : memref<77x1000x512xf32, #tpu.memory_space<hbm>> -> memref<1x8x512xf32, #tpu.memory_space<hbm>>
          %dma_start3A_760 = tpu.memref_squeeze %dma_start3A_759 : memref<1x8x512xf32, #tpu.memory_space<hbm>> -> memref<8x512xf32, #tpu.memory_space<hbm>>
          %dma_start3A_761 = arith.constant 0 : i32
          %dma_start3A_762 = tpu.memref_slice %arg5[%select_n3A_649, %add3A_754, %dma_start3A_761] : memref<77x1000x512xf32, #tpu.memory_space<hbm>> -> memref<1x8x512xf32, #tpu.memory_space<hbm>>
          %dma_start3A_763 = tpu.memref_squeeze %dma_start3A_762 : memref<1x8x512xf32, #tpu.memory_space<hbm>> -> memref<8x512xf32, #tpu.memory_space<hbm>>
          %dma_start3A_764 = arith.constant 0 : i32
          %dma_start3A_765 = arith.constant 0 : i32
          %dma_start3A_766 = tpu.memref_slice %arg8[%dma_start3A_764, %dma_start3A_765] : memref<48x512xf32, #tpu.memory_space<vmem>> -> memref<8x512xf32, #tpu.memory_space<vmem>>
          tpu.enqueue_dma source(%dma_start3A_766 : memref<8x512xf32, #tpu.memory_space<vmem>>) target(%dma_start3A_763 : memref<8x512xf32, #tpu.memory_space<hbm>>) target_semaphore(%arg28 : memref<!tpu.dma_semaphore, #tpu.memory_space<semaphore_mem>>)
        } else {
        }
        %not3A_678 = arith.constant true
        %not3A_679 = arith.xori %and3A_663, %not3A_678 : i1
        %convert_element_type3A_680 = arith.extui %not3A_679 : i1 to i32
        %cond3A_681 = arith.constant 0 : i32
        %cond3A_682 = arith.cmpi ne, %convert_element_type3A_680, %cond3A_681 : i32
        scf.if %cond3A_682 {
          %dma_start3A_683 = arith.constant 0 : i32
          %dma_start3A_684 = tpu.memref_slice %arg5[%select_n3A_649, %multiple_of3A_658, %dma_start3A_683] : memref<77x1000x512xf32, #tpu.memory_space<hbm>> -> memref<1x48x512xf32, #tpu.memory_space<hbm>>
          %dma_start3A_685 = tpu.memref_squeeze %dma_start3A_684 : memref<1x48x512xf32, #tpu.memory_space<hbm>> -> memref<48x512xf32, #tpu.memory_space<hbm>>
          %dma_start3A_686 = arith.constant 0 : i32
          %dma_start3A_687 = tpu.memref_slice %arg5[%select_n3A_649, %multiple_of3A_658, %dma_start3A_686] : memref<77x1000x512xf32, #tpu.memory_space<hbm>> -> memref<1x48x512xf32, #tpu.memory_space<hbm>>
          %dma_start3A_688 = tpu.memref_squeeze %dma_start3A_687 : memref<1x48x512xf32, #tpu.memory_space<hbm>> -> memref<48x512xf32, #tpu.memory_space<hbm>>
          tpu.enqueue_dma source(%arg8 : memref<48x512xf32, #tpu.memory_space<vmem>>) target(%dma_start3A_688 : memref<48x512xf32, #tpu.memory_space<hbm>>) target_semaphore(%arg28 : memref<!tpu.dma_semaphore, #tpu.memory_space<semaphore_mem>>)
        } else {
        }
      } else {
      }
      %add3A_509 = arith.constant 4 : i32
      %add3A_510 = arith.addi %add3A_504, %add3A_509 : i32
      %lt3A_511 = arith.cmpi slt, %add3A_510, %select_n3A : i32
      %convert_element_type3A_512 = arith.extui %lt3A_511 : i1 to i32
      %cond3A_513 = arith.constant 0 : i32
      %cond3A_514 = arith.cmpi ne, %convert_element_type3A_512, %cond3A_513 : i32
      scf.if %cond3A_514 {
        %add3A_561 = arith.constant 4 : i32
        %add3A_562 = arith.addi %add3A_504, %add3A_561 : i32
        %rem3A_563 = arith.remsi %add3A_562, %select_n3A : i32
        %mul3A_564 = arith.constant 32 : i32
        %mul3A_565 = arith.muli %mul3A_564, %rem3A_563 : i32
        %add3A_566 = arith.addi %add3A, %mul3A_565 : i32
        %jit3A_567 = arith.constant 21 : i32
        %div3A_568 = arith.divsi %add3A_566, %jit3A_567 : i32
        %sign3A_569 = arith.constant 0 : i32
        %sign3A_570 = arith.cmpi sgt, %add3A_566, %sign3A_569 : i32
        %sign3A_571 = arith.extui %sign3A_570 : i1 to i32
        %sign3A_572 = arith.constant 0 : i32
        %sign3A_573 = arith.cmpi slt, %add3A_566, %sign3A_572 : i32
        %sign3A_574 = arith.extui %sign3A_573 : i1 to i32
        %sign3A_575 = arith.subi %sign3A_571, %sign3A_574 : i32
        %sign3A_576 = arith.constant 0 : i32
        %sign3A_577 = arith.cmpi sgt, %jit3A_567, %sign3A_576 : i32
        %sign3A_578 = arith.extui %sign3A_577 : i1 to i32
        %sign3A_579 = arith.constant 0 : i32
        %sign3A_580 = arith.cmpi slt, %jit3A_567, %sign3A_579 : i32
        %sign3A_581 = arith.extui %sign3A_580 : i1 to i32
        %sign3A_582 = arith.subi %sign3A_578, %sign3A_581 : i32
        %ne3A_583 = arith.cmpi ne, %sign3A_575, %sign3A_582 : i32
        %rem3A_584 = arith.remsi %add3A_566, %jit3A_567 : i32
        %ne3A_585 = arith.constant 0 : i32
        %ne3A_586 = arith.cmpi ne, %rem3A_584, %ne3A_585 : i32
        %and3A_587 = arith.andi %ne3A_583, %ne3A_586 : i1
        %sub3A_588 = arith.constant 1 : i32
        %sub3A_589 = arith.subi %div3A_568, %sub3A_588 : i32
        %select_n3A_590 = arith.select %and3A_587, %sub3A_589, %div3A_568 : i32
        %rem3A_591 = arith.constant 21 : i32
        %rem3A_592 = arith.remsi %add3A_566, %rem3A_591 : i32
        %eq3A_593 = arith.constant 20 : i32
        %eq3A_594 = arith.cmpi eq, %rem3A_592, %eq3A_593 : i32
        %mul3A_595 = arith.constant 48 : i32
        %mul3A_596 = arith.muli %rem3A_592, %mul3A_595 : i32
        %jit3A_597 = arith.constant 952 : i32
        %select_n3A_598 = arith.select %eq3A_594, %jit3A_597, %mul3A_596 : i32
        %multiple_of3A_599 = tpu.assume_multiple %select_n3A_598, 8 : i32
        %ge3A_600 = arith.constant 1 : i32
        %ge3A_601 = arith.cmpi sge, %select_n3A_590, %ge3A_600 : i32
        %lt3A_602 = arith.constant 17 : i32
        %lt3A_603 = arith.cmpi slt, %select_n3A_590, %lt3A_602 : i32
        %and3A_604 = arith.andi %ge3A_601, %lt3A_603 : i1
        %eq3A_605 = arith.constant 0 : i32
        %eq3A_606 = arith.cmpi eq, %select_n3A_590, %eq3A_605 : i32
        %or3A_607 = arith.ori %and3A_604, %eq3A_606 : i1
        %sub3A_608 = arith.constant 16 : i32
        %sub3A_609 = arith.subi %select_n3A_590, %sub3A_608 : i32
        %jit3A_610 = arith.constant 0 : i32
        %select_n3A_611 = arith.select %or3A_607, %jit3A_610, %sub3A_609 : i32
        %mul3A_612 = arith.constant 1000 : i32
        %mul3A_613 = arith.muli %select_n3A_611, %mul3A_612 : i32
        %add3A_614 = arith.addi %mul3A_613, %multiple_of3A_599 : i32
        %multiple_of3A_615 = tpu.assume_multiple %add3A_614, 8 : i32
        %dma_start3A_616 = tpu.memref_slice %arg2[%multiple_of3A_615] : memref<61000xi32, #tpu.memory_space<hbm>> -> memref<48xi32, #tpu.memory_space<hbm>>
        %dma_start3A_617 = tpu.memref_slice %arg2[%multiple_of3A_615] : memref<61000xi32, #tpu.memory_space<hbm>> -> memref<48xi32, #tpu.memory_space<hbm>>
        tpu.enqueue_dma source(%dma_start3A_617 : memref<48xi32, #tpu.memory_space<hbm>>) target(%arg12 : memref<48xi32, #tpu.memory_space<vmem>>) target_semaphore(%arg17 : memref<!tpu.dma_semaphore, #tpu.memory_space<semaphore_mem>>)
      } else {
      }
      %add3A_515 = arith.constant 3 : i32
      %add3A_516 = arith.addi %add3A_504, %add3A_515 : i32
      %lt3A_517 = arith.cmpi slt, %add3A_516, %select_n3A : i32
      %convert_element_type3A_518 = arith.extui %lt3A_517 : i1 to i32
      %cond3A_519 = arith.constant 0 : i32
      %cond3A_520 = arith.cmpi ne, %convert_element_type3A_518, %cond3A_519 : i32
      scf.if %cond3A_520 {
        %dma_wait3A_561 = arith.constant 0 : i32
        %dma_wait3A_562 = tpu.memref_slice %arg2[%dma_wait3A_561] : memref<61000xi32, #tpu.memory_space<hbm>> -> memref<48xi32, #tpu.memory_space<hbm>>
        %dma_wait3A_563 = arith.constant 0 : i32
        %dma_wait3A_564 = tpu.memref_slice %arg2[%dma_wait3A_563] : memref<61000xi32, #tpu.memory_space<hbm>> -> memref<48xi32, #tpu.memory_space<hbm>>
        tpu.wait_dma2 semaphore(%arg16 : memref<!tpu.dma_semaphore, #tpu.memory_space<semaphore_mem>>) src(%dma_wait3A_564 : memref<48xi32, #tpu.memory_space<hbm>>) dst(%arg11 : memref<48xi32, #tpu.memory_space<vmem>>)
        %ge3A_565 = arith.constant 2 : i32
        %ge3A_566 = arith.cmpi sge, %add3A_504, %ge3A_565 : i32
        %convert_element_type3A_567 = arith.extui %ge3A_566 : i1 to i32
        %cond3A_568 = arith.constant 0 : i32
        %cond3A_569 = arith.cmpi ne, %convert_element_type3A_567, %cond3A_568 : i32
        scf.if %cond3A_569 {
          %dma_wait3A_633 = arith.constant 0 : i32
          %dma_wait3A_634 = arith.constant 0 : i32
          %dma_wait3A_635 = arith.constant 0 : i32
          %dma_wait3A_636 = tpu.memref_slice %arg5[%dma_wait3A_633, %dma_wait3A_634, %dma_wait3A_635] : memref<77x1000x512xf32, #tpu.memory_space<hbm>> -> memref<1x48x512xf32, #tpu.memory_space<hbm>>
          %dma_wait3A_637 = tpu.memref_squeeze %dma_wait3A_636 : memref<1x48x512xf32, #tpu.memory_space<hbm>> -> memref<48x512xf32, #tpu.memory_space<hbm>>
          %dma_wait3A_638 = arith.constant 0 : i32
          %dma_wait3A_639 = arith.constant 0 : i32
          %dma_wait3A_640 = tpu.memref_slice %arg5[%dma_wait3A_633, %dma_wait3A_638, %dma_wait3A_639] : memref<77x1000x512xf32, #tpu.memory_space<hbm>> -> memref<1x48x512xf32, #tpu.memory_space<hbm>>
          %dma_wait3A_641 = tpu.memref_squeeze %dma_wait3A_640 : memref<1x48x512xf32, #tpu.memory_space<hbm>> -> memref<48x512xf32, #tpu.memory_space<hbm>>
          tpu.wait_dma2 semaphore(%arg26 : memref<!tpu.dma_semaphore, #tpu.memory_space<semaphore_mem>>) src(%arg6 : memref<48x512xf32, #tpu.memory_space<vmem>>) dst(%dma_wait3A_641 : memref<48x512xf32, #tpu.memory_space<hbm>>)
        } else {
        }
        %add3A_570 = arith.constant 3 : i32
        %add3A_571 = arith.addi %add3A_504, %add3A_570 : i32
        %rem3A_572 = arith.remsi %add3A_571, %select_n3A : i32
        %mul3A_573 = arith.constant 32 : i32
        %mul3A_574 = arith.muli %mul3A_573, %rem3A_572 : i32
        %add3A_575 = arith.addi %add3A, %mul3A_574 : i32
        %jit3A_576 = arith.constant 21 : i32
        %div3A_577 = arith.divsi %add3A_575, %jit3A_576 : i32
        %sign3A_578 = arith.constant 0 : i32
        %sign3A_579 = arith.cmpi sgt, %add3A_575, %sign3A_578 : i32
        %sign3A_580 = arith.extui %sign3A_579 : i1 to i32
        %sign3A_581 = arith.constant 0 : i32
        %sign3A_582 = arith.cmpi slt, %add3A_575, %sign3A_581 : i32
        %sign3A_583 = arith.extui %sign3A_582 : i1 to i32
        %sign3A_584 = arith.subi %sign3A_580, %sign3A_583 : i32
        %sign3A_585 = arith.constant 0 : i32
        %sign3A_586 = arith.cmpi sgt, %jit3A_576, %sign3A_585 : i32
        %sign3A_587 = arith.extui %sign3A_586 : i1 to i32
        %sign3A_588 = arith.constant 0 : i32
        %sign3A_589 = arith.cmpi slt, %jit3A_576, %sign3A_588 : i32
        %sign3A_590 = arith.extui %sign3A_589 : i1 to i32
        %sign3A_591 = arith.subi %sign3A_587, %sign3A_590 : i32
        %ne3A_592 = arith.cmpi ne, %sign3A_584, %sign3A_591 : i32
        %rem3A_593 = arith.remsi %add3A_575, %jit3A_576 : i32
        %ne3A_594 = arith.constant 0 : i32
        %ne3A_595 = arith.cmpi ne, %rem3A_593, %ne3A_594 : i32
        %and3A_596 = arith.andi %ne3A_592, %ne3A_595 : i1
        %sub3A_597 = arith.constant 1 : i32
        %sub3A_598 = arith.subi %div3A_577, %sub3A_597 : i32
        %select_n3A_599 = arith.select %and3A_596, %sub3A_598, %div3A_577 : i32
        %rem3A_600 = arith.constant 21 : i32
        %rem3A_601 = arith.remsi %add3A_575, %rem3A_600 : i32
        %eq3A_602 = arith.constant 20 : i32
        %eq3A_603 = arith.cmpi eq, %rem3A_601, %eq3A_602 : i32
        %mul3A_604 = arith.constant 48 : i32
        %mul3A_605 = arith.muli %rem3A_601, %mul3A_604 : i32
        %jit3A_606 = arith.constant 952 : i32
        %select_n3A_607 = arith.select %eq3A_603, %jit3A_606, %mul3A_605 : i32
        %multiple_of3A_608 = tpu.assume_multiple %select_n3A_607, 8 : i32
        %ge3A_609 = arith.constant 1 : i32
        %ge3A_610 = arith.cmpi sge, %select_n3A_599, %ge3A_609 : i32
        %lt3A_611 = arith.constant 17 : i32
        %lt3A_612 = arith.cmpi slt, %select_n3A_599, %lt3A_611 : i32
        %and3A_613 = arith.andi %ge3A_610, %lt3A_612 : i1
        %eq3A_614 = arith.constant 0 : i32
        %eq3A_615 = arith.cmpi eq, %select_n3A_599, %eq3A_614 : i32
        %or3A_616 = arith.ori %and3A_613, %eq3A_615 : i1
        %sub3A_617 = arith.constant 16 : i32
        %sub3A_618 = arith.subi %select_n3A_599, %sub3A_617 : i32
        %jit3A_619 = arith.constant 0 : i32
        %select_n3A_620 = arith.select %or3A_616, %jit3A_619, %sub3A_618 : i32
        %mul3A_621 = arith.constant 1000 : i32
        %mul3A_622 = arith.muli %select_n3A_620, %mul3A_621 : i32
        %add3A_623 = arith.addi %mul3A_622, %multiple_of3A_608 : i32
        %multiple_of3A_624 = tpu.assume_multiple %add3A_623, 8 : i32
        %convert_element_type3A_625 = arith.extui %and3A_613 : i1 to i32
        %cond3A_626 = arith.constant 0 : i32
        %cond3A_627 = arith.cmpi ne, %convert_element_type3A_625, %cond3A_626 : i32
        scf.if %cond3A_627 {
          %sub3A_633 = arith.constant 1 : i32
          %sub3A_634 = arith.subi %select_n3A_599, %sub3A_633 : i32
          %dma_start3A_635 = arith.constant 0 : i32
          %dma_start3A_636 = arith.constant 0 : i32
          %dma_start3A_637 = tpu.memref_slice %arg6[%dma_start3A_635, %dma_start3A_636] : memref<48x512xf32, #tpu.memory_space<vmem>> -> memref<8x512xf32, #tpu.memory_space<vmem>>
          %dma_start3A_638 = arith.constant 0 : i32
          %dma_start3A_639 = arith.constant 0 : i32
          %dma_start3A_640 = tpu.memref_slice %arg4[%sub3A_634, %dma_start3A_638, %dma_start3A_639] : memref<16x8x512xf32, #tpu.memory_space<hbm>> -> memref<1x8x512xf32, #tpu.memory_space<hbm>>
          %dma_start3A_641 = tpu.memref_squeeze %dma_start3A_640 : memref<1x8x512xf32, #tpu.memory_space<hbm>> -> memref<8x512xf32, #tpu.memory_space<hbm>>
          %dma_start3A_642 = arith.constant 0 : i32
          %dma_start3A_643 = arith.constant 0 : i32
          %dma_start3A_644 = tpu.memref_slice %arg6[%dma_start3A_642, %dma_start3A_643] : memref<48x512xf32, #tpu.memory_space<vmem>> -> memref<8x512xf32, #tpu.memory_space<vmem>>
          %dma_start3A_645 = arith.constant 0 : i32
          %dma_start3A_646 = arith.constant 0 : i32
          %dma_start3A_647 = tpu.memref_slice %arg4[%sub3A_634, %dma_start3A_645, %dma_start3A_646] : memref<16x8x512xf32, #tpu.memory_space<hbm>> -> memref<1x8x512xf32, #tpu.memory_space<hbm>>
          %dma_start3A_648 = tpu.memref_squeeze %dma_start3A_647 : memref<1x8x512xf32, #tpu.memory_space<hbm>> -> memref<8x512xf32, #tpu.memory_space<hbm>>
          tpu.enqueue_dma source(%dma_start3A_648 : memref<8x512xf32, #tpu.memory_space<hbm>>) target(%dma_start3A_644 : memref<8x512xf32, #tpu.memory_space<vmem>>) target_semaphore(%arg21 : memref<!tpu.dma_semaphore, #tpu.memory_space<semaphore_mem>>)
        } else {
        }
        %not3A_628 = arith.constant true
        %not3A_629 = arith.xori %and3A_613, %not3A_628 : i1
        %convert_element_type3A_630 = arith.extui %not3A_629 : i1 to i32
        %cond3A_631 = arith.constant 0 : i32
        %cond3A_632 = arith.cmpi ne, %convert_element_type3A_630, %cond3A_631 : i32
        scf.if %cond3A_632 {
          %dma_start3A_633 = arith.constant 0 : i32
          %dma_start3A_634 = arith.constant 0 : i32
          %dma_start3A_635 = tpu.memref_slice %arg3[%dma_start3A_633, %dma_start3A_634] : memref<49408x512xf32, #tpu.memory_space<hbm>> -> memref<49408x512xf32, #tpu.memory_space<hbm>>
          tpu.enqueue_indirect_dma source(%dma_start3A_635 : memref<49408x512xf32, #tpu.memory_space<hbm>>) target(%arg6 : memref<48x512xf32, #tpu.memory_space<vmem>>) offsets(%arg11 : memref<48xi32, #tpu.memory_space<vmem>>) semaphore(%arg21 : memref<!tpu.dma_semaphore, #tpu.memory_space<semaphore_mem>>)
        } else {
        }
      } else {
      }
      %mul3A_521 = arith.constant 5 : i32
      %mul3A_522 = arith.muli %scan3A_460, %mul3A_521 : i32
      %add3A_523 = arith.constant 3 : i32
      %add3A_524 = arith.addi %mul3A_522, %add3A_523 : i32
      %lt3A_525 = arith.cmpi slt, %add3A_524, %select_n3A : i32
      %convert_element_type3A_526 = arith.extui %lt3A_525 : i1 to i32
      %cond3A_527 = arith.constant 0 : i32
      %cond3A_528 = arith.cmpi ne, %convert_element_type3A_526, %cond3A_527 : i32
      scf.if %cond3A_528 {
        %rem3A_561 = arith.remsi %add3A_524, %select_n3A : i32
        %mul3A_562 = arith.constant 32 : i32
        %mul3A_563 = arith.muli %mul3A_562, %rem3A_561 : i32
        %add3A_564 = arith.addi %add3A, %mul3A_563 : i32
        %jit3A_565 = arith.constant 21 : i32
        %div3A_566 = arith.divsi %add3A_564, %jit3A_565 : i32
        %sign3A_567 = arith.constant 0 : i32
        %sign3A_568 = arith.cmpi sgt, %add3A_564, %sign3A_567 : i32
        %sign3A_569 = arith.extui %sign3A_568 : i1 to i32
        %sign3A_570 = arith.constant 0 : i32
        %sign3A_571 = arith.cmpi slt, %add3A_564, %sign3A_570 : i32
        %sign3A_572 = arith.extui %sign3A_571 : i1 to i32
        %sign3A_573 = arith.subi %sign3A_569, %sign3A_572 : i32
        %sign3A_574 = arith.constant 0 : i32
        %sign3A_575 = arith.cmpi sgt, %jit3A_565, %sign3A_574 : i32
        %sign3A_576 = arith.extui %sign3A_575 : i1 to i32
        %sign3A_577 = arith.constant 0 : i32
        %sign3A_578 = arith.cmpi slt, %jit3A_565, %sign3A_577 : i32
        %sign3A_579 = arith.extui %sign3A_578 : i1 to i32
        %sign3A_580 = arith.subi %sign3A_576, %sign3A_579 : i32
        %ne3A_581 = arith.cmpi ne, %sign3A_573, %sign3A_580 : i32
        %rem3A_582 = arith.remsi %add3A_564, %jit3A_565 : i32
        %ne3A_583 = arith.constant 0 : i32
        %ne3A_584 = arith.cmpi ne, %rem3A_582, %ne3A_583 : i32
        %and3A_585 = arith.andi %ne3A_581, %ne3A_584 : i1
        %sub3A_586 = arith.constant 1 : i32
        %sub3A_587 = arith.subi %div3A_566, %sub3A_586 : i32
        %select_n3A_588 = arith.select %and3A_585, %sub3A_587, %div3A_566 : i32
        %rem3A_589 = arith.constant 21 : i32
        %rem3A_590 = arith.remsi %add3A_564, %rem3A_589 : i32
        %eq3A_591 = arith.constant 20 : i32
        %eq3A_592 = arith.cmpi eq, %rem3A_590, %eq3A_591 : i32
        %mul3A_593 = arith.constant 48 : i32
        %mul3A_594 = arith.muli %rem3A_590, %mul3A_593 : i32
        %jit3A_595 = arith.constant 952 : i32
        %select_n3A_596 = arith.select %eq3A_592, %jit3A_595, %mul3A_594 : i32
        %multiple_of3A_597 = tpu.assume_multiple %select_n3A_596, 8 : i32
        %ge3A_598 = arith.constant 1 : i32
        %ge3A_599 = arith.cmpi sge, %select_n3A_588, %ge3A_598 : i32
        %lt3A_600 = arith.constant 17 : i32
        %lt3A_601 = arith.cmpi slt, %select_n3A_588, %lt3A_600 : i32
        %and3A_602 = arith.andi %ge3A_599, %lt3A_601 : i1
        %eq3A_603 = arith.constant 0 : i32
        %eq3A_604 = arith.cmpi eq, %select_n3A_588, %eq3A_603 : i32
        %or3A_605 = arith.ori %and3A_602, %eq3A_604 : i1
        %sub3A_606 = arith.constant 16 : i32
        %sub3A_607 = arith.subi %select_n3A_588, %sub3A_606 : i32
        %jit3A_608 = arith.constant 0 : i32
        %select_n3A_609 = arith.select %or3A_605, %jit3A_608, %sub3A_607 : i32
        %mul3A_610 = arith.constant 1000 : i32
        %mul3A_611 = arith.muli %select_n3A_609, %mul3A_610 : i32
        %add3A_612 = arith.addi %mul3A_611, %multiple_of3A_597 : i32
        %multiple_of3A_613 = tpu.assume_multiple %add3A_612, 8 : i32
        %convert_element_type3A_614 = arith.extui %and3A_602 : i1 to i32
        %cond3A_615 = arith.constant 0 : i32
        %cond3A_616 = arith.cmpi ne, %convert_element_type3A_614, %cond3A_615 : i32
        scf.if %cond3A_616 {
          %dma_wait3A_683 = arith.constant 0 : i32
          %dma_wait3A_684 = arith.constant 0 : i32
          %dma_wait3A_685 = arith.constant 0 : i32
          %dma_wait3A_686 = tpu.memref_slice %arg9[%dma_wait3A_684, %dma_wait3A_685] : memref<48x512xf32, #tpu.memory_space<vmem>> -> memref<8x512xf32, #tpu.memory_space<vmem>>
          %dma_wait3A_687 = arith.constant 0 : i32
          %dma_wait3A_688 = arith.constant 0 : i32
          %dma_wait3A_689 = tpu.memref_slice %arg4[%dma_wait3A_683, %dma_wait3A_687, %dma_wait3A_688] : memref<16x8x512xf32, #tpu.memory_space<hbm>> -> memref<1x8x512xf32, #tpu.memory_space<hbm>>
          %dma_wait3A_690 = tpu.memref_squeeze %dma_wait3A_689 : memref<1x8x512xf32, #tpu.memory_space<hbm>> -> memref<8x512xf32, #tpu.memory_space<hbm>>
          %dma_wait3A_691 = arith.constant 0 : i32
          %dma_wait3A_692 = arith.constant 0 : i32
          %dma_wait3A_693 = tpu.memref_slice %arg9[%dma_wait3A_691, %dma_wait3A_692] : memref<48x512xf32, #tpu.memory_space<vmem>> -> memref<8x512xf32, #tpu.memory_space<vmem>>
          %dma_wait3A_694 = arith.constant 0 : i32
          %dma_wait3A_695 = arith.constant 0 : i32
          %dma_wait3A_696 = tpu.memref_slice %arg4[%dma_wait3A_683, %dma_wait3A_694, %dma_wait3A_695] : memref<16x8x512xf32, #tpu.memory_space<hbm>> -> memref<1x8x512xf32, #tpu.memory_space<hbm>>
          %dma_wait3A_697 = tpu.memref_squeeze %dma_wait3A_696 : memref<1x8x512xf32, #tpu.memory_space<hbm>> -> memref<8x512xf32, #tpu.memory_space<hbm>>
          tpu.wait_dma2 semaphore(%arg24 : memref<!tpu.dma_semaphore, #tpu.memory_space<semaphore_mem>>) src(%dma_wait3A_697 : memref<8x512xf32, #tpu.memory_space<hbm>>) dst(%dma_wait3A_693 : memref<8x512xf32, #tpu.memory_space<vmem>>)
        } else {
        }
        %not3A_617 = arith.constant true
        %not3A_618 = arith.xori %and3A_602, %not3A_617 : i1
        %convert_element_type3A_619 = arith.extui %not3A_618 : i1 to i32
        %cond3A_620 = arith.constant 0 : i32
        %cond3A_621 = arith.cmpi ne, %convert_element_type3A_619, %cond3A_620 : i32
        scf.if %cond3A_621 {
          %dma_wait3A_683 = arith.constant 0 : i32
          %dma_wait3A_684 = arith.constant 0 : i32
          %dma_wait3A_685 = tpu.memref_slice %arg3[%dma_wait3A_683, %dma_wait3A_684] : memref<49408x512xf32, #tpu.memory_space<hbm>> -> memref<48x512xf32, #tpu.memory_space<hbm>>
          %dma_wait3A_686 = arith.constant 0 : i32
          %dma_wait3A_687 = arith.constant 0 : i32
          %dma_wait3A_688 = tpu.memref_slice %arg3[%dma_wait3A_686, %dma_wait3A_687] : memref<49408x512xf32, #tpu.memory_space<hbm>> -> memref<48x512xf32, #tpu.memory_space<hbm>>
          tpu.wait_dma2 semaphore(%arg24 : memref<!tpu.dma_semaphore, #tpu.memory_space<semaphore_mem>>) src(%dma_wait3A_688 : memref<48x512xf32, #tpu.memory_space<hbm>>) dst(%arg9 : memref<48x512xf32, #tpu.memory_space<vmem>>)
        } else {
        }
        %rem3A_622 = arith.remsi %add3A_524, %select_n3A : i32
        %mul3A_623 = arith.constant 32 : i32
        %mul3A_624 = arith.muli %mul3A_623, %rem3A_622 : i32
        %add3A_625 = arith.addi %add3A, %mul3A_624 : i32
        %jit3A_626 = arith.constant 21 : i32
        %div3A_627 = arith.divsi %add3A_625, %jit3A_626 : i32
        %sign3A_628 = arith.constant 0 : i32
        %sign3A_629 = arith.cmpi sgt, %add3A_625, %sign3A_628 : i32
        %sign3A_630 = arith.extui %sign3A_629 : i1 to i32
        %sign3A_631 = arith.constant 0 : i32
        %sign3A_632 = arith.cmpi slt, %add3A_625, %sign3A_631 : i32
        %sign3A_633 = arith.extui %sign3A_632 : i1 to i32
        %sign3A_634 = arith.subi %sign3A_630, %sign3A_633 : i32
        %sign3A_635 = arith.constant 0 : i32
        %sign3A_636 = arith.cmpi sgt, %jit3A_626, %sign3A_635 : i32
        %sign3A_637 = arith.extui %sign3A_636 : i1 to i32
        %sign3A_638 = arith.constant 0 : i32
        %sign3A_639 = arith.cmpi slt, %jit3A_626, %sign3A_638 : i32
        %sign3A_640 = arith.extui %sign3A_639 : i1 to i32
        %sign3A_641 = arith.subi %sign3A_637, %sign3A_640 : i32
        %ne3A_642 = arith.cmpi ne, %sign3A_634, %sign3A_641 : i32
        %rem3A_643 = arith.remsi %add3A_625, %jit3A_626 : i32
        %ne3A_644 = arith.constant 0 : i32
        %ne3A_645 = arith.cmpi ne, %rem3A_643, %ne3A_644 : i32
        %and3A_646 = arith.andi %ne3A_642, %ne3A_645 : i1
        %sub3A_647 = arith.constant 1 : i32
        %sub3A_648 = arith.subi %div3A_627, %sub3A_647 : i32
        %select_n3A_649 = arith.select %and3A_646, %sub3A_648, %div3A_627 : i32
        %rem3A_650 = arith.constant 21 : i32
        %rem3A_651 = arith.remsi %add3A_625, %rem3A_650 : i32
        %eq3A_652 = arith.constant 20 : i32
        %eq3A_653 = arith.cmpi eq, %rem3A_651, %eq3A_652 : i32
        %mul3A_654 = arith.constant 48 : i32
        %mul3A_655 = arith.muli %rem3A_651, %mul3A_654 : i32
        %jit3A_656 = arith.constant 952 : i32
        %select_n3A_657 = arith.select %eq3A_653, %jit3A_656, %mul3A_655 : i32
        %multiple_of3A_658 = tpu.assume_multiple %select_n3A_657, 8 : i32
        %ge3A_659 = arith.constant 1 : i32
        %ge3A_660 = arith.cmpi sge, %select_n3A_649, %ge3A_659 : i32
        %lt3A_661 = arith.constant 17 : i32
        %lt3A_662 = arith.cmpi slt, %select_n3A_649, %lt3A_661 : i32
        %and3A_663 = arith.andi %ge3A_660, %lt3A_662 : i1
        %eq3A_664 = arith.constant 0 : i32
        %eq3A_665 = arith.cmpi eq, %select_n3A_649, %eq3A_664 : i32
        %or3A_666 = arith.ori %and3A_663, %eq3A_665 : i1
        %sub3A_667 = arith.constant 16 : i32
        %sub3A_668 = arith.subi %select_n3A_649, %sub3A_667 : i32
        %jit3A_669 = arith.constant 0 : i32
        %select_n3A_670 = arith.select %or3A_666, %jit3A_669, %sub3A_668 : i32
        %mul3A_671 = arith.constant 1000 : i32
        %mul3A_672 = arith.muli %select_n3A_670, %mul3A_671 : i32
        %add3A_673 = arith.addi %mul3A_672, %multiple_of3A_658 : i32
        %multiple_of3A_674 = tpu.assume_multiple %add3A_673, 8 : i32
        %convert_element_type3A_675 = arith.extui %and3A_663 : i1 to i32
        %cond3A_676 = arith.constant 0 : i32
        %cond3A_677 = arith.cmpi ne, %convert_element_type3A_675, %cond3A_676 : i32
        scf.if %cond3A_677 {
          %add3A_683 = arith.constant 0 : i32
          %add3A_684 = arith.addi %multiple_of3A_658, %add3A_683 : i32
          %dma_start3A_685 = arith.constant 0 : i32
          %dma_start3A_686 = arith.constant 0 : i32
          %dma_start3A_687 = tpu.memref_slice %arg9[%dma_start3A_685, %dma_start3A_686] : memref<48x512xf32, #tpu.memory_space<vmem>> -> memref<8x512xf32, #tpu.memory_space<vmem>>
          %dma_start3A_688 = arith.constant 0 : i32
          %dma_start3A_689 = tpu.memref_slice %arg5[%select_n3A_649, %add3A_684, %dma_start3A_688] : memref<77x1000x512xf32, #tpu.memory_space<hbm>> -> memref<1x8x512xf32, #tpu.memory_space<hbm>>
          %dma_start3A_690 = tpu.memref_squeeze %dma_start3A_689 : memref<1x8x512xf32, #tpu.memory_space<hbm>> -> memref<8x512xf32, #tpu.memory_space<hbm>>
          %dma_start3A_691 = arith.constant 0 : i32
          %dma_start3A_692 = tpu.memref_slice %arg5[%select_n3A_649, %add3A_684, %dma_start3A_691] : memref<77x1000x512xf32, #tpu.memory_space<hbm>> -> memref<1x8x512xf32, #tpu.memory_space<hbm>>
          %dma_start3A_693 = tpu.memref_squeeze %dma_start3A_692 : memref<1x8x512xf32, #tpu.memory_space<hbm>> -> memref<8x512xf32, #tpu.memory_space<hbm>>
          %dma_start3A_694 = arith.constant 0 : i32
          %dma_start3A_695 = arith.constant 0 : i32
          %dma_start3A_696 = tpu.memref_slice %arg9[%dma_start3A_694, %dma_start3A_695] : memref<48x512xf32, #tpu.memory_space<vmem>> -> memref<8x512xf32, #tpu.memory_space<vmem>>
          tpu.enqueue_dma source(%dma_start3A_696 : memref<8x512xf32, #tpu.memory_space<vmem>>) target(%dma_start3A_693 : memref<8x512xf32, #tpu.memory_space<hbm>>) target_semaphore(%arg29 : memref<!tpu.dma_semaphore, #tpu.memory_space<semaphore_mem>>)
          %add3A_697 = arith.constant 8 : i32
          %add3A_698 = arith.addi %multiple_of3A_658, %add3A_697 : i32
          %dma_start3A_699 = arith.constant 0 : i32
          %dma_start3A_700 = arith.constant 0 : i32
          %dma_start3A_701 = tpu.memref_slice %arg9[%dma_start3A_699, %dma_start3A_700] : memref<48x512xf32, #tpu.memory_space<vmem>> -> memref<8x512xf32, #tpu.memory_space<vmem>>
          %dma_start3A_702 = arith.constant 0 : i32
          %dma_start3A_703 = tpu.memref_slice %arg5[%select_n3A_649, %add3A_698, %dma_start3A_702] : memref<77x1000x512xf32, #tpu.memory_space<hbm>> -> memref<1x8x512xf32, #tpu.memory_space<hbm>>
          %dma_start3A_704 = tpu.memref_squeeze %dma_start3A_703 : memref<1x8x512xf32, #tpu.memory_space<hbm>> -> memref<8x512xf32, #tpu.memory_space<hbm>>
          %dma_start3A_705 = arith.constant 0 : i32
          %dma_start3A_706 = tpu.memref_slice %arg5[%select_n3A_649, %add3A_698, %dma_start3A_705] : memref<77x1000x512xf32, #tpu.memory_space<hbm>> -> memref<1x8x512xf32, #tpu.memory_space<hbm>>
          %dma_start3A_707 = tpu.memref_squeeze %dma_start3A_706 : memref<1x8x512xf32, #tpu.memory_space<hbm>> -> memref<8x512xf32, #tpu.memory_space<hbm>>
          %dma_start3A_708 = arith.constant 0 : i32
          %dma_start3A_709 = arith.constant 0 : i32
          %dma_start3A_710 = tpu.memref_slice %arg9[%dma_start3A_708, %dma_start3A_709] : memref<48x512xf32, #tpu.memory_space<vmem>> -> memref<8x512xf32, #tpu.memory_space<vmem>>
          tpu.enqueue_dma source(%dma_start3A_710 : memref<8x512xf32, #tpu.memory_space<vmem>>) target(%dma_start3A_707 : memref<8x512xf32, #tpu.memory_space<hbm>>) target_semaphore(%arg29 : memref<!tpu.dma_semaphore, #tpu.memory_space<semaphore_mem>>)
          %add3A_711 = arith.constant 16 : i32
          %add3A_712 = arith.addi %multiple_of3A_658, %add3A_711 : i32
          %dma_start3A_713 = arith.constant 0 : i32
          %dma_start3A_714 = arith.constant 0 : i32
          %dma_start3A_715 = tpu.memref_slice %arg9[%dma_start3A_713, %dma_start3A_714] : memref<48x512xf32, #tpu.memory_space<vmem>> -> memref<8x512xf32, #tpu.memory_space<vmem>>
          %dma_start3A_716 = arith.constant 0 : i32
          %dma_start3A_717 = tpu.memref_slice %arg5[%select_n3A_649, %add3A_712, %dma_start3A_716] : memref<77x1000x512xf32, #tpu.memory_space<hbm>> -> memref<1x8x512xf32, #tpu.memory_space<hbm>>
          %dma_start3A_718 = tpu.memref_squeeze %dma_start3A_717 : memref<1x8x512xf32, #tpu.memory_space<hbm>> -> memref<8x512xf32, #tpu.memory_space<hbm>>
          %dma_start3A_719 = arith.constant 0 : i32
          %dma_start3A_720 = tpu.memref_slice %arg5[%select_n3A_649, %add3A_712, %dma_start3A_719] : memref<77x1000x512xf32, #tpu.memory_space<hbm>> -> memref<1x8x512xf32, #tpu.memory_space<hbm>>
          %dma_start3A_721 = tpu.memref_squeeze %dma_start3A_720 : memref<1x8x512xf32, #tpu.memory_space<hbm>> -> memref<8x512xf32, #tpu.memory_space<hbm>>
          %dma_start3A_722 = arith.constant 0 : i32
          %dma_start3A_723 = arith.constant 0 : i32
          %dma_start3A_724 = tpu.memref_slice %arg9[%dma_start3A_722, %dma_start3A_723] : memref<48x512xf32, #tpu.memory_space<vmem>> -> memref<8x512xf32, #tpu.memory_space<vmem>>
          tpu.enqueue_dma source(%dma_start3A_724 : memref<8x512xf32, #tpu.memory_space<vmem>>) target(%dma_start3A_721 : memref<8x512xf32, #tpu.memory_space<hbm>>) target_semaphore(%arg29 : memref<!tpu.dma_semaphore, #tpu.memory_space<semaphore_mem>>)
          %add3A_725 = arith.constant 24 : i32
          %add3A_726 = arith.addi %multiple_of3A_658, %add3A_725 : i32
          %dma_start3A_727 = arith.constant 0 : i32
          %dma_start3A_728 = arith.constant 0 : i32
          %dma_start3A_729 = tpu.memref_slice %arg9[%dma_start3A_727, %dma_start3A_728] : memref<48x512xf32, #tpu.memory_space<vmem>> -> memref<8x512xf32, #tpu.memory_space<vmem>>
          %dma_start3A_730 = arith.constant 0 : i32
          %dma_start3A_731 = tpu.memref_slice %arg5[%select_n3A_649, %add3A_726, %dma_start3A_730] : memref<77x1000x512xf32, #tpu.memory_space<hbm>> -> memref<1x8x512xf32, #tpu.memory_space<hbm>>
          %dma_start3A_732 = tpu.memref_squeeze %dma_start3A_731 : memref<1x8x512xf32, #tpu.memory_space<hbm>> -> memref<8x512xf32, #tpu.memory_space<hbm>>
          %dma_start3A_733 = arith.constant 0 : i32
          %dma_start3A_734 = tpu.memref_slice %arg5[%select_n3A_649, %add3A_726, %dma_start3A_733] : memref<77x1000x512xf32, #tpu.memory_space<hbm>> -> memref<1x8x512xf32, #tpu.memory_space<hbm>>
          %dma_start3A_735 = tpu.memref_squeeze %dma_start3A_734 : memref<1x8x512xf32, #tpu.memory_space<hbm>> -> memref<8x512xf32, #tpu.memory_space<hbm>>
          %dma_start3A_736 = arith.constant 0 : i32
          %dma_start3A_737 = arith.constant 0 : i32
          %dma_start3A_738 = tpu.memref_slice %arg9[%dma_start3A_736, %dma_start3A_737] : memref<48x512xf32, #tpu.memory_space<vmem>> -> memref<8x512xf32, #tpu.memory_space<vmem>>
          tpu.enqueue_dma source(%dma_start3A_738 : memref<8x512xf32, #tpu.memory_space<vmem>>) target(%dma_start3A_735 : memref<8x512xf32, #tpu.memory_space<hbm>>) target_semaphore(%arg29 : memref<!tpu.dma_semaphore, #tpu.memory_space<semaphore_mem>>)
          %add3A_739 = arith.constant 32 : i32
          %add3A_740 = arith.addi %multiple_of3A_658, %add3A_739 : i32
          %dma_start3A_741 = arith.constant 0 : i32
          %dma_start3A_742 = arith.constant 0 : i32
          %dma_start3A_743 = tpu.memref_slice %arg9[%dma_start3A_741, %dma_start3A_742] : memref<48x512xf32, #tpu.memory_space<vmem>> -> memref<8x512xf32, #tpu.memory_space<vmem>>
          %dma_start3A_744 = arith.constant 0 : i32
          %dma_start3A_745 = tpu.memref_slice %arg5[%select_n3A_649, %add3A_740, %dma_start3A_744] : memref<77x1000x512xf32, #tpu.memory_space<hbm>> -> memref<1x8x512xf32, #tpu.memory_space<hbm>>
          %dma_start3A_746 = tpu.memref_squeeze %dma_start3A_745 : memref<1x8x512xf32, #tpu.memory_space<hbm>> -> memref<8x512xf32, #tpu.memory_space<hbm>>
          %dma_start3A_747 = arith.constant 0 : i32
          %dma_start3A_748 = tpu.memref_slice %arg5[%select_n3A_649, %add3A_740, %dma_start3A_747] : memref<77x1000x512xf32, #tpu.memory_space<hbm>> -> memref<1x8x512xf32, #tpu.memory_space<hbm>>
          %dma_start3A_749 = tpu.memref_squeeze %dma_start3A_748 : memref<1x8x512xf32, #tpu.memory_space<hbm>> -> memref<8x512xf32, #tpu.memory_space<hbm>>
          %dma_start3A_750 = arith.constant 0 : i32
          %dma_start3A_751 = arith.constant 0 : i32
          %dma_start3A_752 = tpu.memref_slice %arg9[%dma_start3A_750, %dma_start3A_751] : memref<48x512xf32, #tpu.memory_space<vmem>> -> memref<8x512xf32, #tpu.memory_space<vmem>>
          tpu.enqueue_dma source(%dma_start3A_752 : memref<8x512xf32, #tpu.memory_space<vmem>>) target(%dma_start3A_749 : memref<8x512xf32, #tpu.memory_space<hbm>>) target_semaphore(%arg29 : memref<!tpu.dma_semaphore, #tpu.memory_space<semaphore_mem>>)
          %add3A_753 = arith.constant 40 : i32
          %add3A_754 = arith.addi %multiple_of3A_658, %add3A_753 : i32
          %dma_start3A_755 = arith.constant 0 : i32
          %dma_start3A_756 = arith.constant 0 : i32
          %dma_start3A_757 = tpu.memref_slice %arg9[%dma_start3A_755, %dma_start3A_756] : memref<48x512xf32, #tpu.memory_space<vmem>> -> memref<8x512xf32, #tpu.memory_space<vmem>>
          %dma_start3A_758 = arith.constant 0 : i32
          %dma_start3A_759 = tpu.memref_slice %arg5[%select_n3A_649, %add3A_754, %dma_start3A_758] : memref<77x1000x512xf32, #tpu.memory_space<hbm>> -> memref<1x8x512xf32, #tpu.memory_space<hbm>>
          %dma_start3A_760 = tpu.memref_squeeze %dma_start3A_759 : memref<1x8x512xf32, #tpu.memory_space<hbm>> -> memref<8x512xf32, #tpu.memory_space<hbm>>
          %dma_start3A_761 = arith.constant 0 : i32
          %dma_start3A_762 = tpu.memref_slice %arg5[%select_n3A_649, %add3A_754, %dma_start3A_761] : memref<77x1000x512xf32, #tpu.memory_space<hbm>> -> memref<1x8x512xf32, #tpu.memory_space<hbm>>
          %dma_start3A_763 = tpu.memref_squeeze %dma_start3A_762 : memref<1x8x512xf32, #tpu.memory_space<hbm>> -> memref<8x512xf32, #tpu.memory_space<hbm>>
          %dma_start3A_764 = arith.constant 0 : i32
          %dma_start3A_765 = arith.constant 0 : i32
          %dma_start3A_766 = tpu.memref_slice %arg9[%dma_start3A_764, %dma_start3A_765] : memref<48x512xf32, #tpu.memory_space<vmem>> -> memref<8x512xf32, #tpu.memory_space<vmem>>
          tpu.enqueue_dma source(%dma_start3A_766 : memref<8x512xf32, #tpu.memory_space<vmem>>) target(%dma_start3A_763 : memref<8x512xf32, #tpu.memory_space<hbm>>) target_semaphore(%arg29 : memref<!tpu.dma_semaphore, #tpu.memory_space<semaphore_mem>>)
        } else {
        }
        %not3A_678 = arith.constant true
        %not3A_679 = arith.xori %and3A_663, %not3A_678 : i1
        %convert_element_type3A_680 = arith.extui %not3A_679 : i1 to i32
        %cond3A_681 = arith.constant 0 : i32
        %cond3A_682 = arith.cmpi ne, %convert_element_type3A_680, %cond3A_681 : i32
        scf.if %cond3A_682 {
          %dma_start3A_683 = arith.constant 0 : i32
          %dma_start3A_684 = tpu.memref_slice %arg5[%select_n3A_649, %multiple_of3A_658, %dma_start3A_683] : memref<77x1000x512xf32, #tpu.memory_space<hbm>> -> memref<1x48x512xf32, #tpu.memory_space<hbm>>
          %dma_start3A_685 = tpu.memref_squeeze %dma_start3A_684 : memref<1x48x512xf32, #tpu.memory_space<hbm>> -> memref<48x512xf32, #tpu.memory_space<hbm>>
          %dma_start3A_686 = arith.constant 0 : i32
          %dma_start3A_687 = tpu.memref_slice %arg5[%select_n3A_649, %multiple_of3A_658, %dma_start3A_686] : memref<77x1000x512xf32, #tpu.memory_space<hbm>> -> memref<1x48x512xf32, #tpu.memory_space<hbm>>
          %dma_start3A_688 = tpu.memref_squeeze %dma_start3A_687 : memref<1x48x512xf32, #tpu.memory_space<hbm>> -> memref<48x512xf32, #tpu.memory_space<hbm>>
          tpu.enqueue_dma source(%arg9 : memref<48x512xf32, #tpu.memory_space<vmem>>) target(%dma_start3A_688 : memref<48x512xf32, #tpu.memory_space<hbm>>) target_semaphore(%arg29 : memref<!tpu.dma_semaphore, #tpu.memory_space<semaphore_mem>>)
        } else {
        }
      } else {
      }
      %add3A_529 = arith.constant 4 : i32
      %add3A_530 = arith.addi %add3A_524, %add3A_529 : i32
      %lt3A_531 = arith.cmpi slt, %add3A_530, %select_n3A : i32
      %convert_element_type3A_532 = arith.extui %lt3A_531 : i1 to i32
      %cond3A_533 = arith.constant 0 : i32
      %cond3A_534 = arith.cmpi ne, %convert_element_type3A_532, %cond3A_533 : i32
      scf.if %cond3A_534 {
        %add3A_561 = arith.constant 4 : i32
        %add3A_562 = arith.addi %add3A_524, %add3A_561 : i32
        %rem3A_563 = arith.remsi %add3A_562, %select_n3A : i32
        %mul3A_564 = arith.constant 32 : i32
        %mul3A_565 = arith.muli %mul3A_564, %rem3A_563 : i32
        %add3A_566 = arith.addi %add3A, %mul3A_565 : i32
        %jit3A_567 = arith.constant 21 : i32
        %div3A_568 = arith.divsi %add3A_566, %jit3A_567 : i32
        %sign3A_569 = arith.constant 0 : i32
        %sign3A_570 = arith.cmpi sgt, %add3A_566, %sign3A_569 : i32
        %sign3A_571 = arith.extui %sign3A_570 : i1 to i32
        %sign3A_572 = arith.constant 0 : i32
        %sign3A_573 = arith.cmpi slt, %add3A_566, %sign3A_572 : i32
        %sign3A_574 = arith.extui %sign3A_573 : i1 to i32
        %sign3A_575 = arith.subi %sign3A_571, %sign3A_574 : i32
        %sign3A_576 = arith.constant 0 : i32
        %sign3A_577 = arith.cmpi sgt, %jit3A_567, %sign3A_576 : i32
        %sign3A_578 = arith.extui %sign3A_577 : i1 to i32
        %sign3A_579 = arith.constant 0 : i32
        %sign3A_580 = arith.cmpi slt, %jit3A_567, %sign3A_579 : i32
        %sign3A_581 = arith.extui %sign3A_580 : i1 to i32
        %sign3A_582 = arith.subi %sign3A_578, %sign3A_581 : i32
        %ne3A_583 = arith.cmpi ne, %sign3A_575, %sign3A_582 : i32
        %rem3A_584 = arith.remsi %add3A_566, %jit3A_567 : i32
        %ne3A_585 = arith.constant 0 : i32
        %ne3A_586 = arith.cmpi ne, %rem3A_584, %ne3A_585 : i32
        %and3A_587 = arith.andi %ne3A_583, %ne3A_586 : i1
        %sub3A_588 = arith.constant 1 : i32
        %sub3A_589 = arith.subi %div3A_568, %sub3A_588 : i32
        %select_n3A_590 = arith.select %and3A_587, %sub3A_589, %div3A_568 : i32
        %rem3A_591 = arith.constant 21 : i32
        %rem3A_592 = arith.remsi %add3A_566, %rem3A_591 : i32
        %eq3A_593 = arith.constant 20 : i32
        %eq3A_594 = arith.cmpi eq, %rem3A_592, %eq3A_593 : i32
        %mul3A_595 = arith.constant 48 : i32
        %mul3A_596 = arith.muli %rem3A_592, %mul3A_595 : i32
        %jit3A_597 = arith.constant 952 : i32
        %select_n3A_598 = arith.select %eq3A_594, %jit3A_597, %mul3A_596 : i32
        %multiple_of3A_599 = tpu.assume_multiple %select_n3A_598, 8 : i32
        %ge3A_600 = arith.constant 1 : i32
        %ge3A_601 = arith.cmpi sge, %select_n3A_590, %ge3A_600 : i32
        %lt3A_602 = arith.constant 17 : i32
        %lt3A_603 = arith.cmpi slt, %select_n3A_590, %lt3A_602 : i32
        %and3A_604 = arith.andi %ge3A_601, %lt3A_603 : i1
        %eq3A_605 = arith.constant 0 : i32
        %eq3A_606 = arith.cmpi eq, %select_n3A_590, %eq3A_605 : i32
        %or3A_607 = arith.ori %and3A_604, %eq3A_606 : i1
        %sub3A_608 = arith.constant 16 : i32
        %sub3A_609 = arith.subi %select_n3A_590, %sub3A_608 : i32
        %jit3A_610 = arith.constant 0 : i32
        %select_n3A_611 = arith.select %or3A_607, %jit3A_610, %sub3A_609 : i32
        %mul3A_612 = arith.constant 1000 : i32
        %mul3A_613 = arith.muli %select_n3A_611, %mul3A_612 : i32
        %add3A_614 = arith.addi %mul3A_613, %multiple_of3A_599 : i32
        %multiple_of3A_615 = tpu.assume_multiple %add3A_614, 8 : i32
        %dma_start3A_616 = tpu.memref_slice %arg2[%multiple_of3A_615] : memref<61000xi32, #tpu.memory_space<hbm>> -> memref<48xi32, #tpu.memory_space<hbm>>
        %dma_start3A_617 = tpu.memref_slice %arg2[%multiple_of3A_615] : memref<61000xi32, #tpu.memory_space<hbm>> -> memref<48xi32, #tpu.memory_space<hbm>>
        tpu.enqueue_dma source(%dma_start3A_617 : memref<48xi32, #tpu.memory_space<hbm>>) target(%arg13 : memref<48xi32, #tpu.memory_space<vmem>>) target_semaphore(%arg18 : memref<!tpu.dma_semaphore, #tpu.memory_space<semaphore_mem>>)
      } else {
      }
      %add3A_535 = arith.constant 3 : i32
      %add3A_536 = arith.addi %add3A_524, %add3A_535 : i32
      %lt3A_537 = arith.cmpi slt, %add3A_536, %select_n3A : i32
      %convert_element_type3A_538 = arith.extui %lt3A_537 : i1 to i32
      %cond3A_539 = arith.constant 0 : i32
      %cond3A_540 = arith.cmpi ne, %convert_element_type3A_538, %cond3A_539 : i32
      scf.if %cond3A_540 {
        %dma_wait3A_561 = arith.constant 0 : i32
        %dma_wait3A_562 = tpu.memref_slice %arg2[%dma_wait3A_561] : memref<61000xi32, #tpu.memory_space<hbm>> -> memref<48xi32, #tpu.memory_space<hbm>>
        %dma_wait3A_563 = arith.constant 0 : i32
        %dma_wait3A_564 = tpu.memref_slice %arg2[%dma_wait3A_563] : memref<61000xi32, #tpu.memory_space<hbm>> -> memref<48xi32, #tpu.memory_space<hbm>>
        tpu.wait_dma2 semaphore(%arg17 : memref<!tpu.dma_semaphore, #tpu.memory_space<semaphore_mem>>) src(%dma_wait3A_564 : memref<48xi32, #tpu.memory_space<hbm>>) dst(%arg12 : memref<48xi32, #tpu.memory_space<vmem>>)
        %ge3A_565 = arith.constant 2 : i32
        %ge3A_566 = arith.cmpi sge, %add3A_524, %ge3A_565 : i32
        %convert_element_type3A_567 = arith.extui %ge3A_566 : i1 to i32
        %cond3A_568 = arith.constant 0 : i32
        %cond3A_569 = arith.cmpi ne, %convert_element_type3A_567, %cond3A_568 : i32
        scf.if %cond3A_569 {
          %dma_wait3A_633 = arith.constant 0 : i32
          %dma_wait3A_634 = arith.constant 0 : i32
          %dma_wait3A_635 = arith.constant 0 : i32
          %dma_wait3A_636 = tpu.memref_slice %arg5[%dma_wait3A_633, %dma_wait3A_634, %dma_wait3A_635] : memref<77x1000x512xf32, #tpu.memory_space<hbm>> -> memref<1x48x512xf32, #tpu.memory_space<hbm>>
          %dma_wait3A_637 = tpu.memref_squeeze %dma_wait3A_636 : memref<1x48x512xf32, #tpu.memory_space<hbm>> -> memref<48x512xf32, #tpu.memory_space<hbm>>
          %dma_wait3A_638 = arith.constant 0 : i32
          %dma_wait3A_639 = arith.constant 0 : i32
          %dma_wait3A_640 = tpu.memref_slice %arg5[%dma_wait3A_633, %dma_wait3A_638, %dma_wait3A_639] : memref<77x1000x512xf32, #tpu.memory_space<hbm>> -> memref<1x48x512xf32, #tpu.memory_space<hbm>>
          %dma_wait3A_641 = tpu.memref_squeeze %dma_wait3A_640 : memref<1x48x512xf32, #tpu.memory_space<hbm>> -> memref<48x512xf32, #tpu.memory_space<hbm>>
          tpu.wait_dma2 semaphore(%arg27 : memref<!tpu.dma_semaphore, #tpu.memory_space<semaphore_mem>>) src(%arg7 : memref<48x512xf32, #tpu.memory_space<vmem>>) dst(%dma_wait3A_641 : memref<48x512xf32, #tpu.memory_space<hbm>>)
        } else {
        }
        %add3A_570 = arith.constant 3 : i32
        %add3A_571 = arith.addi %add3A_524, %add3A_570 : i32
        %rem3A_572 = arith.remsi %add3A_571, %select_n3A : i32
        %mul3A_573 = arith.constant 32 : i32
        %mul3A_574 = arith.muli %mul3A_573, %rem3A_572 : i32
        %add3A_575 = arith.addi %add3A, %mul3A_574 : i32
        %jit3A_576 = arith.constant 21 : i32
        %div3A_577 = arith.divsi %add3A_575, %jit3A_576 : i32
        %sign3A_578 = arith.constant 0 : i32
        %sign3A_579 = arith.cmpi sgt, %add3A_575, %sign3A_578 : i32
        %sign3A_580 = arith.extui %sign3A_579 : i1 to i32
        %sign3A_581 = arith.constant 0 : i32
        %sign3A_582 = arith.cmpi slt, %add3A_575, %sign3A_581 : i32
        %sign3A_583 = arith.extui %sign3A_582 : i1 to i32
        %sign3A_584 = arith.subi %sign3A_580, %sign3A_583 : i32
        %sign3A_585 = arith.constant 0 : i32
        %sign3A_586 = arith.cmpi sgt, %jit3A_576, %sign3A_585 : i32
        %sign3A_587 = arith.extui %sign3A_586 : i1 to i32
        %sign3A_588 = arith.constant 0 : i32
        %sign3A_589 = arith.cmpi slt, %jit3A_576, %sign3A_588 : i32
        %sign3A_590 = arith.extui %sign3A_589 : i1 to i32
        %sign3A_591 = arith.subi %sign3A_587, %sign3A_590 : i32
        %ne3A_592 = arith.cmpi ne, %sign3A_584, %sign3A_591 : i32
        %rem3A_593 = arith.remsi %add3A_575, %jit3A_576 : i32
        %ne3A_594 = arith.constant 0 : i32
        %ne3A_595 = arith.cmpi ne, %rem3A_593, %ne3A_594 : i32
        %and3A_596 = arith.andi %ne3A_592, %ne3A_595 : i1
        %sub3A_597 = arith.constant 1 : i32
        %sub3A_598 = arith.subi %div3A_577, %sub3A_597 : i32
        %select_n3A_599 = arith.select %and3A_596, %sub3A_598, %div3A_577 : i32
        %rem3A_600 = arith.constant 21 : i32
        %rem3A_601 = arith.remsi %add3A_575, %rem3A_600 : i32
        %eq3A_602 = arith.constant 20 : i32
        %eq3A_603 = arith.cmpi eq, %rem3A_601, %eq3A_602 : i32
        %mul3A_604 = arith.constant 48 : i32
        %mul3A_605 = arith.muli %rem3A_601, %mul3A_604 : i32
        %jit3A_606 = arith.constant 952 : i32
        %select_n3A_607 = arith.select %eq3A_603, %jit3A_606, %mul3A_605 : i32
        %multiple_of3A_608 = tpu.assume_multiple %select_n3A_607, 8 : i32
        %ge3A_609 = arith.constant 1 : i32
        %ge3A_610 = arith.cmpi sge, %select_n3A_599, %ge3A_609 : i32
        %lt3A_611 = arith.constant 17 : i32
        %lt3A_612 = arith.cmpi slt, %select_n3A_599, %lt3A_611 : i32
        %and3A_613 = arith.andi %ge3A_610, %lt3A_612 : i1
        %eq3A_614 = arith.constant 0 : i32
        %eq3A_615 = arith.cmpi eq, %select_n3A_599, %eq3A_614 : i32
        %or3A_616 = arith.ori %and3A_613, %eq3A_615 : i1
        %sub3A_617 = arith.constant 16 : i32
        %sub3A_618 = arith.subi %select_n3A_599, %sub3A_617 : i32
        %jit3A_619 = arith.constant 0 : i32
        %select_n3A_620 = arith.select %or3A_616, %jit3A_619, %sub3A_618 : i32
        %mul3A_621 = arith.constant 1000 : i32
        %mul3A_622 = arith.muli %select_n3A_620, %mul3A_621 : i32
        %add3A_623 = arith.addi %mul3A_622, %multiple_of3A_608 : i32
        %multiple_of3A_624 = tpu.assume_multiple %add3A_623, 8 : i32
        %convert_element_type3A_625 = arith.extui %and3A_613 : i1 to i32
        %cond3A_626 = arith.constant 0 : i32
        %cond3A_627 = arith.cmpi ne, %convert_element_type3A_625, %cond3A_626 : i32
        scf.if %cond3A_627 {
          %sub3A_633 = arith.constant 1 : i32
          %sub3A_634 = arith.subi %select_n3A_599, %sub3A_633 : i32
          %dma_start3A_635 = arith.constant 0 : i32
          %dma_start3A_636 = arith.constant 0 : i32
          %dma_start3A_637 = tpu.memref_slice %arg7[%dma_start3A_635, %dma_start3A_636] : memref<48x512xf32, #tpu.memory_space<vmem>> -> memref<8x512xf32, #tpu.memory_space<vmem>>
          %dma_start3A_638 = arith.constant 0 : i32
          %dma_start3A_639 = arith.constant 0 : i32
          %dma_start3A_640 = tpu.memref_slice %arg4[%sub3A_634, %dma_start3A_638, %dma_start3A_639] : memref<16x8x512xf32, #tpu.memory_space<hbm>> -> memref<1x8x512xf32, #tpu.memory_space<hbm>>
          %dma_start3A_641 = tpu.memref_squeeze %dma_start3A_640 : memref<1x8x512xf32, #tpu.memory_space<hbm>> -> memref<8x512xf32, #tpu.memory_space<hbm>>
          %dma_start3A_642 = arith.constant 0 : i32
          %dma_start3A_643 = arith.constant 0 : i32
          %dma_start3A_644 = tpu.memref_slice %arg7[%dma_start3A_642, %dma_start3A_643] : memref<48x512xf32, #tpu.memory_space<vmem>> -> memref<8x512xf32, #tpu.memory_space<vmem>>
          %dma_start3A_645 = arith.constant 0 : i32
          %dma_start3A_646 = arith.constant 0 : i32
          %dma_start3A_647 = tpu.memref_slice %arg4[%sub3A_634, %dma_start3A_645, %dma_start3A_646] : memref<16x8x512xf32, #tpu.memory_space<hbm>> -> memref<1x8x512xf32, #tpu.memory_space<hbm>>
          %dma_start3A_648 = tpu.memref_squeeze %dma_start3A_647 : memref<1x8x512xf32, #tpu.memory_space<hbm>> -> memref<8x512xf32, #tpu.memory_space<hbm>>
          tpu.enqueue_dma source(%dma_start3A_648 : memref<8x512xf32, #tpu.memory_space<hbm>>) target(%dma_start3A_644 : memref<8x512xf32, #tpu.memory_space<vmem>>) target_semaphore(%arg22 : memref<!tpu.dma_semaphore, #tpu.memory_space<semaphore_mem>>)
        } else {
        }
        %not3A_628 = arith.constant true
        %not3A_629 = arith.xori %and3A_613, %not3A_628 : i1
        %convert_element_type3A_630 = arith.extui %not3A_629 : i1 to i32
        %cond3A_631 = arith.constant 0 : i32
        %cond3A_632 = arith.cmpi ne, %convert_element_type3A_630, %cond3A_631 : i32
        scf.if %cond3A_632 {
          %dma_start3A_633 = arith.constant 0 : i32
          %dma_start3A_634 = arith.constant 0 : i32
          %dma_start3A_635 = tpu.memref_slice %arg3[%dma_start3A_633, %dma_start3A_634] : memref<49408x512xf32, #tpu.memory_space<hbm>> -> memref<49408x512xf32, #tpu.memory_space<hbm>>
          tpu.enqueue_indirect_dma source(%dma_start3A_635 : memref<49408x512xf32, #tpu.memory_space<hbm>>) target(%arg7 : memref<48x512xf32, #tpu.memory_space<vmem>>) offsets(%arg12 : memref<48xi32, #tpu.memory_space<vmem>>) semaphore(%arg22 : memref<!tpu.dma_semaphore, #tpu.memory_space<semaphore_mem>>)
        } else {
        }
      } else {
      }
      %mul3A_541 = arith.constant 5 : i32
      %mul3A_542 = arith.muli %scan3A_460, %mul3A_541 : i32
      %add3A_543 = arith.constant 4 : i32
      %add3A_544 = arith.addi %mul3A_542, %add3A_543 : i32
      %lt3A_545 = arith.cmpi slt, %add3A_544, %select_n3A : i32
      %convert_element_type3A_546 = arith.extui %lt3A_545 : i1 to i32
      %cond3A_547 = arith.constant 0 : i32
      %cond3A_548 = arith.cmpi ne, %convert_element_type3A_546, %cond3A_547 : i32
      scf.if %cond3A_548 {
        %rem3A_561 = arith.remsi %add3A_544, %select_n3A : i32
        %mul3A_562 = arith.constant 32 : i32
        %mul3A_563 = arith.muli %mul3A_562, %rem3A_561 : i32
        %add3A_564 = arith.addi %add3A, %mul3A_563 : i32
        %jit3A_565 = arith.constant 21 : i32
        %div3A_566 = arith.divsi %add3A_564, %jit3A_565 : i32
        %sign3A_567 = arith.constant 0 : i32
        %sign3A_568 = arith.cmpi sgt, %add3A_564, %sign3A_567 : i32
        %sign3A_569 = arith.extui %sign3A_568 : i1 to i32
        %sign3A_570 = arith.constant 0 : i32
        %sign3A_571 = arith.cmpi slt, %add3A_564, %sign3A_570 : i32
        %sign3A_572 = arith.extui %sign3A_571 : i1 to i32
        %sign3A_573 = arith.subi %sign3A_569, %sign3A_572 : i32
        %sign3A_574 = arith.constant 0 : i32
        %sign3A_575 = arith.cmpi sgt, %jit3A_565, %sign3A_574 : i32
        %sign3A_576 = arith.extui %sign3A_575 : i1 to i32
        %sign3A_577 = arith.constant 0 : i32
        %sign3A_578 = arith.cmpi slt, %jit3A_565, %sign3A_577 : i32
        %sign3A_579 = arith.extui %sign3A_578 : i1 to i32
        %sign3A_580 = arith.subi %sign3A_576, %sign3A_579 : i32
        %ne3A_581 = arith.cmpi ne, %sign3A_573, %sign3A_580 : i32
        %rem3A_582 = arith.remsi %add3A_564, %jit3A_565 : i32
        %ne3A_583 = arith.constant 0 : i32
        %ne3A_584 = arith.cmpi ne, %rem3A_582, %ne3A_583 : i32
        %and3A_585 = arith.andi %ne3A_581, %ne3A_584 : i1
        %sub3A_586 = arith.constant 1 : i32
        %sub3A_587 = arith.subi %div3A_566, %sub3A_586 : i32
        %select_n3A_588 = arith.select %and3A_585, %sub3A_587, %div3A_566 : i32
        %rem3A_589 = arith.constant 21 : i32
        %rem3A_590 = arith.remsi %add3A_564, %rem3A_589 : i32
        %eq3A_591 = arith.constant 20 : i32
        %eq3A_592 = arith.cmpi eq, %rem3A_590, %eq3A_591 : i32
        %mul3A_593 = arith.constant 48 : i32
        %mul3A_594 = arith.muli %rem3A_590, %mul3A_593 : i32
        %jit3A_595 = arith.constant 952 : i32
        %select_n3A_596 = arith.select %eq3A_592, %jit3A_595, %mul3A_594 : i32
        %multiple_of3A_597 = tpu.assume_multiple %select_n3A_596, 8 : i32
        %ge3A_598 = arith.constant 1 : i32
        %ge3A_599 = arith.cmpi sge, %select_n3A_588, %ge3A_598 : i32
        %lt3A_600 = arith.constant 17 : i32
        %lt3A_601 = arith.cmpi slt, %select_n3A_588, %lt3A_600 : i32
        %and3A_602 = arith.andi %ge3A_599, %lt3A_601 : i1
        %eq3A_603 = arith.constant 0 : i32
        %eq3A_604 = arith.cmpi eq, %select_n3A_588, %eq3A_603 : i32
        %or3A_605 = arith.ori %and3A_602, %eq3A_604 : i1
        %sub3A_606 = arith.constant 16 : i32
        %sub3A_607 = arith.subi %select_n3A_588, %sub3A_606 : i32
        %jit3A_608 = arith.constant 0 : i32
        %select_n3A_609 = arith.select %or3A_605, %jit3A_608, %sub3A_607 : i32
        %mul3A_610 = arith.constant 1000 : i32
        %mul3A_611 = arith.muli %select_n3A_609, %mul3A_610 : i32
        %add3A_612 = arith.addi %mul3A_611, %multiple_of3A_597 : i32
        %multiple_of3A_613 = tpu.assume_multiple %add3A_612, 8 : i32
        %convert_element_type3A_614 = arith.extui %and3A_602 : i1 to i32
        %cond3A_615 = arith.constant 0 : i32
        %cond3A_616 = arith.cmpi ne, %convert_element_type3A_614, %cond3A_615 : i32
        scf.if %cond3A_616 {
          %dma_wait3A_683 = arith.constant 0 : i32
          %dma_wait3A_684 = arith.constant 0 : i32
          %dma_wait3A_685 = arith.constant 0 : i32
          %dma_wait3A_686 = tpu.memref_slice %arg10[%dma_wait3A_684, %dma_wait3A_685] : memref<48x512xf32, #tpu.memory_space<vmem>> -> memref<8x512xf32, #tpu.memory_space<vmem>>
          %dma_wait3A_687 = arith.constant 0 : i32
          %dma_wait3A_688 = arith.constant 0 : i32
          %dma_wait3A_689 = tpu.memref_slice %arg4[%dma_wait3A_683, %dma_wait3A_687, %dma_wait3A_688] : memref<16x8x512xf32, #tpu.memory_space<hbm>> -> memref<1x8x512xf32, #tpu.memory_space<hbm>>
          %dma_wait3A_690 = tpu.memref_squeeze %dma_wait3A_689 : memref<1x8x512xf32, #tpu.memory_space<hbm>> -> memref<8x512xf32, #tpu.memory_space<hbm>>
          %dma_wait3A_691 = arith.constant 0 : i32
          %dma_wait3A_692 = arith.constant 0 : i32
          %dma_wait3A_693 = tpu.memref_slice %arg10[%dma_wait3A_691, %dma_wait3A_692] : memref<48x512xf32, #tpu.memory_space<vmem>> -> memref<8x512xf32, #tpu.memory_space<vmem>>
          %dma_wait3A_694 = arith.constant 0 : i32
          %dma_wait3A_695 = arith.constant 0 : i32
          %dma_wait3A_696 = tpu.memref_slice %arg4[%dma_wait3A_683, %dma_wait3A_694, %dma_wait3A_695] : memref<16x8x512xf32, #tpu.memory_space<hbm>> -> memref<1x8x512xf32, #tpu.memory_space<hbm>>
          %dma_wait3A_697 = tpu.memref_squeeze %dma_wait3A_696 : memref<1x8x512xf32, #tpu.memory_space<hbm>> -> memref<8x512xf32, #tpu.memory_space<hbm>>
          tpu.wait_dma2 semaphore(%arg25 : memref<!tpu.dma_semaphore, #tpu.memory_space<semaphore_mem>>) src(%dma_wait3A_697 : memref<8x512xf32, #tpu.memory_space<hbm>>) dst(%dma_wait3A_693 : memref<8x512xf32, #tpu.memory_space<vmem>>)
        } else {
        }
        %not3A_617 = arith.constant true
        %not3A_618 = arith.xori %and3A_602, %not3A_617 : i1
        %convert_element_type3A_619 = arith.extui %not3A_618 : i1 to i32
        %cond3A_620 = arith.constant 0 : i32
        %cond3A_621 = arith.cmpi ne, %convert_element_type3A_619, %cond3A_620 : i32
        scf.if %cond3A_621 {
          %dma_wait3A_683 = arith.constant 0 : i32
          %dma_wait3A_684 = arith.constant 0 : i32
          %dma_wait3A_685 = tpu.memref_slice %arg3[%dma_wait3A_683, %dma_wait3A_684] : memref<49408x512xf32, #tpu.memory_space<hbm>> -> memref<48x512xf32, #tpu.memory_space<hbm>>
          %dma_wait3A_686 = arith.constant 0 : i32
          %dma_wait3A_687 = arith.constant 0 : i32
          %dma_wait3A_688 = tpu.memref_slice %arg3[%dma_wait3A_686, %dma_wait3A_687] : memref<49408x512xf32, #tpu.memory_space<hbm>> -> memref<48x512xf32, #tpu.memory_space<hbm>>
          tpu.wait_dma2 semaphore(%arg25 : memref<!tpu.dma_semaphore, #tpu.memory_space<semaphore_mem>>) src(%dma_wait3A_688 : memref<48x512xf32, #tpu.memory_space<hbm>>) dst(%arg10 : memref<48x512xf32, #tpu.memory_space<vmem>>)
        } else {
        }
        %rem3A_622 = arith.remsi %add3A_544, %select_n3A : i32
        %mul3A_623 = arith.constant 32 : i32
        %mul3A_624 = arith.muli %mul3A_623, %rem3A_622 : i32
        %add3A_625 = arith.addi %add3A, %mul3A_624 : i32
        %jit3A_626 = arith.constant 21 : i32
        %div3A_627 = arith.divsi %add3A_625, %jit3A_626 : i32
        %sign3A_628 = arith.constant 0 : i32
        %sign3A_629 = arith.cmpi sgt, %add3A_625, %sign3A_628 : i32
        %sign3A_630 = arith.extui %sign3A_629 : i1 to i32
        %sign3A_631 = arith.constant 0 : i32
        %sign3A_632 = arith.cmpi slt, %add3A_625, %sign3A_631 : i32
        %sign3A_633 = arith.extui %sign3A_632 : i1 to i32
        %sign3A_634 = arith.subi %sign3A_630, %sign3A_633 : i32
        %sign3A_635 = arith.constant 0 : i32
        %sign3A_636 = arith.cmpi sgt, %jit3A_626, %sign3A_635 : i32
        %sign3A_637 = arith.extui %sign3A_636 : i1 to i32
        %sign3A_638 = arith.constant 0 : i32
        %sign3A_639 = arith.cmpi slt, %jit3A_626, %sign3A_638 : i32
        %sign3A_640 = arith.extui %sign3A_639 : i1 to i32
        %sign3A_641 = arith.subi %sign3A_637, %sign3A_640 : i32
        %ne3A_642 = arith.cmpi ne, %sign3A_634, %sign3A_641 : i32
        %rem3A_643 = arith.remsi %add3A_625, %jit3A_626 : i32
        %ne3A_644 = arith.constant 0 : i32
        %ne3A_645 = arith.cmpi ne, %rem3A_643, %ne3A_644 : i32
        %and3A_646 = arith.andi %ne3A_642, %ne3A_645 : i1
        %sub3A_647 = arith.constant 1 : i32
        %sub3A_648 = arith.subi %div3A_627, %sub3A_647 : i32
        %select_n3A_649 = arith.select %and3A_646, %sub3A_648, %div3A_627 : i32
        %rem3A_650 = arith.constant 21 : i32
        %rem3A_651 = arith.remsi %add3A_625, %rem3A_650 : i32
        %eq3A_652 = arith.constant 20 : i32
        %eq3A_653 = arith.cmpi eq, %rem3A_651, %eq3A_652 : i32
        %mul3A_654 = arith.constant 48 : i32
        %mul3A_655 = arith.muli %rem3A_651, %mul3A_654 : i32
        %jit3A_656 = arith.constant 952 : i32
        %select_n3A_657 = arith.select %eq3A_653, %jit3A_656, %mul3A_655 : i32
        %multiple_of3A_658 = tpu.assume_multiple %select_n3A_657, 8 : i32
        %ge3A_659 = arith.constant 1 : i32
        %ge3A_660 = arith.cmpi sge, %select_n3A_649, %ge3A_659 : i32
        %lt3A_661 = arith.constant 17 : i32
        %lt3A_662 = arith.cmpi slt, %select_n3A_649, %lt3A_661 : i32
        %and3A_663 = arith.andi %ge3A_660, %lt3A_662 : i1
        %eq3A_664 = arith.constant 0 : i32
        %eq3A_665 = arith.cmpi eq, %select_n3A_649, %eq3A_664 : i32
        %or3A_666 = arith.ori %and3A_663, %eq3A_665 : i1
        %sub3A_667 = arith.constant 16 : i32
        %sub3A_668 = arith.subi %select_n3A_649, %sub3A_667 : i32
        %jit3A_669 = arith.constant 0 : i32
        %select_n3A_670 = arith.select %or3A_666, %jit3A_669, %sub3A_668 : i32
        %mul3A_671 = arith.constant 1000 : i32
        %mul3A_672 = arith.muli %select_n3A_670, %mul3A_671 : i32
        %add3A_673 = arith.addi %mul3A_672, %multiple_of3A_658 : i32
        %multiple_of3A_674 = tpu.assume_multiple %add3A_673, 8 : i32
        %convert_element_type3A_675 = arith.extui %and3A_663 : i1 to i32
        %cond3A_676 = arith.constant 0 : i32
        %cond3A_677 = arith.cmpi ne, %convert_element_type3A_675, %cond3A_676 : i32
        scf.if %cond3A_677 {
          %add3A_683 = arith.constant 0 : i32
          %add3A_684 = arith.addi %multiple_of3A_658, %add3A_683 : i32
          %dma_start3A_685 = arith.constant 0 : i32
          %dma_start3A_686 = arith.constant 0 : i32
          %dma_start3A_687 = tpu.memref_slice %arg10[%dma_start3A_685, %dma_start3A_686] : memref<48x512xf32, #tpu.memory_space<vmem>> -> memref<8x512xf32, #tpu.memory_space<vmem>>
          %dma_start3A_688 = arith.constant 0 : i32
          %dma_start3A_689 = tpu.memref_slice %arg5[%select_n3A_649, %add3A_684, %dma_start3A_688] : memref<77x1000x512xf32, #tpu.memory_space<hbm>> -> memref<1x8x512xf32, #tpu.memory_space<hbm>>
          %dma_start3A_690 = tpu.memref_squeeze %dma_start3A_689 : memref<1x8x512xf32, #tpu.memory_space<hbm>> -> memref<8x512xf32, #tpu.memory_space<hbm>>
          %dma_start3A_691 = arith.constant 0 : i32
          %dma_start3A_692 = tpu.memref_slice %arg5[%select_n3A_649, %add3A_684, %dma_start3A_691] : memref<77x1000x512xf32, #tpu.memory_space<hbm>> -> memref<1x8x512xf32, #tpu.memory_space<hbm>>
          %dma_start3A_693 = tpu.memref_squeeze %dma_start3A_692 : memref<1x8x512xf32, #tpu.memory_space<hbm>> -> memref<8x512xf32, #tpu.memory_space<hbm>>
          %dma_start3A_694 = arith.constant 0 : i32
          %dma_start3A_695 = arith.constant 0 : i32
          %dma_start3A_696 = tpu.memref_slice %arg10[%dma_start3A_694, %dma_start3A_695] : memref<48x512xf32, #tpu.memory_space<vmem>> -> memref<8x512xf32, #tpu.memory_space<vmem>>
          tpu.enqueue_dma source(%dma_start3A_696 : memref<8x512xf32, #tpu.memory_space<vmem>>) target(%dma_start3A_693 : memref<8x512xf32, #tpu.memory_space<hbm>>) target_semaphore(%arg30 : memref<!tpu.dma_semaphore, #tpu.memory_space<semaphore_mem>>)
          %add3A_697 = arith.constant 8 : i32
          %add3A_698 = arith.addi %multiple_of3A_658, %add3A_697 : i32
          %dma_start3A_699 = arith.constant 0 : i32
          %dma_start3A_700 = arith.constant 0 : i32
          %dma_start3A_701 = tpu.memref_slice %arg10[%dma_start3A_699, %dma_start3A_700] : memref<48x512xf32, #tpu.memory_space<vmem>> -> memref<8x512xf32, #tpu.memory_space<vmem>>
          %dma_start3A_702 = arith.constant 0 : i32
          %dma_start3A_703 = tpu.memref_slice %arg5[%select_n3A_649, %add3A_698, %dma_start3A_702] : memref<77x1000x512xf32, #tpu.memory_space<hbm>> -> memref<1x8x512xf32, #tpu.memory_space<hbm>>
          %dma_start3A_704 = tpu.memref_squeeze %dma_start3A_703 : memref<1x8x512xf32, #tpu.memory_space<hbm>> -> memref<8x512xf32, #tpu.memory_space<hbm>>
          %dma_start3A_705 = arith.constant 0 : i32
          %dma_start3A_706 = tpu.memref_slice %arg5[%select_n3A_649, %add3A_698, %dma_start3A_705] : memref<77x1000x512xf32, #tpu.memory_space<hbm>> -> memref<1x8x512xf32, #tpu.memory_space<hbm>>
          %dma_start3A_707 = tpu.memref_squeeze %dma_start3A_706 : memref<1x8x512xf32, #tpu.memory_space<hbm>> -> memref<8x512xf32, #tpu.memory_space<hbm>>
          %dma_start3A_708 = arith.constant 0 : i32
          %dma_start3A_709 = arith.constant 0 : i32
          %dma_start3A_710 = tpu.memref_slice %arg10[%dma_start3A_708, %dma_start3A_709] : memref<48x512xf32, #tpu.memory_space<vmem>> -> memref<8x512xf32, #tpu.memory_space<vmem>>
          tpu.enqueue_dma source(%dma_start3A_710 : memref<8x512xf32, #tpu.memory_space<vmem>>) target(%dma_start3A_707 : memref<8x512xf32, #tpu.memory_space<hbm>>) target_semaphore(%arg30 : memref<!tpu.dma_semaphore, #tpu.memory_space<semaphore_mem>>)
          %add3A_711 = arith.constant 16 : i32
          %add3A_712 = arith.addi %multiple_of3A_658, %add3A_711 : i32
          %dma_start3A_713 = arith.constant 0 : i32
          %dma_start3A_714 = arith.constant 0 : i32
          %dma_start3A_715 = tpu.memref_slice %arg10[%dma_start3A_713, %dma_start3A_714] : memref<48x512xf32, #tpu.memory_space<vmem>> -> memref<8x512xf32, #tpu.memory_space<vmem>>
          %dma_start3A_716 = arith.constant 0 : i32
          %dma_start3A_717 = tpu.memref_slice %arg5[%select_n3A_649, %add3A_712, %dma_start3A_716] : memref<77x1000x512xf32, #tpu.memory_space<hbm>> -> memref<1x8x512xf32, #tpu.memory_space<hbm>>
          %dma_start3A_718 = tpu.memref_squeeze %dma_start3A_717 : memref<1x8x512xf32, #tpu.memory_space<hbm>> -> memref<8x512xf32, #tpu.memory_space<hbm>>
          %dma_start3A_719 = arith.constant 0 : i32
          %dma_start3A_720 = tpu.memref_slice %arg5[%select_n3A_649, %add3A_712, %dma_start3A_719] : memref<77x1000x512xf32, #tpu.memory_space<hbm>> -> memref<1x8x512xf32, #tpu.memory_space<hbm>>
          %dma_start3A_721 = tpu.memref_squeeze %dma_start3A_720 : memref<1x8x512xf32, #tpu.memory_space<hbm>> -> memref<8x512xf32, #tpu.memory_space<hbm>>
          %dma_start3A_722 = arith.constant 0 : i32
          %dma_start3A_723 = arith.constant 0 : i32
          %dma_start3A_724 = tpu.memref_slice %arg10[%dma_start3A_722, %dma_start3A_723] : memref<48x512xf32, #tpu.memory_space<vmem>> -> memref<8x512xf32, #tpu.memory_space<vmem>>
          tpu.enqueue_dma source(%dma_start3A_724 : memref<8x512xf32, #tpu.memory_space<vmem>>) target(%dma_start3A_721 : memref<8x512xf32, #tpu.memory_space<hbm>>) target_semaphore(%arg30 : memref<!tpu.dma_semaphore, #tpu.memory_space<semaphore_mem>>)
          %add3A_725 = arith.constant 24 : i32
          %add3A_726 = arith.addi %multiple_of3A_658, %add3A_725 : i32
          %dma_start3A_727 = arith.constant 0 : i32
          %dma_start3A_728 = arith.constant 0 : i32
          %dma_start3A_729 = tpu.memref_slice %arg10[%dma_start3A_727, %dma_start3A_728] : memref<48x512xf32, #tpu.memory_space<vmem>> -> memref<8x512xf32, #tpu.memory_space<vmem>>
          %dma_start3A_730 = arith.constant 0 : i32
          %dma_start3A_731 = tpu.memref_slice %arg5[%select_n3A_649, %add3A_726, %dma_start3A_730] : memref<77x1000x512xf32, #tpu.memory_space<hbm>> -> memref<1x8x512xf32, #tpu.memory_space<hbm>>
          %dma_start3A_732 = tpu.memref_squeeze %dma_start3A_731 : memref<1x8x512xf32, #tpu.memory_space<hbm>> -> memref<8x512xf32, #tpu.memory_space<hbm>>
          %dma_start3A_733 = arith.constant 0 : i32
          %dma_start3A_734 = tpu.memref_slice %arg5[%select_n3A_649, %add3A_726, %dma_start3A_733] : memref<77x1000x512xf32, #tpu.memory_space<hbm>> -> memref<1x8x512xf32, #tpu.memory_space<hbm>>
          %dma_start3A_735 = tpu.memref_squeeze %dma_start3A_734 : memref<1x8x512xf32, #tpu.memory_space<hbm>> -> memref<8x512xf32, #tpu.memory_space<hbm>>
          %dma_start3A_736 = arith.constant 0 : i32
          %dma_start3A_737 = arith.constant 0 : i32
          %dma_start3A_738 = tpu.memref_slice %arg10[%dma_start3A_736, %dma_start3A_737] : memref<48x512xf32, #tpu.memory_space<vmem>> -> memref<8x512xf32, #tpu.memory_space<vmem>>
          tpu.enqueue_dma source(%dma_start3A_738 : memref<8x512xf32, #tpu.memory_space<vmem>>) target(%dma_start3A_735 : memref<8x512xf32, #tpu.memory_space<hbm>>) target_semaphore(%arg30 : memref<!tpu.dma_semaphore, #tpu.memory_space<semaphore_mem>>)
          %add3A_739 = arith.constant 32 : i32
          %add3A_740 = arith.addi %multiple_of3A_658, %add3A_739 : i32
          %dma_start3A_741 = arith.constant 0 : i32
          %dma_start3A_742 = arith.constant 0 : i32
          %dma_start3A_743 = tpu.memref_slice %arg10[%dma_start3A_741, %dma_start3A_742] : memref<48x512xf32, #tpu.memory_space<vmem>> -> memref<8x512xf32, #tpu.memory_space<vmem>>
          %dma_start3A_744 = arith.constant 0 : i32
          %dma_start3A_745 = tpu.memref_slice %arg5[%select_n3A_649, %add3A_740, %dma_start3A_744] : memref<77x1000x512xf32, #tpu.memory_space<hbm>> -> memref<1x8x512xf32, #tpu.memory_space<hbm>>
          %dma_start3A_746 = tpu.memref_squeeze %dma_start3A_745 : memref<1x8x512xf32, #tpu.memory_space<hbm>> -> memref<8x512xf32, #tpu.memory_space<hbm>>
          %dma_start3A_747 = arith.constant 0 : i32
          %dma_start3A_748 = tpu.memref_slice %arg5[%select_n3A_649, %add3A_740, %dma_start3A_747] : memref<77x1000x512xf32, #tpu.memory_space<hbm>> -> memref<1x8x512xf32, #tpu.memory_space<hbm>>
          %dma_start3A_749 = tpu.memref_squeeze %dma_start3A_748 : memref<1x8x512xf32, #tpu.memory_space<hbm>> -> memref<8x512xf32, #tpu.memory_space<hbm>>
          %dma_start3A_750 = arith.constant 0 : i32
          %dma_start3A_751 = arith.constant 0 : i32
          %dma_start3A_752 = tpu.memref_slice %arg10[%dma_start3A_750, %dma_start3A_751] : memref<48x512xf32, #tpu.memory_space<vmem>> -> memref<8x512xf32, #tpu.memory_space<vmem>>
          tpu.enqueue_dma source(%dma_start3A_752 : memref<8x512xf32, #tpu.memory_space<vmem>>) target(%dma_start3A_749 : memref<8x512xf32, #tpu.memory_space<hbm>>) target_semaphore(%arg30 : memref<!tpu.dma_semaphore, #tpu.memory_space<semaphore_mem>>)
          %add3A_753 = arith.constant 40 : i32
          %add3A_754 = arith.addi %multiple_of3A_658, %add3A_753 : i32
          %dma_start3A_755 = arith.constant 0 : i32
          %dma_start3A_756 = arith.constant 0 : i32
          %dma_start3A_757 = tpu.memref_slice %arg10[%dma_start3A_755, %dma_start3A_756] : memref<48x512xf32, #tpu.memory_space<vmem>> -> memref<8x512xf32, #tpu.memory_space<vmem>>
          %dma_start3A_758 = arith.constant 0 : i32
          %dma_start3A_759 = tpu.memref_slice %arg5[%select_n3A_649, %add3A_754, %dma_start3A_758] : memref<77x1000x512xf32, #tpu.memory_space<hbm>> -> memref<1x8x512xf32, #tpu.memory_space<hbm>>
          %dma_start3A_760 = tpu.memref_squeeze %dma_start3A_759 : memref<1x8x512xf32, #tpu.memory_space<hbm>> -> memref<8x512xf32, #tpu.memory_space<hbm>>
          %dma_start3A_761 = arith.constant 0 : i32
          %dma_start3A_762 = tpu.memref_slice %arg5[%select_n3A_649, %add3A_754, %dma_start3A_761] : memref<77x1000x512xf32, #tpu.memory_space<hbm>> -> memref<1x8x512xf32, #tpu.memory_space<hbm>>
          %dma_start3A_763 = tpu.memref_squeeze %dma_start3A_762 : memref<1x8x512xf32, #tpu.memory_space<hbm>> -> memref<8x512xf32, #tpu.memory_space<hbm>>
          %dma_start3A_764 = arith.constant 0 : i32
          %dma_start3A_765 = arith.constant 0 : i32
          %dma_start3A_766 = tpu.memref_slice %arg10[%dma_start3A_764, %dma_start3A_765] : memref<48x512xf32, #tpu.memory_space<vmem>> -> memref<8x512xf32, #tpu.memory_space<vmem>>
          tpu.enqueue_dma source(%dma_start3A_766 : memref<8x512xf32, #tpu.memory_space<vmem>>) target(%dma_start3A_763 : memref<8x512xf32, #tpu.memory_space<hbm>>) target_semaphore(%arg30 : memref<!tpu.dma_semaphore, #tpu.memory_space<semaphore_mem>>)
        } else {
        }
        %not3A_678 = arith.constant true
        %not3A_679 = arith.xori %and3A_663, %not3A_678 : i1
        %convert_element_type3A_680 = arith.extui %not3A_679 : i1 to i32
        %cond3A_681 = arith.constant 0 : i32
        %cond3A_682 = arith.cmpi ne, %convert_element_type3A_680, %cond3A_681 : i32
        scf.if %cond3A_682 {
          %dma_start3A_683 = arith.constant 0 : i32
          %dma_start3A_684 = tpu.memref_slice %arg5[%select_n3A_649, %multiple_of3A_658, %dma_start3A_683] : memref<77x1000x512xf32, #tpu.memory_space<hbm>> -> memref<1x48x512xf32, #tpu.memory_space<hbm>>
          %dma_start3A_685 = tpu.memref_squeeze %dma_start3A_684 : memref<1x48x512xf32, #tpu.memory_space<hbm>> -> memref<48x512xf32, #tpu.memory_space<hbm>>
          %dma_start3A_686 = arith.constant 0 : i32
          %dma_start3A_687 = tpu.memref_slice %arg5[%select_n3A_649, %multiple_of3A_658, %dma_start3A_686] : memref<77x1000x512xf32, #tpu.memory_space<hbm>> -> memref<1x48x512xf32, #tpu.memory_space<hbm>>
          %dma_start3A_688 = tpu.memref_squeeze %dma_start3A_687 : memref<1x48x512xf32, #tpu.memory_space<hbm>> -> memref<48x512xf32, #tpu.memory_space<hbm>>
          tpu.enqueue_dma source(%arg10 : memref<48x512xf32, #tpu.memory_space<vmem>>) target(%dma_start3A_688 : memref<48x512xf32, #tpu.memory_space<hbm>>) target_semaphore(%arg30 : memref<!tpu.dma_semaphore, #tpu.memory_space<semaphore_mem>>)
        } else {
        }
      } else {
      }
      %add3A_549 = arith.constant 4 : i32
      %add3A_550 = arith.addi %add3A_544, %add3A_549 : i32
      %lt3A_551 = arith.cmpi slt, %add3A_550, %select_n3A : i32
      %convert_element_type3A_552 = arith.extui %lt3A_551 : i1 to i32
      %cond3A_553 = arith.constant 0 : i32
      %cond3A_554 = arith.cmpi ne, %convert_element_type3A_552, %cond3A_553 : i32
      scf.if %cond3A_554 {
        %add3A_561 = arith.constant 4 : i32
        %add3A_562 = arith.addi %add3A_544, %add3A_561 : i32
        %rem3A_563 = arith.remsi %add3A_562, %select_n3A : i32
        %mul3A_564 = arith.constant 32 : i32
        %mul3A_565 = arith.muli %mul3A_564, %rem3A_563 : i32
        %add3A_566 = arith.addi %add3A, %mul3A_565 : i32
        %jit3A_567 = arith.constant 21 : i32
        %div3A_568 = arith.divsi %add3A_566, %jit3A_567 : i32
        %sign3A_569 = arith.constant 0 : i32
        %sign3A_570 = arith.cmpi sgt, %add3A_566, %sign3A_569 : i32
        %sign3A_571 = arith.extui %sign3A_570 : i1 to i32
        %sign3A_572 = arith.constant 0 : i32
        %sign3A_573 = arith.cmpi slt, %add3A_566, %sign3A_572 : i32
        %sign3A_574 = arith.extui %sign3A_573 : i1 to i32
        %sign3A_575 = arith.subi %sign3A_571, %sign3A_574 : i32
        %sign3A_576 = arith.constant 0 : i32
        %sign3A_577 = arith.cmpi sgt, %jit3A_567, %sign3A_576 : i32
        %sign3A_578 = arith.extui %sign3A_577 : i1 to i32
        %sign3A_579 = arith.constant 0 : i32
        %sign3A_580 = arith.cmpi slt, %jit3A_567, %sign3A_579 : i32
        %sign3A_581 = arith.extui %sign3A_580 : i1 to i32
        %sign3A_582 = arith.subi %sign3A_578, %sign3A_581 : i32
        %ne3A_583 = arith.cmpi ne, %sign3A_575, %sign3A_582 : i32
        %rem3A_584 = arith.remsi %add3A_566, %jit3A_567 : i32
        %ne3A_585 = arith.constant 0 : i32
        %ne3A_586 = arith.cmpi ne, %rem3A_584, %ne3A_585 : i32
        %and3A_587 = arith.andi %ne3A_583, %ne3A_586 : i1
        %sub3A_588 = arith.constant 1 : i32
        %sub3A_589 = arith.subi %div3A_568, %sub3A_588 : i32
        %select_n3A_590 = arith.select %and3A_587, %sub3A_589, %div3A_568 : i32
        %rem3A_591 = arith.constant 21 : i32
        %rem3A_592 = arith.remsi %add3A_566, %rem3A_591 : i32
        %eq3A_593 = arith.constant 20 : i32
        %eq3A_594 = arith.cmpi eq, %rem3A_592, %eq3A_593 : i32
        %mul3A_595 = arith.constant 48 : i32
        %mul3A_596 = arith.muli %rem3A_592, %mul3A_595 : i32
        %jit3A_597 = arith.constant 952 : i32
        %select_n3A_598 = arith.select %eq3A_594, %jit3A_597, %mul3A_596 : i32
        %multiple_of3A_599 = tpu.assume_multiple %select_n3A_598, 8 : i32
        %ge3A_600 = arith.constant 1 : i32
        %ge3A_601 = arith.cmpi sge, %select_n3A_590, %ge3A_600 : i32
        %lt3A_602 = arith.constant 17 : i32
        %lt3A_603 = arith.cmpi slt, %select_n3A_590, %lt3A_602 : i32
        %and3A_604 = arith.andi %ge3A_601, %lt3A_603 : i1
        %eq3A_605 = arith.constant 0 : i32
        %eq3A_606 = arith.cmpi eq, %select_n3A_590, %eq3A_605 : i32
        %or3A_607 = arith.ori %and3A_604, %eq3A_606 : i1
        %sub3A_608 = arith.constant 16 : i32
        %sub3A_609 = arith.subi %select_n3A_590, %sub3A_608 : i32
        %jit3A_610 = arith.constant 0 : i32
        %select_n3A_611 = arith.select %or3A_607, %jit3A_610, %sub3A_609 : i32
        %mul3A_612 = arith.constant 1000 : i32
        %mul3A_613 = arith.muli %select_n3A_611, %mul3A_612 : i32
        %add3A_614 = arith.addi %mul3A_613, %multiple_of3A_599 : i32
        %multiple_of3A_615 = tpu.assume_multiple %add3A_614, 8 : i32
        %dma_start3A_616 = tpu.memref_slice %arg2[%multiple_of3A_615] : memref<61000xi32, #tpu.memory_space<hbm>> -> memref<48xi32, #tpu.memory_space<hbm>>
        %dma_start3A_617 = tpu.memref_slice %arg2[%multiple_of3A_615] : memref<61000xi32, #tpu.memory_space<hbm>> -> memref<48xi32, #tpu.memory_space<hbm>>
        tpu.enqueue_dma source(%dma_start3A_617 : memref<48xi32, #tpu.memory_space<hbm>>) target(%arg14 : memref<48xi32, #tpu.memory_space<vmem>>) target_semaphore(%arg19 : memref<!tpu.dma_semaphore, #tpu.memory_space<semaphore_mem>>)
      } else {
      }
      %add3A_555 = arith.constant 3 : i32
      %add3A_556 = arith.addi %add3A_544, %add3A_555 : i32
      %lt3A_557 = arith.cmpi slt, %add3A_556, %select_n3A : i32
      %convert_element_type3A_558 = arith.extui %lt3A_557 : i1 to i32
      %cond3A_559 = arith.constant 0 : i32
      %cond3A_560 = arith.cmpi ne, %convert_element_type3A_558, %cond3A_559 : i32
      scf.if %cond3A_560 {
        %dma_wait3A_561 = arith.constant 0 : i32
        %dma_wait3A_562 = tpu.memref_slice %arg2[%dma_wait3A_561] : memref<61000xi32, #tpu.memory_space<hbm>> -> memref<48xi32, #tpu.memory_space<hbm>>
        %dma_wait3A_563 = arith.constant 0 : i32
        %dma_wait3A_564 = tpu.memref_slice %arg2[%dma_wait3A_563] : memref<61000xi32, #tpu.memory_space<hbm>> -> memref<48xi32, #tpu.memory_space<hbm>>
        tpu.wait_dma2 semaphore(%arg18 : memref<!tpu.dma_semaphore, #tpu.memory_space<semaphore_mem>>) src(%dma_wait3A_564 : memref<48xi32, #tpu.memory_space<hbm>>) dst(%arg13 : memref<48xi32, #tpu.memory_space<vmem>>)
        %ge3A_565 = arith.constant 2 : i32
        %ge3A_566 = arith.cmpi sge, %add3A_544, %ge3A_565 : i32
        %convert_element_type3A_567 = arith.extui %ge3A_566 : i1 to i32
        %cond3A_568 = arith.constant 0 : i32
        %cond3A_569 = arith.cmpi ne, %convert_element_type3A_567, %cond3A_568 : i32
        scf.if %cond3A_569 {
          %dma_wait3A_633 = arith.constant 0 : i32
          %dma_wait3A_634 = arith.constant 0 : i32
          %dma_wait3A_635 = arith.constant 0 : i32
          %dma_wait3A_636 = tpu.memref_slice %arg5[%dma_wait3A_633, %dma_wait3A_634, %dma_wait3A_635] : memref<77x1000x512xf32, #tpu.memory_space<hbm>> -> memref<1x48x512xf32, #tpu.memory_space<hbm>>
          %dma_wait3A_637 = tpu.memref_squeeze %dma_wait3A_636 : memref<1x48x512xf32, #tpu.memory_space<hbm>> -> memref<48x512xf32, #tpu.memory_space<hbm>>
          %dma_wait3A_638 = arith.constant 0 : i32
          %dma_wait3A_639 = arith.constant 0 : i32
          %dma_wait3A_640 = tpu.memref_slice %arg5[%dma_wait3A_633, %dma_wait3A_638, %dma_wait3A_639] : memref<77x1000x512xf32, #tpu.memory_space<hbm>> -> memref<1x48x512xf32, #tpu.memory_space<hbm>>
          %dma_wait3A_641 = tpu.memref_squeeze %dma_wait3A_640 : memref<1x48x512xf32, #tpu.memory_space<hbm>> -> memref<48x512xf32, #tpu.memory_space<hbm>>
          tpu.wait_dma2 semaphore(%arg28 : memref<!tpu.dma_semaphore, #tpu.memory_space<semaphore_mem>>) src(%arg8 : memref<48x512xf32, #tpu.memory_space<vmem>>) dst(%dma_wait3A_641 : memref<48x512xf32, #tpu.memory_space<hbm>>)
        } else {
        }
        %add3A_570 = arith.constant 3 : i32
        %add3A_571 = arith.addi %add3A_544, %add3A_570 : i32
        %rem3A_572 = arith.remsi %add3A_571, %select_n3A : i32
        %mul3A_573 = arith.constant 32 : i32
        %mul3A_574 = arith.muli %mul3A_573, %rem3A_572 : i32
        %add3A_575 = arith.addi %add3A, %mul3A_574 : i32
        %jit3A_576 = arith.constant 21 : i32
        %div3A_577 = arith.divsi %add3A_575, %jit3A_576 : i32
        %sign3A_578 = arith.constant 0 : i32
        %sign3A_579 = arith.cmpi sgt, %add3A_575, %sign3A_578 : i32
        %sign3A_580 = arith.extui %sign3A_579 : i1 to i32
        %sign3A_581 = arith.constant 0 : i32
        %sign3A_582 = arith.cmpi slt, %add3A_575, %sign3A_581 : i32
        %sign3A_583 = arith.extui %sign3A_582 : i1 to i32
        %sign3A_584 = arith.subi %sign3A_580, %sign3A_583 : i32
        %sign3A_585 = arith.constant 0 : i32
        %sign3A_586 = arith.cmpi sgt, %jit3A_576, %sign3A_585 : i32
        %sign3A_587 = arith.extui %sign3A_586 : i1 to i32
        %sign3A_588 = arith.constant 0 : i32
        %sign3A_589 = arith.cmpi slt, %jit3A_576, %sign3A_588 : i32
        %sign3A_590 = arith.extui %sign3A_589 : i1 to i32
        %sign3A_591 = arith.subi %sign3A_587, %sign3A_590 : i32
        %ne3A_592 = arith.cmpi ne, %sign3A_584, %sign3A_591 : i32
        %rem3A_593 = arith.remsi %add3A_575, %jit3A_576 : i32
        %ne3A_594 = arith.constant 0 : i32
        %ne3A_595 = arith.cmpi ne, %rem3A_593, %ne3A_594 : i32
        %and3A_596 = arith.andi %ne3A_592, %ne3A_595 : i1
        %sub3A_597 = arith.constant 1 : i32
        %sub3A_598 = arith.subi %div3A_577, %sub3A_597 : i32
        %select_n3A_599 = arith.select %and3A_596, %sub3A_598, %div3A_577 : i32
        %rem3A_600 = arith.constant 21 : i32
        %rem3A_601 = arith.remsi %add3A_575, %rem3A_600 : i32
        %eq3A_602 = arith.constant 20 : i32
        %eq3A_603 = arith.cmpi eq, %rem3A_601, %eq3A_602 : i32
        %mul3A_604 = arith.constant 48 : i32
        %mul3A_605 = arith.muli %rem3A_601, %mul3A_604 : i32
        %jit3A_606 = arith.constant 952 : i32
        %select_n3A_607 = arith.select %eq3A_603, %jit3A_606, %mul3A_605 : i32
        %multiple_of3A_608 = tpu.assume_multiple %select_n3A_607, 8 : i32
        %ge3A_609 = arith.constant 1 : i32
        %ge3A_610 = arith.cmpi sge, %select_n3A_599, %ge3A_609 : i32
        %lt3A_611 = arith.constant 17 : i32
        %lt3A_612 = arith.cmpi slt, %select_n3A_599, %lt3A_611 : i32
        %and3A_613 = arith.andi %ge3A_610, %lt3A_612 : i1
        %eq3A_614 = arith.constant 0 : i32
        %eq3A_615 = arith.cmpi eq, %select_n3A_599, %eq3A_614 : i32
        %or3A_616 = arith.ori %and3A_613, %eq3A_615 : i1
        %sub3A_617 = arith.constant 16 : i32
        %sub3A_618 = arith.subi %select_n3A_599, %sub3A_617 : i32
        %jit3A_619 = arith.constant 0 : i32
        %select_n3A_620 = arith.select %or3A_616, %jit3A_619, %sub3A_618 : i32
        %mul3A_621 = arith.constant 1000 : i32
        %mul3A_622 = arith.muli %select_n3A_620, %mul3A_621 : i32
        %add3A_623 = arith.addi %mul3A_622, %multiple_of3A_608 : i32
        %multiple_of3A_624 = tpu.assume_multiple %add3A_623, 8 : i32
        %convert_element_type3A_625 = arith.extui %and3A_613 : i1 to i32
        %cond3A_626 = arith.constant 0 : i32
        %cond3A_627 = arith.cmpi ne, %convert_element_type3A_625, %cond3A_626 : i32
        scf.if %cond3A_627 {
          %sub3A_633 = arith.constant 1 : i32
          %sub3A_634 = arith.subi %select_n3A_599, %sub3A_633 : i32
          %dma_start3A_635 = arith.constant 0 : i32
          %dma_start3A_636 = arith.constant 0 : i32
          %dma_start3A_637 = tpu.memref_slice %arg8[%dma_start3A_635, %dma_start3A_636] : memref<48x512xf32, #tpu.memory_space<vmem>> -> memref<8x512xf32, #tpu.memory_space<vmem>>
          %dma_start3A_638 = arith.constant 0 : i32
          %dma_start3A_639 = arith.constant 0 : i32
          %dma_start3A_640 = tpu.memref_slice %arg4[%sub3A_634, %dma_start3A_638, %dma_start3A_639] : memref<16x8x512xf32, #tpu.memory_space<hbm>> -> memref<1x8x512xf32, #tpu.memory_space<hbm>>
          %dma_start3A_641 = tpu.memref_squeeze %dma_start3A_640 : memref<1x8x512xf32, #tpu.memory_space<hbm>> -> memref<8x512xf32, #tpu.memory_space<hbm>>
          %dma_start3A_642 = arith.constant 0 : i32
          %dma_start3A_643 = arith.constant 0 : i32
          %dma_start3A_644 = tpu.memref_slice %arg8[%dma_start3A_642, %dma_start3A_643] : memref<48x512xf32, #tpu.memory_space<vmem>> -> memref<8x512xf32, #tpu.memory_space<vmem>>
          %dma_start3A_645 = arith.constant 0 : i32
          %dma_start3A_646 = arith.constant 0 : i32
          %dma_start3A_647 = tpu.memref_slice %arg4[%sub3A_634, %dma_start3A_645, %dma_start3A_646] : memref<16x8x512xf32, #tpu.memory_space<hbm>> -> memref<1x8x512xf32, #tpu.memory_space<hbm>>
          %dma_start3A_648 = tpu.memref_squeeze %dma_start3A_647 : memref<1x8x512xf32, #tpu.memory_space<hbm>> -> memref<8x512xf32, #tpu.memory_space<hbm>>
          tpu.enqueue_dma source(%dma_start3A_648 : memref<8x512xf32, #tpu.memory_space<hbm>>) target(%dma_start3A_644 : memref<8x512xf32, #tpu.memory_space<vmem>>) target_semaphore(%arg23 : memref<!tpu.dma_semaphore, #tpu.memory_space<semaphore_mem>>)
        } else {
        }
        %not3A_628 = arith.constant true
        %not3A_629 = arith.xori %and3A_613, %not3A_628 : i1
        %convert_element_type3A_630 = arith.extui %not3A_629 : i1 to i32
        %cond3A_631 = arith.constant 0 : i32
        %cond3A_632 = arith.cmpi ne, %convert_element_type3A_630, %cond3A_631 : i32
        scf.if %cond3A_632 {
          %dma_start3A_633 = arith.constant 0 : i32
          %dma_start3A_634 = arith.constant 0 : i32
          %dma_start3A_635 = tpu.memref_slice %arg3[%dma_start3A_633, %dma_start3A_634] : memref<49408x512xf32, #tpu.memory_space<hbm>> -> memref<49408x512xf32, #tpu.memory_space<hbm>>
          tpu.enqueue_indirect_dma source(%dma_start3A_635 : memref<49408x512xf32, #tpu.memory_space<hbm>>) target(%arg8 : memref<48x512xf32, #tpu.memory_space<vmem>>) offsets(%arg13 : memref<48xi32, #tpu.memory_space<vmem>>) semaphore(%arg23 : memref<!tpu.dma_semaphore, #tpu.memory_space<semaphore_mem>>)
        } else {
        }
      } else {
      }
    }
    %scan3A_414 = arith.constant 11 : i32
    %dma_wait3A_415 = arith.constant 0 : i32
    %dma_wait3A_416 = arith.constant 0 : i32
    %dma_wait3A_417 = arith.constant 0 : i32
    %dma_wait3A_418 = tpu.memref_slice %arg5[%dma_wait3A_415, %dma_wait3A_416, %dma_wait3A_417] : memref<77x1000x512xf32, #tpu.memory_space<hbm>> -> memref<1x48x512xf32, #tpu.memory_space<hbm>>
    %dma_wait3A_419 = tpu.memref_squeeze %dma_wait3A_418 : memref<1x48x512xf32, #tpu.memory_space<hbm>> -> memref<48x512xf32, #tpu.memory_space<hbm>>
    %dma_wait3A_420 = arith.constant 0 : i32
    %dma_wait3A_421 = arith.constant 0 : i32
    %dma_wait3A_422 = tpu.memref_slice %arg5[%dma_wait3A_415, %dma_wait3A_420, %dma_wait3A_421] : memref<77x1000x512xf32, #tpu.memory_space<hbm>> -> memref<1x48x512xf32, #tpu.memory_space<hbm>>
    %dma_wait3A_423 = tpu.memref_squeeze %dma_wait3A_422 : memref<1x48x512xf32, #tpu.memory_space<hbm>> -> memref<48x512xf32, #tpu.memory_space<hbm>>
    tpu.wait_dma2 semaphore(%arg26 : memref<!tpu.dma_semaphore, #tpu.memory_space<semaphore_mem>>) src(%arg6 : memref<48x512xf32, #tpu.memory_space<vmem>>) dst(%dma_wait3A_423 : memref<48x512xf32, #tpu.memory_space<hbm>>)
    %dma_wait3A_424 = arith.constant 0 : i32
    %dma_wait3A_425 = arith.constant 0 : i32
    %dma_wait3A_426 = arith.constant 0 : i32
    %dma_wait3A_427 = tpu.memref_slice %arg5[%dma_wait3A_424, %dma_wait3A_425, %dma_wait3A_426] : memref<77x1000x512xf32, #tpu.memory_space<hbm>> -> memref<1x48x512xf32, #tpu.memory_space<hbm>>
    %dma_wait3A_428 = tpu.memref_squeeze %dma_wait3A_427 : memref<1x48x512xf32, #tpu.memory_space<hbm>> -> memref<48x512xf32, #tpu.memory_space<hbm>>
    %dma_wait3A_429 = arith.constant 0 : i32
    %dma_wait3A_430 = arith.constant 0 : i32
    %dma_wait3A_431 = tpu.memref_slice %arg5[%dma_wait3A_424, %dma_wait3A_429, %dma_wait3A_430] : memref<77x1000x512xf32, #tpu.memory_space<hbm>> -> memref<1x48x512xf32, #tpu.memory_space<hbm>>
    %dma_wait3A_432 = tpu.memref_squeeze %dma_wait3A_431 : memref<1x48x512xf32, #tpu.memory_space<hbm>> -> memref<48x512xf32, #tpu.memory_space<hbm>>
    tpu.wait_dma2 semaphore(%arg27 : memref<!tpu.dma_semaphore, #tpu.memory_space<semaphore_mem>>) src(%arg7 : memref<48x512xf32, #tpu.memory_space<vmem>>) dst(%dma_wait3A_432 : memref<48x512xf32, #tpu.memory_space<hbm>>)
    %dma_wait3A_433 = arith.constant 0 : i32
    %dma_wait3A_434 = arith.constant 0 : i32
    %dma_wait3A_435 = arith.constant 0 : i32
    %dma_wait3A_436 = tpu.memref_slice %arg5[%dma_wait3A_433, %dma_wait3A_434, %dma_wait3A_435] : memref<77x1000x512xf32, #tpu.memory_space<hbm>> -> memref<1x48x512xf32, #tpu.memory_space<hbm>>
    %dma_wait3A_437 = tpu.memref_squeeze %dma_wait3A_436 : memref<1x48x512xf32, #tpu.memory_space<hbm>> -> memref<48x512xf32, #tpu.memory_space<hbm>>
    %dma_wait3A_438 = arith.constant 0 : i32
    %dma_wait3A_439 = arith.constant 0 : i32
    %dma_wait3A_440 = tpu.memref_slice %arg5[%dma_wait3A_433, %dma_wait3A_438, %dma_wait3A_439] : memref<77x1000x512xf32, #tpu.memory_space<hbm>> -> memref<1x48x512xf32, #tpu.memory_space<hbm>>
    %dma_wait3A_441 = tpu.memref_squeeze %dma_wait3A_440 : memref<1x48x512xf32, #tpu.memory_space<hbm>> -> memref<48x512xf32, #tpu.memory_space<hbm>>
    tpu.wait_dma2 semaphore(%arg28 : memref<!tpu.dma_semaphore, #tpu.memory_space<semaphore_mem>>) src(%arg8 : memref<48x512xf32, #tpu.memory_space<vmem>>) dst(%dma_wait3A_441 : memref<48x512xf32, #tpu.memory_space<hbm>>)
    %dma_wait3A_442 = arith.constant 0 : i32
    %dma_wait3A_443 = arith.constant 0 : i32
    %dma_wait3A_444 = arith.constant 0 : i32
    %dma_wait3A_445 = tpu.memref_slice %arg5[%dma_wait3A_442, %dma_wait3A_443, %dma_wait3A_444] : memref<77x1000x512xf32, #tpu.memory_space<hbm>> -> memref<1x48x512xf32, #tpu.memory_space<hbm>>
    %dma_wait3A_446 = tpu.memref_squeeze %dma_wait3A_445 : memref<1x48x512xf32, #tpu.memory_space<hbm>> -> memref<48x512xf32, #tpu.memory_space<hbm>>
    %dma_wait3A_447 = arith.constant 0 : i32
    %dma_wait3A_448 = arith.constant 0 : i32
    %dma_wait3A_449 = tpu.memref_slice %arg5[%dma_wait3A_442, %dma_wait3A_447, %dma_wait3A_448] : memref<77x1000x512xf32, #tpu.memory_space<hbm>> -> memref<1x48x512xf32, #tpu.memory_space<hbm>>
    %dma_wait3A_450 = tpu.memref_squeeze %dma_wait3A_449 : memref<1x48x512xf32, #tpu.memory_space<hbm>> -> memref<48x512xf32, #tpu.memory_space<hbm>>
    tpu.wait_dma2 semaphore(%arg29 : memref<!tpu.dma_semaphore, #tpu.memory_space<semaphore_mem>>) src(%arg9 : memref<48x512xf32, #tpu.memory_space<vmem>>) dst(%dma_wait3A_450 : memref<48x512xf32, #tpu.memory_space<hbm>>)
    %dma_wait3A_451 = arith.constant 0 : i32
    %dma_wait3A_452 = arith.constant 0 : i32
    %dma_wait3A_453 = arith.constant 0 : i32
    %dma_wait3A_454 = tpu.memref_slice %arg5[%dma_wait3A_451, %dma_wait3A_452, %dma_wait3A_453] : memref<77x1000x512xf32, #tpu.memory_space<hbm>> -> memref<1x48x512xf32, #tpu.memory_space<hbm>>
    %dma_wait3A_455 = tpu.memref_squeeze %dma_wait3A_454 : memref<1x48x512xf32, #tpu.memory_space<hbm>> -> memref<48x512xf32, #tpu.memory_space<hbm>>
    %dma_wait3A_456 = arith.constant 0 : i32
    %dma_wait3A_457 = arith.constant 0 : i32
    %dma_wait3A_458 = tpu.memref_slice %arg5[%dma_wait3A_451, %dma_wait3A_456, %dma_wait3A_457] : memref<77x1000x512xf32, #tpu.memory_space<hbm>> -> memref<1x48x512xf32, #tpu.memory_space<hbm>>
    %dma_wait3A_459 = tpu.memref_squeeze %dma_wait3A_458 : memref<1x48x512xf32, #tpu.memory_space<hbm>> -> memref<48x512xf32, #tpu.memory_space<hbm>>
    tpu.wait_dma2 semaphore(%arg30 : memref<!tpu.dma_semaphore, #tpu.memory_space<semaphore_mem>>) src(%arg10 : memref<48x512xf32, #tpu.memory_space<vmem>>) dst(%dma_wait3A_459 : memref<48x512xf32, #tpu.memory_space<hbm>>)
    return
  }
}

</mosaic_0001>

<sc_bundles>
// kernel: kernel.3.cloned.1.call-start
scs
__scs_entry_jumppad:
0x0: {  	(pc) =	sbr.rel $0x88, $3  }
0x1: {  	(tag) =	ssettag $0x0;
	lr =	simm.s32 $0x1  }
0x2: {  	[smem:$0x3F9E] =	sst lr;
	_ =	strace $0xD0000000  }
0x3: {  	_ = 	snop  }
0x4: {  	_ = 	snop  }
0x5: {  	_ = 	snop  }
0x6: {  	_ = 	snop  }
0x7: {  	_ = 	snop  }
__scs_overlays_trampoline_lowered:
0x8: {  	[smem:$0x3FAD] =	sst s0  }
0x9: {  	[smem:$0x3FAE] =	sst s1  }
0xa: {  	[smem:$0x3FAF] =	sst s2  }
0xb: {  	[smem:$0x3FB0] =	sst s3  }
0xc: {  	[smem:$0x3FB1] =	sst s4  }
0xd: {  	[smem:$0x3FB2] =	sst s5  }
0xe: {  	[smem:$0x3FB3] =	sst s6  }
0xf: {  	[smem:$0x3FB4] =	sst s7  }
0x10: {  	[smem:$0x3FB5] =	sst s8  }
0x11: {  	[smem:$0x3FB6] =	sst s9;
	s0 =	simm.s32 @!p0 $0x0  }
0x12: {  	s1 =	sld [smem:$0x3F9C];
	s0 =	simm.s32 @p0 $0x1  }
0x13: {  	[smem:$0x3FB7] =	sst s0;
	s0 =	simm.s32 @!p1 $0x0  }
0x14: {  	s2 =	sld [smem:$0x3F9B];
	s0 =	simm.s32 @p1 $0x1  }
0x15: {  	[smem:$0x3FB8] =	sst s0;
	s0 =	simm.s32 @!p2 $0x0  }
0x16: {  	s3 =	sld [smem:$0x3FDB];
	s0 =	simm.s32 @p2 $0x1  }
0x17: {  	s4 =	simm.s32 $0x1BF5;
	[smem:$0x3FBA] =	sst s0  }
0x18: {  	s0 =	sld [smem:$0x3F9D];
	_ =	swait.ge [sflag:s4], $0x0  }
0x19: {  	s7 =	sld [smem:$0x3F9E]  }
0x1a: {  	s8 =	sadd.s32 $0xFFFFE003, lr  }
0x1b: {  	s9 =	sadd.s32 $0xFFFFFEF7, lr;
	s5 =	simm.s32 $0xFFFFFFFF;
	p2 =	slt.u32 s8, $0xFFFFF086  }
0x1c: {  	p1 =	slt.u32 s9, $0xF7A;
	s5 =	simm.s32 @!p2 $0x0  }
0x1d: {  	s5 =	simm.s32 @p1 $0x1;
	p0 =	seq.s32 s7, s2  }
0x1e: {  	s7 =	smul.u32 @!p0 $0xF7A, s2;
	p2 =	seq.s32 @!p0 s5, $0x0  }
0x1f: {  	s9 =	smul.u32 $0xF7A, s1;
	s8 =	simm.s32 @!p0 $0x1BF5;
	p2 =	por !p2, p0  }
0x20: {  	[sflag:s8] =	ssyncset.s32 @!p0 $0xFFFFF086;
	s6 =	sadd.s32 @!p0 s3, s7;
	s7 =	simm.s32 @!p0 $0x108  }
0x21: {  	s3 =	sadd.s32 s3, s9;
	s6 =	sadd.s32 @!p0 $0x88, s6;
	s7 =	simm.s32 @p2 $0x1082  }
0x22: {  	[simem:s7], [sflag:s8] =	dma.local @!p0 [hbm:s6], $0xF7A  }
0x23: {  	s9 =	sor.u32 $0xD0000000, s2;
	s6 =	simm.s32 $0x108;
	_ =	swait.ge @!p0 [sflag:s8], $0x0  }
0x24: {  	s3 =	sadd.s32 $0x88, s3;
	s6 =	simm.s32 @!p1 $0x1082;
	[sflag:s4] =	ssyncset.s32 $0xFFFFF086  }
0x25: {  	[simem:s6], [sflag:s4] =	dma.local [hbm:s3], $0xF7A  }
0x26: {  	[smem:$0x3F9E] =	sst s1;
	(tag) =	ssettag s2;
	_ =	strace s9  }
0x27: {  	s1 =	sld [smem:$0x3FAE]  }
0x28: {  	s2 =	sld [smem:$0x3FAF]  }
0x29: {  	s4 =	sld [smem:$0x3FB1]  }
0x2a: {  	p0 =	seq.s32 s5, $0x0;
	s5 =	sld [smem:$0x3FB2]  }
0x2b: {  	s6 =	sld [smem:$0x3FB3]  }
0x2c: {  	s7 =	sld [smem:$0x3FB4]  }
0x2d: {  	s3 =	simm.s32 $0x108;
	s8 =	sld [smem:$0x3FB5]  }
0x2e: {  	s3 =	simm.s32 @!p0 $0x1082;
	s9 =	sld [smem:$0x3FB6]  }
0x2f: {  	lr =	sadd.s32 s0, s3;
	s0 =	sld [smem:$0x3FAD]  }
0x30: {  	s3 =	sld [smem:$0x3FB0]  }
0x31: {  	[smem:$0x3FB9] =	sst s10  }
0x32: {  	s10 =	sld [smem:$0x3FB7];
	_ =	sdelay $0x3  }
0x33: {  	p0 =	seq.s32 s10, $0x1;
	s10 =	sld [smem:$0x3FB9];
	_ =	sdelay $0x3  }
0x34: {  	[smem:$0x3FB9] =	sst s10  }
0x35: {  	s10 =	sld [smem:$0x3FB8];
	_ =	sdelay $0x3  }
0x36: {  	p1 =	seq.s32 s10, $0x1;
	s10 =	sld [smem:$0x3FB9];
	_ =	sdelay $0x3  }
0x37: {  	[smem:$0x3FB9] =	sst s10  }
0x38: {  	s10 =	sld [smem:$0x3FBA]  }
0x39: {  	_ = 	snop;
	(pc) =	sbr.ind lr, $3  }
0x3a: {  	_ = 	snop  }
0x3b: {  	_ = 	snop  }
0x3c: {  	p2 =	seq.s32 s10, $0x1;
	s10 =	sld [smem:$0x3FB9]  }
0x3d: {  	_ =	shalt  }
0x3e: {  	_ =	shalt  }
0x3f: {  	_ =	shalt  }
0x40: {  	_ =	shalt  }
0x41: {  	_ =	shalt  }
0x42: {  	_ =	shalt  }
0x43: {  	_ =	shalt  }
0x44: {  	_ =	shalt  }
0x45: {  	_ =	shalt  }
0x46: {  	_ =	shalt  }
0x47: {  	_ =	shalt  }
0x48: {  	_ =	shalt  }
0x49: {  	_ =	shalt  }
0x4a: {  	_ =	shalt  }
0x4b: {  	_ =	shalt  }
0x4c: {  	_ =	shalt  }
0x4d: {  	_ =	shalt  }
0x4e: {  	_ =	shalt  }
0x4f: {  	_ =	shalt  }
0x50: {  	_ =	shalt  }
0x51: {  	_ =	shalt  }
0x52: {  	_ =	shalt  }
0x53: {  	_ =	shalt  }
0x54: {  	_ =	shalt  }
0x55: {  	_ =	shalt  }
0x56: {  	_ =	shalt  }
0x57: {  	_ =	shalt  }
0x58: {  	_ =	shalt  }
0x59: {  	_ =	shalt  }
0x5a: {  	_ =	shalt  }
0x5b: {  	_ =	shalt  }
0x5c: {  	_ =	shalt  }
0x5d: {  	_ =	shalt  }
0x5e: {  	_ =	shalt  }
0x5f: {  	_ =	shalt  }
0x60: {  	_ =	shalt  }
0x61: {  	_ =	shalt  }
0x62: {  	_ =	shalt  }
0x63: {  	_ =	shalt  }
0x64: {  	_ =	shalt  }
0x65: {  	_ =	shalt  }
0x66: {  	_ =	shalt  }
0x67: {  	_ =	shalt  }
0x68: {  	_ =	shalt  }
0x69: {  	_ =	shalt  }
0x6a: {  	_ =	shalt  }
0x6b: {  	_ =	shalt  }
0x6c: {  	_ =	shalt  }
0x6d: {  	_ =	shalt  }
0x6e: {  	_ =	shalt  }
0x6f: {  	_ =	shalt  }
0x70: {  	_ =	shalt  }
0x71: {  	_ =	shalt  }
0x72: {  	_ =	shalt  }
0x73: {  	_ =	shalt  }
0x74: {  	_ =	shalt  }
0x75: {  	_ =	shalt  }
0x76: {  	_ =	shalt  }
0x77: {  	_ =	shalt  }
0x78: {  	_ =	shalt  }
0x79: {  	_ =	shalt  }
0x7a: {  	_ =	shalt  }
0x7b: {  	_ =	shalt  }
0x7c: {  	_ =	shalt  }
0x7d: {  	_ =	shalt  }
0x7e: {  	_ =	shalt  }
0x7f: {  	_ =	shalt  }
0x80: {  	_ =	shalt  }
0x81: {  	_ =	shalt  }
0x82: {  	_ =	shalt  }
0x83: {  	_ =	shalt  }
0x84: {  	_ =	shalt  }
0x85: {  	_ =	shalt  }
0x86: {  	_ =	shalt  }
0x87: {  	_ =	shalt  }
.Lfunc_end0:
.L_simem_size_0:
called_computation_lowered:
.L_overlay_start_0:
0x88: {  	s2 =	sld [smem:$0x3FD9]  }
0x89: {  	s3 =	sld [smem:$0x3FFE];
	_ =	sdelay $0x1  }
0x8a: {  	s1 =	srdreg.scid  }
0x8b: {  	s0 =	sand.u32 $0x1, s1  }
0x8c: {  	s17 =	sshll.u32 s0, $0xA;
	s2 =	sadd.s32 s3, s2  }
0x8d: {  	s2 =	sadd.s32 s2, s17  }
0x8e: {  	[smem:$0x3FC5] =	sst s2  }
0x8f: {  	_ = 	snop  }
0x90: {  	s2 =	sld [smem:$0x3FC8]  }
0x91: {  	s18 =	sld [smem:$0x3FD0];
	(tm) =	ssettm $0x1  }
0x92: {  	s4 =	sld [smem:$0x3FFB];
	_ =	sdelay $0x3  }
0x93: {  	_ =	strace s4  }
0x94: {  	s4 =	sld [smem:$0x3FFC];
	_ =	sdelay $0x3  }
0x95: {  	_ =	strace s4  }
0x96: {  	s4 =	sld [smem:$0x3FFD];
	_ =	sdelay $0x3  }
0x97: {  	_ =	strace s4  }
0x98: {  	_ =	strace $0x8FFFFFFF  }
0x99: {  	s19 =	sld [smem:$0x3FDB];
	_ =	sdelay $0x1  }
0x9a: {  	s5 =	simm.s32 $_scs_section_size  }
0x9b: {  	s6 =	simm.s32 $_size__tile_overlayer_lowered;
	s7 =	simm.s32 $_tile_overlayer_lowered  }
0x9c: {  	s22 =	simm.s32 $0x1BFF;
	s21 =	sshll.u32 s7, $0x1;
	s4 =	sadd.s32 s5, s19  }
0x9d: {  	s8 =	simm.s32 $0x0;
	s20 =	sshll.u32 s6, $0x1;
	s6 =	sadd.s32 s21, s4  }
0x9e: {  	[timem:s8], [sflag:s22] =	dma.local [hbm:s6], s20  }
0x9f: {  	_ =	swait.ge [sflag:s22], s20  }
0xa0: {  	s5 =	ssub.s32 $0x0, s20;
	[sflag:s22] =	ssyncset.done $0x0  }
0xa1: {  	[sflag:s22] =	ssyncadd.s32 s5;
	_ =	sdelay $0x1  }
0xa2: {  	s23 =	simm.s32 $0x1B8B  }
0xa3: {  	_ =	swait.ge [sflag:s23], $0x1  }
0xa4: {  	[sflag:s23] =	ssyncset.done $0x0  }
0xa5: {  	s25 =	simm.s32 $0x1B8E;
	s24 =	sld [smem:$0x3FFE];
	[sflag:s23] =	ssyncadd.s32 $0xFFFFFFFF  }
0xa6: {  	s26 =	simm.s32 $execute0_lowered;
	[smem:$0x3FD2] =	sst s25  }
0xa7: {  	s6 =	sshll.u32 s26, $0x1;
	_ =	strace $0x80000046;
	[dreg:$0x1] =	wrdreg $0xFFFFFFFF  }
0xa8: {  	s28 =	simm.s32 $_size_execute0_lowered;
	s4 =	sadd.s32 s4, s6;
	[dreg:$0x0] =	wrdreg $0x0  }
0xa9: {  	s6 =	sshll.u32 s28, $0x1;
	[dreg:$0x2] =	wrdreg s4  }
0xaa: {  	[dreg:$0x3] =	wrdreg s6  }
0xab: {  	[dreg:$0x4] =	wrdreg $0xC0  }
0xac: {  	_ =	task [dreg:s8], $0x5FFFF  }
0xad: {  	[dreg:$0x1] =	wrdreg $0xFFFFFFFF  }
0xae: {  	[dreg:$0x0] =	wrdreg $0x60  }
0xaf: {  	[dreg:$0x2] =	wrdreg s24  }
0xb0: {  	[dreg:$0x3] =	wrdreg s2  }
0xb1: {  	[dreg:$0x4] =	wrdreg s18  }
0xb2: {  	[dreg:$0x5] =	wrdreg $0x9  }
0xb3: {  	_ =	task.clear_ibuf [dreg:s8], $0x6FFFF;
	_ =	strace $0x90000046  }
0xb4: {  	s29 =	simm.s32 $0x9;
	_ =	strace $0x80000048  }
0xb5: {  	_ =	swait.ge [sflag:s29], $0x1  }
0xb6: {  	[sflag:s29] =	ssyncadd.s32 $0xFFFFFFFF  }
0xb7: {  	_ =	strace $0x90000048  }
0xb8: {  	_ =	sfence  }
0xb9: {  	s30 =	sld [smem:$0x0];
	_ =	sdelay $0x2  }
0xba: {  	s31 =	sshll.u32 s1, $0xD;
	s1 =	sshrl.u32 s1, $0x2  }
0xbb: {  	s3 =	sand.u32 $0x4000, s31;
	s1 =	sadd.s32 s1, s30  }
0xbc: {  	s0 =	sor.u32 s3, s0;
	s1 =	sshll.u32 s1, $0x11  }
0xbd: {  	s0 =	sor.u32 s1, s0  }
0xbe: {  	s0 =	sadd.s32 $0x8F2B, s0  }
0xbf: {  	[sflag:s0] =	ssyncadd.remote.s32 $0x1  }
0xc0: {  	_ =	sfence.sel $0xFFFF  }
0xc1: {  	[dreg:$0x0] =	wrdreg $0xFFFFFFFF;
	(pc) =	sbr.abs _section_cstart, $3  }
0xc2: {  	[dreg:$0x1] =	wrdreg $0xFFFFFFFF  }
0xc3: {  	_ =	task.clear_ibuf [dreg:s8], $0x2FFFF;
	_ =	strace $0x9FFFFFFF  }
0xc4: {  	(tm) =	ssettm $0x7FFFFFFF  }
0xc5: {  	_ =	shalt  }
tec
execute0_lowered:
.L_overlay_start_1:
0x0: {  	(tag) =	ssettag $0x1  }
0x1: {  	s1 =	rddreg [dreg:$0x0]  }
0x2: {  	s8 =	rddreg [dreg:$0x1];
	s0 =	srdreg.scid  }
0x3: {  	s3 =	stileid.u32;
	s2 =	rddreg [dreg:$0x2]  }
0x4: {  	s6 =	simm.s32 $0x0;
	s0 =	sand.u32 $0x1, s0;
	s4 =	sshll.u32 s3, $0x1  }
0x5: {  	[smem:$0x7FF] =	sst s6;
	s6 =	simm.s32 $0x33;
	s31 =	sadd.s32 $0x400, s1  }
0x6: {  	s17 =	sadd.s32 $0x2200, s1;
	s5 =	sor.u32 s0, s4;
	_ =	strace $0x80000047  }
0x7: {  	s23 =	ssub.s32 $0x2, s0;
	[dreg:$0x4] =	wrdreg s31;
	s4 =	sor.u32 $0x20, s5  }
0x8: {  	[dreg:$0x5] =	wrdreg s17;
	s10 =	sor.u32 $0x40, s5;
	s7 =	sand.u32 $0xFF, s4  }
0x9: {  	s13 =	sor.u32 $0x60, s5;
	s12 =	sand.u32 $0xFF, s10;
	s9 =	smul.u32 $0x87, s7  }
0xa: {  	s18 =	sadd.s32 $0xFFFFFFEB, s5;
	s14 =	sand.u32 $0xFF, s13;
	s12 =	smul.u32 $0x87, s12  }
0xb: {  	p0 =	slt.u32 s5, $0x11;
	s1 =	smin.u32 s5, s18;
	s14 =	smul.u32 $0x87, s14  }
0xc: {  	s6 =	simm.s32 @!p0 $0x32;
	p0 =	seq.s32 s1, $0x14;
	s1 =	smul.u32 $0x6, s1  }
0xd: {  	s24 =	sshrl.u32 s23, $0x1;
	s18 =	sadd.s32 $0x100, s5;
	s7 =	smul.u32 $0x30, s0  }
0xe: {  	[dreg:$0xd] =	wrdreg s18;
	s0 =	smul.u32 $0x6000, s0;
	s9 =	sshrl.u32 s9, $0x8  }
0xf: {  	s19 =	sshrl.u32 s12, $0x8;
	s14 =	sshrl.u32 s14, $0x8;
	s11 =	ssub.s32 s4, s9  }
0x10: {  	s1 =	simm.s32 @p0 $0x77;
	s12 =	ssub.s32 s10, s19;
	s11 =	sand.u32 $0xFE, s11  }
0x11: {  	s15 =	ssub.s32 s13, s14;
	s12 =	sand.u32 $0xFE, s12;
	s11 =	sshrl.u32 s11, $0x1  }
0x12: {  	s15 =	sand.u32 $0xFE, s15;
	s12 =	sshrl.u32 s12, $0x1;
	s9 =	sadd.s32 s9, s11  }
0x13: {  	s20 =	sshrl.u32 s15, $0x1;
	s11 =	sadd.s32 s19, s12;
	s9 =	sand.u32 $0xF0, s9  }
0x14: {  	s12 =	sadd.s32 s14, s20;
	s11 =	sand.u32 $0xF0, s11;
	s9 =	sshrl.u32 s9, $0x4  }
0x15: {  	s12 =	sand.u32 $0xF0, s12;
	s11 =	sshrl.u32 s11, $0x4;
	s16 =	smul.u32 $0x15, s9  }
0x16: {  	s1 =	sadd.s32 s31, s1;
	s12 =	sshrl.u32 s12, $0x4;
	s21 =	smul.u32 $0x15, s11  }
0x17: {  	[dreg:$0x6] =	wrdreg s1;
	s20 =	sadd.s32 $0xE0, s5;
	s22 =	smul.u32 $0x15, s12  }
0x18: {  	[dreg:$0xf] =	wrdreg s20;
	s30 =	sshll.u32 s11, $0xC;
	s11 =	smul.u32 $0x6000, s5  }
0x19: {  	s12 =	ssub.s32 s23, s24;
	s29 =	sshll.u32 s9, $0xC;
	s4 =	ssub.s32 s4, s16  }
0x1a: {  	s10 =	ssub.s32 s10, s21;
	s21 =	sadd.s32 $0xC0, s5;
	s23 =	sadd.s32 $0xC0000, s11  }
0x1b: {  	s24 =	sadd.s32 $0x240000, s11;
	s14 =	smul.u32 $0x6, s4;
	[dreg:$0x10] =	wrdreg s21  }
0x1c: {  	s4 =	sand.u32 $0xFF, s4;
	s15 =	sand.u32 $0xFF, s10;
	[dreg:$0x12] =	wrdreg s23  }
0x1d: {  	s10 =	smul.u32 $0x6, s10;
	[dreg:$0x14] =	wrdreg s24;
	p0 =	seq.s32 s4, $0x14  }
0x1e: {  	s4 =	ssub.s32 s13, s22;
	s22 =	sadd.s32 $0x180000, s11;
	s14 =	simm.s32 @p0 $0x77  }
0x1f: {  	p0 =	seq.s32 s15, $0x14;
	s13 =	sand.u32 $0xFF, s4;
	s4 =	smul.u32 $0x6, s4  }
0x20: {  	[dreg:$0x11] =	wrdreg s22;
	s10 =	simm.s32 @p0 $0x77;
	p0 =	seq.s32 s13, $0x14  }
0x21: {  	s25 =	sand.u32 $0xFF, s14;
	s13 =	sadd.s32 $0x100, s8;
	s14 =	smax.u32 s12, $0x1  }
0x22: {  	s4 =	simm.s32 @p0 $0x77;
	s1 =	sadd.s32 s25, s31;
	[dreg:$0xc] =	wrdreg s14  }
0x23: {  	s10 =	sand.u32 $0xFF, s10;
	s25 =	sadd.s32 $0x300000, s11;
	[dreg:$0x7] =	wrdreg s1  }
0x24: {  	s4 =	sand.u32 $0xFF, s4;
	s26 =	sadd.s32 s10, s31;
	[dreg:$0x15] =	wrdreg s25  }
0x25: {  	s1 =	sadd.s32 $0xFFFFF000, s29;
	s29 =	sadd.s32 $0x20, s5;
	[dreg:$0x8] =	wrdreg s26  }
0x26: {  	s28 =	sadd.s32 s4, s31;
	s4 =	sadd.s32 $0xFFFFF000, s30;
	[dreg:$0x18] =	wrdreg s29  }
0x27: {  	s31 =	smul.u32 $0x60, s3;
	s26 =	sadd.s32 $0x40, s5;
	[dreg:$0x9] =	wrdreg s28  }
0x28: {  	s1 =	sshrl.u32 s1, $0x3;
	s30 =	sadd.s32 $0x60, s5;
	[dreg:$0x16] =	wrdreg s26  }
0x29: {  	s4 =	sshrl.u32 s4, $0x3;
	s1 =	sadd.s32 s17, s1;
	[dreg:$0x19] =	wrdreg s30  }
0x2a: {  	s28 =	sadd.s32 $0xA0, s5;
	[dreg:$0xa] =	wrdreg s1;
	s8 =	sadd.s32 s17, s4  }
0x2b: {  	s16 =	sadd.s32 s7, s31;
	s17 =	smul.u32 $0xC000, s3;
	[dreg:$0x17] =	wrdreg s28  }
.Ltmp0:
0x2c: {  	s31 =	sadd.s32 $0x80, s5;
	[dreg:$0xb] =	wrdreg s8;
	(pc) =	sbr.rel .LBB2_1-.Ltmp0, $4  }
0x2d: {  	p0 =	slt.u32 s5, $0x15;
	[dreg:$0x1a] =	wrdreg s31;
	s0 =	sadd.s32 s0, s17  }
0x2e: {  	s19 =	sadd.s32 $0x3000, s16;
	[dreg:$0x13] =	wrdreg s0;
	s0 =	simm.s32 @!p0 $0x0  }
0x2f: {  	[dreg:$0xe] =	wrdreg s19;
	s0 =	simm.s32 @p0 $0x1  }
0x30: {  	s15 =	smov.u32 s2;
	s2 =	simm.s32 $0x0;
	vm0 =	vmmov @p0 $0xffff;
	[smem:$0x7FD] =	sst s0  }
.LBB2_13:
0x31: {  	s0 =	simm.s32 $0xB  }
0x32: {  	_ =	swait.ge [sflag:s0], $0x6000  }
0x33: {  	[sflag:s0] =	ssyncset.done $0x0  }
0x34: {  	s28 =	simm.s32 $0xC;
	[sflag:s0] =	ssyncadd.s32 $0xFFFFA000  }
0x35: {  	_ =	swait.ge [sflag:s28], $0x6000  }
0x36: {  	[sflag:s28] =	ssyncset.done $0x0  }
0x37: {  	s29 =	simm.s32 $0xD;
	[sflag:s28] =	ssyncadd.s32 $0xFFFFA000  }
0x38: {  	_ =	swait.ge [sflag:s29], $0x6000  }
0x39: {  	[sflag:s29] =	ssyncset.done $0x0  }
0x3a: {  	s30 =	simm.s32 $0xE;
	[sflag:s29] =	ssyncadd.s32 $0xFFFFA000  }
0x3b: {  	_ =	swait.ge [sflag:s30], $0x6000  }
0x3c: {  	[sflag:s30] =	ssyncset.done $0x0  }
0x3d: {  	s1 =	simm.s32 $0xF;
	[sflag:s30] =	ssyncadd.s32 $0xFFFFA000  }
0x3e: {  	_ =	swait.ge [sflag:s1], $0x6000  }
0x3f: {  	s2 =	rddreg [dreg:$0x1b]  }
0x40: {  	s31 =	rddreg [dreg:$0xc];
	s2 =	sadd.s32 $0x1, s2  }
0x41: {  	p0 =	sne.s32 s2, s31  }
.Ltmp1:
0x42: {  	_ = 	snop;
	(pc) =	sbr.rel @!p0 .LBB2_14-.Ltmp1, $3  }
0x43: {  	_ =	sdelay $0x1  }
0x44: {  	[sflag:s1] =	ssyncset.done $0x0  }
0x45: {  	[sflag:s1] =	ssyncadd.s32 $0xFFFFA000  }
.LBB2_1:
0x46: {  	[dreg:$0x1b] =	wrdreg s2  }
0x47: {  	s3 =	simm.s32 $0x0;
	s0 =	rddreg [dreg:$0x6];
	s1 =	simm.s32 $0x1E000  }
0x48: {  	[tilespmem:s1], [sflag:$0x1] =	stream.linear.gather [hbm4b:s0+s3], $0x30, $0x38;
	[tilespmem:$0x1E280] =	vst v63  }
0x49: {  	s11 =	rddreg [dreg:$0x7];
	s12 =	simm.s32 $0x1E080  }
0x4a: {  	[tilespmem:s12], [sflag:$0x2] =	stream.linear.gather [hbm4b:s11+s3], $0x30, $0x38;
	[tilespmem:$0x1E280] =	vst v63  }
0x4b: {  	s14 =	rddreg [dreg:$0x8];
	s16 =	simm.s32 $0x1E100  }
0x4c: {  	[tilespmem:s16], [sflag:$0x3] =	stream.linear.gather [hbm4b:s14+s3], $0x30, $0x38;
	[tilespmem:$0x1E280] =	vst v63  }
0x4d: {  	s17 =	rddreg [dreg:$0x9];
	s18 =	simm.s32 $0x1E180;
	s19 =	simm.s32 $0x1  }
0x4e: {  	[tilespmem:s18], [sflag:$0x4] =	stream.linear.gather [hbm4b:s17+s3], $0x30, $0x38;
	[tilespmem:$0x1E280] =	vst v63  }
0x4f: {  	_ =	swait.ge [sflag:s19], $0x30  }
0x50: {  	s20 =	sld [smem:$0x7FD];
	_ =	sdelay $0x1  }
0x51: {  	[sflag:s19] =	ssyncset.done $0x0  }
0x52: {  	[sflag:s19] =	ssyncadd.s32 $0xFFFFFFD0;
	p0 =	seq.s32 s20, $0x1  }
0x53: {  	v0 =	vld @p0 [tilespmem:$0x1E000];
	_ =	sdelay $0x4  }
0x54: {  	v1 =	vshll.u32 @p0 v0, $0x2  }
0x55: {  	v2 =	vlaneseq.u32 @p0;
	v0 =	vand.u32 @p0 $0x7, v0;
	v1 =	vand.u32 @p0 $0xFFFFFFE0, v1  }
0x56: {  	v3 =	vshrl.u32 @p0 v2, $0x3;
	v0 =	vor.u32 @p0 v0, v1;
	v1 =	vand.u32 @p0 $0x7, v2  }
0x57: {  	v3 =	vmul.u32 @p0 $0x8, v3;
	v4 =	vperm.xlane @p0 v0, v1;
	_ =	sdelay $0x1  }
0x58: {  	v4 =	vadd.s32 @p0 v3, v4  }
0x59: {  	v2 =	vor.u32 @p0 $0x8, v2  }
0x5a: {  	v0 =	vperm.xlane @p0 v0, v2;
	_ =	sdelay $0x1  }
0x5b: {  	s2 =	rddreg [dreg:$0x1];
	s0 =	simm.s32 @p0 $0x0;
	v0 =	vadd.s32 @p0 v3, v0  }
0x5c: {  	[tilespmem:s0], [sflag:$0x6] =	stream.indirect_vreg.gather @p0 [hbm4b:s2+s0], $0x80, v4, vm0, $0xb8;
	[tilespmem:$0x1E280] =	vst v63  }
0x5d: {  	s1 =	simm.s32 @p0 $0x800  }
0x5e: {  	[tilespmem:s1], [sflag:$0x6] =	stream.indirect_vreg.gather @p0 [hbm4b:s13+s0], $0x80, v4, vm0, $0xb8;
	[tilespmem:$0x1E280] =	vst v63  }
0x5f: {  	s1 =	simm.s32 @p0 $0x1000  }
0x60: {  	[tilespmem:s1], [sflag:$0x6] =	stream.indirect_vreg.gather @p0 [hbm4b:s2+s0], $0x80, v0, vm0, $0xb8;
	[tilespmem:$0x1E280] =	vst v63  }
0x61: {  	s1 =	simm.s32 @p0 $0x1800  }
0x62: {  	[tilespmem:s1], [sflag:$0x6] =	stream.indirect_vreg.gather @p0 [hbm4b:s13+s0], $0x80, v0, vm0, $0xb8;
	[tilespmem:$0x1E280] =	vst v63  }
0x63: {  	v0 =	vld @p0 [tilespmem:$0x1E010];
	_ =	sdelay $0x4  }
0x64: {  	v4 =	vshll.u32 @p0 v0, $0x2  }
0x65: {  	v0 =	vand.u32 @p0 $0x7, v0;
	v4 =	vand.u32 @p0 $0xFFFFFFE0, v4  }
0x66: {  	v0 =	vor.u32 @p0 v0, v4  }
0x67: {  	v4 =	vperm.xlane @p0 v0, v1;
	_ =	sdelay $0x1  }
0x68: {  	v4 =	vadd.s32 @p0 v3, v4;
	_ =	sdelay $0x1  }
0x69: {  	v0 =	vperm.xlane @p0 v0, v2;
	_ =	sdelay $0x1  }
0x6a: {  	s1 =	simm.s32 @p0 $0x2000;
	v0 =	vadd.s32 @p0 v3, v0  }
0x6b: {  	[tilespmem:s1], [sflag:$0x6] =	stream.indirect_vreg.gather @p0 [hbm4b:s2+s0], $0x80, v4, vm0, $0xb8;
	[tilespmem:$0x1E280] =	vst v63  }
0x6c: {  	s1 =	simm.s32 @p0 $0x2800  }
0x6d: {  	[tilespmem:s1], [sflag:$0x6] =	stream.indirect_vreg.gather @p0 [hbm4b:s13+s0], $0x80, v4, vm0, $0xb8;
	[tilespmem:$0x1E280] =	vst v63  }
0x6e: {  	s1 =	simm.s32 @p0 $0x3000  }
0x6f: {  	[tilespmem:s1], [sflag:$0x6] =	stream.indirect_vreg.gather @p0 [hbm4b:s2+s0], $0x80, v0, vm0, $0xb8;
	[tilespmem:$0x1E280] =	vst v63  }
0x70: {  	s1 =	simm.s32 @p0 $0x3800  }
0x71: {  	[tilespmem:s1], [sflag:$0x6] =	stream.indirect_vreg.gather @p0 [hbm4b:s13+s0], $0x80, v0, vm0, $0xb8;
	[tilespmem:$0x1E280] =	vst v63  }
0x72: {  	v0 =	vld @p0 [tilespmem:$0x1E020];
	_ =	sdelay $0x4  }
0x73: {  	v4 =	vshll.u32 @p0 v0, $0x2  }
0x74: {  	v0 =	vand.u32 @p0 $0x7, v0;
	v4 =	vand.u32 @p0 $0xFFFFFFE0, v4  }
0x75: {  	v0 =	vor.u32 @p0 v0, v4  }
0x76: {  	v1 =	vperm.xlane @p0 v0, v1;
	_ =	sdelay $0x1  }
0x77: {  	v1 =	vadd.s32 @p0 v3, v1;
	_ =	sdelay $0x1  }
0x78: {  	v0 =	vperm.xlane @p0 v0, v2;
	_ =	sdelay $0x1  }
0x79: {  	s1 =	simm.s32 @p0 $0x4000;
	v0 =	vadd.s32 @p0 v3, v0  }
0x7a: {  	[tilespmem:s1], [sflag:$0x6] =	stream.indirect_vreg.gather @p0 [hbm4b:s2+s0], $0x80, v1, vm0, $0xb8;
	[tilespmem:$0x1E280] =	vst v63  }
0x7b: {  	s1 =	simm.s32 @p0 $0x4800  }
0x7c: {  	[tilespmem:s1], [sflag:$0x6] =	stream.indirect_vreg.gather @p0 [hbm4b:s13+s0], $0x80, v1, vm0, $0xb8;
	[tilespmem:$0x1E280] =	vst v63  }
0x7d: {  	s1 =	simm.s32 @p0 $0x5000  }
0x7e: {  	[tilespmem:s1], [sflag:$0x6] =	stream.indirect_vreg.gather @p0 [hbm4b:s2+s0], $0x80, v0, vm0, $0xb8;
	[tilespmem:$0x1E280] =	vst v63  }
0x7f: {  	s1 =	simm.s32 @p0 $0x5800  }
0x80: {  	[tilespmem:s1], [sflag:$0x6] =	stream.indirect_vreg.gather @p0 [hbm4b:s13+s0], $0x80, v0, vm0, $0xb8;
	[tilespmem:$0x1E280] =	vst v63  }
0x81: {  	s21 =	simm.s32 $0x2;
	s0 =	simm.s32 @!p0 $0x0;
	s1 =	rddreg [dreg:$0x5]  }
0x82: {  	[tilespmem:s0], [sflag:$0x6] =	stream.linear.gather @!p0 [hbm4b:s1+s0], $0x1000, $0x38;
	[tilespmem:$0x1E280] =	vst v63  }
0x83: {  	_ =	swait.ge [sflag:s21], $0x30  }
0x84: {  	s23 =	simm.s32 $0x6000;
	[sflag:s21] =	ssyncset.done $0x0  }
0x85: {  	s24 =	simm.s32 $0x3;
	s22 =	rddreg [dreg:$0xa];
	[sflag:s21] =	ssyncadd.s32 $0xFFFFFFD0  }
0x86: {  	[tilespmem:s23], [sflag:$0x7] =	stream.linear.gather [hbm4b:s22+s3], $0x1000, $0x38;
	[tilespmem:$0x1E280] =	vst v63  }
0x87: {  	_ =	swait.ge [sflag:s24], $0x30  }
0x88: {  	s25 =	rddreg [dreg:$0xb]  }
0x89: {  	s23 =	rddreg [dreg:$0x13]  }
0x8a: {  	s31 =	rddreg [dreg:$0x1a]  }
0x8b: {  	s30 =	rddreg [dreg:$0x19]  }
0x8c: {  	s21 =	rddreg [dreg:$0x14]  }
0x8d: {  	s29 =	rddreg [dreg:$0x18]  }
0x8e: {  	s28 =	rddreg [dreg:$0x12]  }
0x8f: {  	s22 =	rddreg [dreg:$0x11]  }
0x90: {  	s16 =	rddreg [dreg:$0x10]  }
0x91: {  	s17 =	rddreg [dreg:$0xf]  }
0x92: {  	s4 =	rddreg [dreg:$0xe]  }
.Ltmp2:
0x93: {  	[sflag:s24] =	ssyncset.done $0x0;
	s18 =	rddreg [dreg:$0xd];
	(pc) =	sbr.rel .LBB2_2-.Ltmp2, $4  }
0x94: {  	s26 =	simm.s32 $0xC000;
	[sflag:s24] =	ssyncadd.s32 $0xFFFFFFD0;
	s24 =	rddreg [dreg:$0x16]  }
0x95: {  	[tilespmem:s26], [sflag:$0x8] =	stream.linear.gather [hbm4b:s25+s3], $0x1000, $0x38;
	[tilespmem:$0x1E280] =	vst v63  }
0x96: {  	s10 =	simm.s32 $0x0;
	s25 =	rddreg [dreg:$0x15]  }
0x97: {  	s19 =	simm.s32 $0x8;
	s20 =	smov.u32 s5;
	s26 =	rddreg [dreg:$0x17]  }
.LBB2_12:
0x98: {  	s10 =	sadd.s32 $0xA0, s10  }
0x99: {  	s18 =	sadd.s32 $0xA0, s18;
	s4 =	sadd.s32 $0x1E00, s4;
	p0 =	sne.s32 s10, $0x6E0  }
.Ltmp3:
0x9a: {  	s19 =	sadd.s32 $0x5, s19;
	s17 =	sadd.s32 $0xA0, s17;
	(pc) =	sbr.rel @!p0 .LBB2_13-.Ltmp3, $4  }
0x9b: {  	s16 =	sadd.s32 $0xA0, s16;
	s22 =	sadd.s32 $0x3C0000, s22;
	s24 =	sadd.s32 $0xA0, s24  }
0x9c: {  	s26 =	sadd.s32 $0xA0, s26;
	s28 =	sadd.s32 $0x3C0000, s28;
	s29 =	sadd.s32 $0xA0, s29  }
0x9d: {  	s21 =	sadd.s32 $0x3C0000, s21;
	s30 =	sadd.s32 $0xA0, s30;
	s25 =	sadd.s32 $0x3C0000, s25  }
0x9e: {  	s31 =	sadd.s32 $0xA0, s31;
	s23 =	sadd.s32 $0x3C0000, s23;
	s20 =	sadd.s32 $0xA0, s20  }
.LBB2_2:
0x9f: {  	s0 =	smulhi.u32 $0x86186187, s20;
	s1 =	sadd.s32 $0xFFFFFFF8, s19  }
0xa0: {  	p1 =	sge.u32 s1, s6  }
0xa1: {  	s2 =	ssub.s32 s20, s0;
	s9 =	sadd.s32 @!p1 s10, s5  }
0xa2: {  	s1 =	sshrl.u32 s2, $0x1;
	s11 =	smulhi.u32 @!p1 $0x86186187, s9  }
0xa3: {  	s0 =	sadd.s32 s0, s1  }
0xa4: {  	s0 =	sshrl.u32 s0, $0x4;
	s1 =	ssub.s32 @!p1 s9, s11  }
0xa5: {  	s12 =	smul.u32 $0x15, s0;
	s1 =	sshrl.u32 @!p1 s1, $0x1  }
0xa6: {  	s1 =	sadd.s32 @!p1 s11, s1  }
0xa7: {  	s0 =	smul.u32 $0x7E000, s0;
	s11 =	ssub.s32 $0xFFFFFFEC, s12;
	s1 =	sshrl.u32 @!p1 s1, $0x4  }
0xa8: {  	s9 =	sadd.s32 @!p1 s11, s9;
	s11 =	sadd.s32 @!p1 $0xFFFFFFEF, s1  }
0xa9: {  	s0 =	ssub.s32 s23, s0;
	p2 =	slt.u32 @!p1 s11, $0xFFFFFFF0;
	p3 =	seq.s32 @!p1 s9, $0x0  }
0xaa: {  	s1 =	smul.u32 @!p1 $0x7D000, s1;
	p3 =	por !p3, p1;
	p4 =	por !p2, p1  }
0xab: {  	s0 =	simm.s32 @!p3 $0x77000;
	s9 =	simm.s32 @!p4 $0x6  }
0xac: {  	s0 =	sadd.s32 @!p1 s1, s0;
	_ =	swait.ge @!p4 [sflag:s9], $0x6000  }
0xad: {  	p2 =	por p2, p1;
	s1 =	sshrl.u32 @!p1 s0, $0x3;
	[sflag:s9] =	ssyncset.done @!p4 $0x0  }
0xae: {  	s1 =	sadd.s32 @!p1 s15, s1;
	[sflag:s9] =	ssyncadd.s32 @!p4 $0xFFFFA000;
	s9 =	simm.s32 @!p4 $0x0  }
0xaf: {  	[hbm4b:s1+s9] =	stream.linear.scatter @!p4 [tilespmem:s9], [sflag:$0xB], $0x6000, $0x38;
	[tilespmem:$0x1E280] =	vst v63  }
0xb0: {  	s9 =	simm.s32 @!p2 $0x6  }
0xb1: {  	_ =	swait.ge @!p2 [sflag:s9], $0x1000  }
0xb2: {  	[sflag:s9] =	ssyncset.done @!p2 $0x0  }
0xb3: {  	s0 =	sshrl.u32 @!p2 s0, $0x3;
	[sflag:s9] =	ssyncadd.s32 @!p2 $0xFFFFF000;
	s9 =	simm.s32 @!p2 $0x0  }
0xb4: {  	[hbm4b:s1+s9] =	stream.linear.scatter @!p2 [tilespmem:s9], [sflag:$0xB], $0x1000, $0x38;
	[tilespmem:$0x1E280] =	vst v63  }
0xb5: {  	s1 =	sadd.s32 @!p2 s15, s0  }
0xb6: {  	s0 =	sadd.s32 @!p2 $0x200, s1  }
0xb7: {  	[hbm4b:s0+s9] =	stream.linear.scatter @!p2 [tilespmem:s9], [sflag:$0xB], $0x1000, $0x38;
	[tilespmem:$0x1E280] =	vst v63  }
0xb8: {  	s0 =	sadd.s32 @!p2 $0x400, s1  }
0xb9: {  	[hbm4b:s0+s9] =	stream.linear.scatter @!p2 [tilespmem:s9], [sflag:$0xB], $0x1000, $0x38;
	[tilespmem:$0x1E280] =	vst v63  }
0xba: {  	s0 =	sadd.s32 @!p2 $0x600, s1  }
0xbb: {  	[hbm4b:s0+s9] =	stream.linear.scatter @!p2 [tilespmem:s9], [sflag:$0xB], $0x1000, $0x38;
	[tilespmem:$0x1E280] =	vst v63  }
0xbc: {  	s3 =	smulhi.u32 $0x86186187, s31;
	s0 =	sadd.s32 @!p2 $0x800, s1  }
0xbd: {  	[hbm4b:s0+s9] =	stream.linear.scatter @!p2 [tilespmem:s9], [sflag:$0xB], $0x1000, $0x38;
	[tilespmem:$0x1E280] =	vst v63  }
0xbe: {  	s0 =	sadd.s32 $0xFFFFFFFC, s19  }
0xbf: {  	s7 =	ssub.s32 s31, s3;
	p1 =	sge.u32 s0, s6  }
0xc0: {  	s12 =	sshrl.u32 s7, $0x1;
	s14 =	sadd.s32 @!p1 s10, s5  }
0xc1: {  	s2 =	smov.u32 s15;
	s11 =	sadd.s32 s3, s12;
	s12 =	sadd.s32 @!p1 $0x80, s14  }
0xc2: {  	s11 =	sshrl.u32 s11, $0x4;
	s1 =	sadd.s32 @!p2 $0xA00, s1;
	s15 =	smulhi.u32 @!p1 $0x86186187, s12  }
0xc3: {  	[hbm4b:s1+s9] =	stream.linear.scatter @!p2 [tilespmem:s9], [sflag:$0xB], $0x1000, $0x38;
	[tilespmem:$0x1E280] =	vst v63  }
0xc4: {  	s8 =	smul.u32 $0x15, s11;
	s9 =	ssub.s32 @!p1 s12, s15  }
0xc5: {  	s9 =	sshrl.u32 @!p1 s9, $0x1  }
0xc6: {  	s12 =	ssub.s32 $0x6C, s8;
	s8 =	smul.u32 $0xFFFFFC10, s11;
	s1 =	sadd.s32 @!p1 s15, s9  }
0xc7: {  	s9 =	sadd.s32 @!p1 s12, s14;
	s1 =	sshrl.u32 @!p1 s1, $0x4  }
0xc8: {  	s8 =	sadd.s32 @!p1 s8, s4;
	p2 =	seq.s32 @!p1 s9, $0x0;
	s12 =	smax.u32 @!p1 s1, $0x10  }
0xc9: {  	s8 =	sadd.s32 @!p1 $0xFFFFE800, s8;
	p2 =	por !p2, p1;
	s9 =	smul.u32 @!p1 $0x3E8, s12  }
0xca: {  	s8 =	simm.s32 @!p2 $0x3B8  }
0xcb: {  	s8 =	sadd.s32 @!p1 s8, s9  }
0xcc: {  	s8 =	sadd.s32 @!p1 $0xFFFFC180, s8  }
0xcd: {  	s3 =	rddreg [dreg:$0x4];
	s8 =	sshrl.u32 @!p1 s8, $0x3  }
0xce: {  	s12 =	simm.s32 @!p1 $0x1E200;
	s9 =	simm.s32 @!p1 $0x0;
	s8 =	sadd.s32 @!p1 s3, s8  }
0xcf: {  	[tilespmem:s12], [sflag:$0x5] =	stream.linear.gather @!p1 [hbm4b:s8+s9], $0x30, $0x38;
	[tilespmem:$0x1E280] =	vst v63  }
0xd0: {  	s9 =	sadd.s32 $0xFFFFFFFB, s19  }
0xd1: {  	p3 =	sge.u32 s9, s6  }
.Ltmp4:
0xd2: {  	_ = 	snop;
	(pc) =	sbr.rel @p3 .LBB2_4-.Ltmp4, $2  }
0xd3: {  	_ =	sdelay $0x2  }
0xd4: {  	p5 =	seq.s32 s10, $0x0  }
0xd5: {  	s3 =	simm.s32 $0x4  }
0xd6: {  	_ =	swait.ge [sflag:s3], $0x30  }
0xd7: {  	[sflag:s3] =	ssyncset.done $0x0  }
0xd8: {  	s8 =	simm.s32 @!p5 $0xE;
	[sflag:s3] =	ssyncadd.s32 $0xFFFFFFD0  }
0xd9: {  	_ =	swait.ge @!p5 [sflag:s8], $0x6000  }
0xda: {  	(drf) =	srem.u32 s9, s6;
	_ =	sdelay $0x8  }
0xdb: {  	s9 =	spop (drf)  }
0xdc: {  	s9 =	sshll.u32 s9, $0x5  }
0xdd: {  	s9 =	sor.u32 s5, s9  }
0xde: {  	s12 =	smulhi.u32 $0x86186187, s9;
	_ =	sdelay $0x1  }
0xdf: {  	s9 =	ssub.s32 s9, s12  }
0xe0: {  	s9 =	sshrl.u32 s9, $0x1  }
0xe1: {  	s9 =	sadd.s32 s12, s9  }
0xe2: {  	s9 =	sshrl.u32 s9, $0x4  }
0xe3: {  	[sflag:s8] =	ssyncset.done @!p5 $0x0;
	s15 =	sadd.s32 $0xFFFFFFEF, s9  }
0xe4: {  	[sflag:s8] =	ssyncadd.s32 @!p5 $0xFFFFA000;
	p4 =	slt.u32 s15, $0xFFFFFFF0  }
0xe5: {  	v0 =	vld @p4 [tilespmem:$0x1E180];
	_ =	sdelay $0x4  }
0xe6: {  	v1 =	vshll.u32 @p4 v0, $0x2  }
0xe7: {  	v2 =	vlaneseq.u32 @p4;
	v0 =	vand.u32 @p4 $0x7, v0;
	v1 =	vand.u32 @p4 $0xFFFFFFE0, v1  }
0xe8: {  	v3 =	vshrl.u32 @p4 v2, $0x3;
	v0 =	vor.u32 @p4 v0, v1;
	v1 =	vand.u32 @p4 $0x7, v2  }
0xe9: {  	v3 =	vmul.u32 @p4 $0x8, v3;
	v4 =	vperm.xlane @p4 v0, v1;
	_ =	sdelay $0x1  }
0xea: {  	v4 =	vadd.s32 @p4 v3, v4  }
0xeb: {  	v2 =	vor.u32 @p4 $0x8, v2  }
0xec: {  	v0 =	vperm.xlane @p4 v0, v2;
	_ =	sdelay $0x1  }
0xed: {  	s3 =	rddreg [dreg:$0x1];
	vm1 =	vmmov @p4 $0xffff;
	s8 =	simm.s32 @p4 $0x0;
	s12 =	simm.s32 @p4 $0x12000;
	v0 =	vadd.s32 @p4 v3, v0  }
0xee: {  	[tilespmem:s12], [sflag:$0x9] =	stream.indirect_vreg.gather @p4 [hbm4b:s3+s8], $0x80, v4, vm1, $0xb8;
	[tilespmem:$0x1E280] =	vst v63  }
0xef: {  	s12 =	simm.s32 @p4 $0x12800  }
0xf0: {  	[tilespmem:s12], [sflag:$0x9] =	stream.indirect_vreg.gather @p4 [hbm4b:s13+s8], $0x80, v4, vm1, $0xb8;
	[tilespmem:$0x1E280] =	vst v63  }
0xf1: {  	s12 =	simm.s32 @p4 $0x13000  }
0xf2: {  	[tilespmem:s12], [sflag:$0x9] =	stream.indirect_vreg.gather @p4 [hbm4b:s3+s8], $0x80, v0, vm1, $0xb8;
	[tilespmem:$0x1E280] =	vst v63  }
0xf3: {  	s12 =	simm.s32 @p4 $0x13800  }
0xf4: {  	[tilespmem:s12], [sflag:$0x9] =	stream.indirect_vreg.gather @p4 [hbm4b:s13+s8], $0x80, v0, vm1, $0xb8;
	[tilespmem:$0x1E280] =	vst v63  }
0xf5: {  	v0 =	vld @p4 [tilespmem:$0x1E190];
	_ =	sdelay $0x4  }
0xf6: {  	v4 =	vshll.u32 @p4 v0, $0x2  }
0xf7: {  	v0 =	vand.u32 @p4 $0x7, v0;
	v4 =	vand.u32 @p4 $0xFFFFFFE0, v4  }
0xf8: {  	v0 =	vor.u32 @p4 v0, v4  }
0xf9: {  	v4 =	vperm.xlane @p4 v0, v1;
	_ =	sdelay $0x1  }
0xfa: {  	v4 =	vadd.s32 @p4 v3, v4;
	_ =	sdelay $0x1  }
0xfb: {  	v0 =	vperm.xlane @p4 v0, v2;
	_ =	sdelay $0x1  }
0xfc: {  	s12 =	simm.s32 @p4 $0x14000;
	v0 =	vadd.s32 @p4 v3, v0  }
0xfd: {  	[tilespmem:s12], [sflag:$0x9] =	stream.indirect_vreg.gather @p4 [hbm4b:s3+s8], $0x80, v4, vm1, $0xb8;
	[tilespmem:$0x1E280] =	vst v63  }
0xfe: {  	s12 =	simm.s32 @p4 $0x14800  }
0xff: {  	[tilespmem:s12], [sflag:$0x9] =	stream.indirect_vreg.gather @p4 [hbm4b:s13+s8], $0x80, v4, vm1, $0xb8;
	[tilespmem:$0x1E280] =	vst v63  }
0x100: {  	s12 =	simm.s32 @p4 $0x15000  }
0x101: {  	[tilespmem:s12], [sflag:$0x9] =	stream.indirect_vreg.gather @p4 [hbm4b:s3+s8], $0x80, v0, vm1, $0xb8;
	[tilespmem:$0x1E280] =	vst v63  }
0x102: {  	s12 =	simm.s32 @p4 $0x15800  }
0x103: {  	[tilespmem:s12], [sflag:$0x9] =	stream.indirect_vreg.gather @p4 [hbm4b:s13+s8], $0x80, v0, vm1, $0xb8;
	[tilespmem:$0x1E280] =	vst v63  }
0x104: {  	v0 =	vld @p4 [tilespmem:$0x1E1A0];
	_ =	sdelay $0x4  }
0x105: {  	v4 =	vshll.u32 @p4 v0, $0x2  }
0x106: {  	v0 =	vand.u32 @p4 $0x7, v0;
	v4 =	vand.u32 @p4 $0xFFFFFFE0, v4  }
0x107: {  	v0 =	vor.u32 @p4 v0, v4  }
0x108: {  	v1 =	vperm.xlane @p4 v0, v1;
	_ =	sdelay $0x1  }
0x109: {  	v1 =	vadd.s32 @p4 v3, v1;
	_ =	sdelay $0x1  }
0x10a: {  	v0 =	vperm.xlane @p4 v0, v2;
	_ =	sdelay $0x1  }
0x10b: {  	s12 =	simm.s32 @p4 $0x16000;
	v0 =	vadd.s32 @p4 v3, v0  }
0x10c: {  	[tilespmem:s12], [sflag:$0x9] =	stream.indirect_vreg.gather @p4 [hbm4b:s3+s8], $0x80, v1, vm1, $0xb8;
	[tilespmem:$0x1E280] =	vst v63  }
0x10d: {  	s12 =	simm.s32 @p4 $0x16800  }
0x10e: {  	[tilespmem:s12], [sflag:$0x9] =	stream.indirect_vreg.gather @p4 [hbm4b:s13+s8], $0x80, v1, vm1, $0xb8;
	[tilespmem:$0x1E280] =	vst v63  }
0x10f: {  	s12 =	simm.s32 @p4 $0x17000  }
0x110: {  	[tilespmem:s12], [sflag:$0x9] =	stream.indirect_vreg.gather @p4 [hbm4b:s3+s8], $0x80, v0, vm1, $0xb8;
	[tilespmem:$0x1E280] =	vst v63  }
0x111: {  	s12 =	simm.s32 @p4 $0x17800  }
0x112: {  	[tilespmem:s12], [sflag:$0x9] =	stream.indirect_vreg.gather @p4 [hbm4b:s13+s8], $0x80, v0, vm1, $0xb8;
	[tilespmem:$0x1E280] =	vst v63  }
0x113: {  	s8 =	sshll.u32 @!p4 s9, $0xC  }
0x114: {  	s8 =	sadd.s32 @!p4 $0xFFFFF000, s8  }
0x115: {  	s3 =	rddreg [dreg:$0x5];
	s8 =	sshrl.u32 @!p4 s8, $0x3  }
0x116: {  	s9 =	simm.s32 @!p4 $0x0;
	s12 =	simm.s32 @!p4 $0x12000;
	s8 =	sadd.s32 @!p4 s3, s8  }
0x117: {  	[tilespmem:s12], [sflag:$0x9] =	stream.linear.gather @!p4 [hbm4b:s8+s9], $0x1000, $0x38;
	[tilespmem:$0x1E280] =	vst v63  }
.LBB2_4:
0x118: {  	s8 =	smulhi.u32 $0x86186187, s29;
	s9 =	sadd.s32 $0xFFFFFFF9, s19  }
0x119: {  	p4 =	sge.u32 s9, s6  }
0x11a: {  	s3 =	ssub.s32 s29, s8;
	s12 =	sadd.s32 @!p4 s10, s5  }
0x11b: {  	s9 =	sshrl.u32 s3, $0x1;
	s14 =	sadd.s32 @!p4 $0x20, s12  }
0x11c: {  	s8 =	sadd.s32 s8, s9;
	s9 =	smulhi.u32 @!p4 $0x86186187, s14  }
0x11d: {  	s8 =	sshrl.u32 s8, $0x4  }
0x11e: {  	s15 =	smul.u32 $0x15, s8;
	s14 =	ssub.s32 @!p4 s14, s9  }
0x11f: {  	s14 =	sshrl.u32 @!p4 s14, $0x1  }
0x120: {  	s8 =	smul.u32 $0x7E000, s8;
	s15 =	ssub.s32 $0xC, s15;
	s9 =	sadd.s32 @!p4 s9, s14  }
0x121: {  	s9 =	sshrl.u32 @!p4 s9, $0x4;
	s12 =	sadd.s32 @!p4 s15, s12  }
0x122: {  	s8 =	ssub.s32 s28, s8;
	s14 =	sadd.s32 @!p4 $0xFFFFFFEF, s9;
	p0 =	seq.s32 @!p4 s12, $0x0  }
0x123: {  	s9 =	smul.u32 @!p4 $0x7D000, s9;
	p6 =	slt.u32 @!p4 s14, $0xFFFFFFF0;
	p0 =	por !p0, p4  }
0x124: {  	s8 =	simm.s32 @!p0 $0x77000;
	p0 =	por !p6, p4  }
0x125: {  	s8 =	sadd.s32 @!p4 s9, s8;
	s9 =	simm.s32 @!p0 $0x7  }
0x126: {  	p6 =	por p6, p4;
	_ =	swait.ge @!p0 [sflag:s9], $0x6000  }
0x127: {  	s14 =	simm.s32 @!p0 $0x6000;
	s12 =	sshrl.u32 @!p4 s8, $0x3;
	[sflag:s9] =	ssyncset.done @!p0 $0x0  }
0x128: {  	s12 =	sadd.s32 @!p4 s2, s12;
	[sflag:s9] =	ssyncadd.s32 @!p0 $0xFFFFA000;
	s9 =	simm.s32 @!p0 $0x0  }
0x129: {  	[hbm4b:s12+s9] =	stream.linear.scatter @!p0 [tilespmem:s14], [sflag:$0xC], $0x6000, $0x38;
	[tilespmem:$0x1E280] =	vst v63  }
0x12a: {  	s9 =	simm.s32 @!p6 $0x7  }
0x12b: {  	s8 =	sshrl.u32 @!p6 s8, $0x3;
	_ =	swait.ge @!p6 [sflag:s9], $0x1000  }
0x12c: {  	s8 =	sadd.s32 @!p6 s2, s8;
	[sflag:s9] =	ssyncset.done @!p6 $0x0  }
0x12d: {  	s14 =	simm.s32 @!p6 $0x6000;
	[sflag:s9] =	ssyncadd.s32 @!p6 $0xFFFFF000;
	s9 =	simm.s32 @!p6 $0x0  }
0x12e: {  	[hbm4b:s12+s9] =	stream.linear.scatter @!p6 [tilespmem:s14], [sflag:$0xC], $0x1000, $0x38;
	[tilespmem:$0x1E280] =	vst v63  }
0x12f: {  	s12 =	sadd.s32 @!p6 $0x200, s8  }
0x130: {  	[hbm4b:s12+s9] =	stream.linear.scatter @!p6 [tilespmem:s14], [sflag:$0xC], $0x1000, $0x38;
	[tilespmem:$0x1E280] =	vst v63  }
0x131: {  	s12 =	sadd.s32 @!p6 $0x400, s8  }
0x132: {  	[hbm4b:s12+s9] =	stream.linear.scatter @!p6 [tilespmem:s14], [sflag:$0xC], $0x1000, $0x38;
	[tilespmem:$0x1E280] =	vst v63  }
0x133: {  	s12 =	sadd.s32 @!p6 $0x600, s8  }
0x134: {  	[hbm4b:s12+s9] =	stream.linear.scatter @!p6 [tilespmem:s14], [sflag:$0xC], $0x1000, $0x38;
	[tilespmem:$0x1E280] =	vst v63  }
0x135: {  	s7 =	sadd.s32 $0xFFFFFFFD, s19;
	s15 =	sadd.s32 @!p6 $0x800, s8;
	s12 =	smulhi.u32 $0x86186187, s26  }
0x136: {  	[hbm4b:s15+s9] =	stream.linear.scatter @!p6 [tilespmem:s14], [sflag:$0xC], $0x1000, $0x38;
	[tilespmem:$0x1E280] =	vst v63  }
0x137: {  	p4 =	sge.u32 s7, s6;
	s3 =	ssub.s32 s26, s12  }
0x138: {  	s15 =	sadd.s32 @!p4 s10, s5;
	s3 =	sshrl.u32 s3, $0x1  }
0x139: {  	s8 =	sadd.s32 @!p6 $0xA00, s8;
	s3 =	sadd.s32 s12, s3;
	s12 =	sadd.s32 @!p4 $0xA0, s15  }
0x13a: {  	[hbm4b:s8+s9] =	stream.linear.scatter @!p6 [tilespmem:s14], [sflag:$0xC], $0x1000, $0x38;
	[tilespmem:$0x1E280] =	vst v63  }
0x13b: {  	s7 =	smulhi.u32 @!p4 $0x86186187, s12  }
0x13c: {  	s3 =	sshrl.u32 s3, $0x4  }
0x13d: {  	s14 =	smul.u32 $0x15, s3;
	s9 =	ssub.s32 @!p4 s12, s7  }
0x13e: {  	s9 =	sshrl.u32 @!p4 s9, $0x1  }
0x13f: {  	s3 =	smul.u32 $0xFFFFFC10, s3;
	s8 =	ssub.s32 $0x8C, s14;
	s7 =	sadd.s32 @!p4 s7, s9  }
0x140: {  	s8 =	sadd.s32 @!p4 s8, s15;
	s7 =	sshrl.u32 @!p4 s7, $0x4  }
0x141: {  	s3 =	sadd.s32 @!p4 s3, s4;
	p0 =	seq.s32 @!p4 s8, $0x0;
	s7 =	smax.u32 @!p4 s7, $0x10  }
0x142: {  	s3 =	sadd.s32 @!p4 $0xFFFFEE00, s3;
	p0 =	por !p0, p4;
	s7 =	smul.u32 @!p4 $0x3E8, s7  }
0x143: {  	s3 =	simm.s32 @!p0 $0x3B8  }
.Ltmp5:
0x144: {  	s3 =	sadd.s32 @!p4 s3, s7;
	(pc) =	sbr.rel @p1 .LBB2_6-.Ltmp5, $4  }
0x145: {  	s3 =	sadd.s32 @!p4 $0xFFFFC180, s3  }
0x146: {  	s7 =	rddreg [dreg:$0x4];
	s3 =	sshrl.u32 @!p4 s3, $0x3  }
0x147: {  	s8 =	simm.s32 @!p4 $0x1E000;
	s3 =	sadd.s32 @!p4 s7, s3;
	s7 =	simm.s32 @!p4 $0x0  }
0x148: {  	[tilespmem:s8], [sflag:$0x1] =	stream.linear.gather @!p4 [hbm4b:s3+s7], $0x30, $0x38;
	[tilespmem:$0x1E280] =	vst v63  }
0x149: {  	s3 =	simm.s32 $0x5  }
0x14a: {  	_ =	swait.ge [sflag:s3], $0x30  }
0x14b: {  	[sflag:s3] =	ssyncset.done $0x0  }
0x14c: {  	[sflag:s3] =	ssyncadd.s32 $0xFFFFFFD0;
	s3 =	simm.s32 @!p5 $0xF  }
0x14d: {  	_ =	swait.ge @!p5 [sflag:s3], $0x6000  }
0x14e: {  	(drf) =	srem.u32 s0, s6;
	_ =	sdelay $0x8  }
0x14f: {  	s0 =	spop (drf)  }
0x150: {  	s0 =	sshll.u32 s0, $0x5  }
0x151: {  	s0 =	sor.u32 s5, s0  }
0x152: {  	s7 =	smulhi.u32 $0x86186187, s0;
	_ =	sdelay $0x1  }
0x153: {  	s0 =	ssub.s32 s0, s7  }
0x154: {  	s0 =	sshrl.u32 s0, $0x1  }
0x155: {  	s0 =	sadd.s32 s7, s0  }
0x156: {  	s0 =	sshrl.u32 s0, $0x4  }
0x157: {  	[sflag:s3] =	ssyncset.done @!p5 $0x0;
	s15 =	sadd.s32 $0xFFFFFFEF, s0  }
0x158: {  	[sflag:s3] =	ssyncadd.s32 @!p5 $0xFFFFA000;
	p5 =	slt.u32 s15, $0xFFFFFFF0  }
0x159: {  	v0 =	vld @p5 [tilespmem:$0x1E200];
	_ =	sdelay $0x4  }
0x15a: {  	v1 =	vshll.u32 @p5 v0, $0x2  }
0x15b: {  	v2 =	vlaneseq.u32 @p5;
	v0 =	vand.u32 @p5 $0x7, v0;
	v1 =	vand.u32 @p5 $0xFFFFFFE0, v1  }
0x15c: {  	v3 =	vshrl.u32 @p5 v2, $0x3;
	v0 =	vor.u32 @p5 v0, v1;
	v1 =	vand.u32 @p5 $0x7, v2  }
0x15d: {  	v3 =	vmul.u32 @p5 $0x8, v3;
	v4 =	vperm.xlane @p5 v0, v1;
	_ =	sdelay $0x1  }
0x15e: {  	v4 =	vadd.s32 @p5 v3, v4  }
0x15f: {  	v2 =	vor.u32 @p5 $0x8, v2  }
0x160: {  	v0 =	vperm.xlane @p5 v0, v2;
	_ =	sdelay $0x1  }
0x161: {  	s8 =	rddreg [dreg:$0x1];
	vm1 =	vmmov @p5 $0xffff;
	s3 =	simm.s32 @p5 $0x0;
	s7 =	simm.s32 @p5 $0x18000;
	v0 =	vadd.s32 @p5 v3, v0  }
0x162: {  	[tilespmem:s7], [sflag:$0xA] =	stream.indirect_vreg.gather @p5 [hbm4b:s8+s3], $0x80, v4, vm1, $0xb8;
	[tilespmem:$0x1E280] =	vst v63  }
0x163: {  	s7 =	simm.s32 @p5 $0x18800  }
0x164: {  	[tilespmem:s7], [sflag:$0xA] =	stream.indirect_vreg.gather @p5 [hbm4b:s13+s3], $0x80, v4, vm1, $0xb8;
	[tilespmem:$0x1E280] =	vst v63  }
0x165: {  	s7 =	simm.s32 @p5 $0x19000  }
0x166: {  	[tilespmem:s7], [sflag:$0xA] =	stream.indirect_vreg.gather @p5 [hbm4b:s8+s3], $0x80, v0, vm1, $0xb8;
	[tilespmem:$0x1E280] =	vst v63  }
0x167: {  	s7 =	simm.s32 @p5 $0x19800  }
0x168: {  	[tilespmem:s7], [sflag:$0xA] =	stream.indirect_vreg.gather @p5 [hbm4b:s13+s3], $0x80, v0, vm1, $0xb8;
	[tilespmem:$0x1E280] =	vst v63  }
0x169: {  	v0 =	vld @p5 [tilespmem:$0x1E210];
	_ =	sdelay $0x4  }
0x16a: {  	v4 =	vshll.u32 @p5 v0, $0x2  }
0x16b: {  	v0 =	vand.u32 @p5 $0x7, v0;
	v4 =	vand.u32 @p5 $0xFFFFFFE0, v4  }
0x16c: {  	v0 =	vor.u32 @p5 v0, v4  }
0x16d: {  	v4 =	vperm.xlane @p5 v0, v1;
	_ =	sdelay $0x1  }
0x16e: {  	v4 =	vadd.s32 @p5 v3, v4;
	_ =	sdelay $0x1  }
0x16f: {  	v0 =	vperm.xlane @p5 v0, v2;
	_ =	sdelay $0x1  }
0x170: {  	s7 =	simm.s32 @p5 $0x1A000;
	v0 =	vadd.s32 @p5 v3, v0  }
0x171: {  	[tilespmem:s7], [sflag:$0xA] =	stream.indirect_vreg.gather @p5 [hbm4b:s8+s3], $0x80, v4, vm1, $0xb8;
	[tilespmem:$0x1E280] =	vst v63  }
0x172: {  	s7 =	simm.s32 @p5 $0x1A800  }
0x173: {  	[tilespmem:s7], [sflag:$0xA] =	stream.indirect_vreg.gather @p5 [hbm4b:s13+s3], $0x80, v4, vm1, $0xb8;
	[tilespmem:$0x1E280] =	vst v63  }
0x174: {  	s7 =	simm.s32 @p5 $0x1B000  }
0x175: {  	[tilespmem:s7], [sflag:$0xA] =	stream.indirect_vreg.gather @p5 [hbm4b:s8+s3], $0x80, v0, vm1, $0xb8;
	[tilespmem:$0x1E280] =	vst v63  }
0x176: {  	s7 =	simm.s32 @p5 $0x1B800  }
0x177: {  	[tilespmem:s7], [sflag:$0xA] =	stream.indirect_vreg.gather @p5 [hbm4b:s13+s3], $0x80, v0, vm1, $0xb8;
	[tilespmem:$0x1E280] =	vst v63  }
0x178: {  	v0 =	vld @p5 [tilespmem:$0x1E220];
	_ =	sdelay $0x4  }
0x179: {  	v4 =	vshll.u32 @p5 v0, $0x2  }
0x17a: {  	v0 =	vand.u32 @p5 $0x7, v0;
	v4 =	vand.u32 @p5 $0xFFFFFFE0, v4  }
0x17b: {  	v0 =	vor.u32 @p5 v0, v4  }
0x17c: {  	v1 =	vperm.xlane @p5 v0, v1;
	_ =	sdelay $0x1  }
0x17d: {  	v1 =	vadd.s32 @p5 v3, v1;
	_ =	sdelay $0x1  }
0x17e: {  	v0 =	vperm.xlane @p5 v0, v2;
	_ =	sdelay $0x1  }
0x17f: {  	s7 =	simm.s32 @p5 $0x1C000;
	v0 =	vadd.s32 @p5 v3, v0  }
0x180: {  	[tilespmem:s7], [sflag:$0xA] =	stream.indirect_vreg.gather @p5 [hbm4b:s8+s3], $0x80, v1, vm1, $0xb8;
	[tilespmem:$0x1E280] =	vst v63  }
0x181: {  	s7 =	simm.s32 @p5 $0x1C800  }
0x182: {  	[tilespmem:s7], [sflag:$0xA] =	stream.indirect_vreg.gather @p5 [hbm4b:s13+s3], $0x80, v1, vm1, $0xb8;
	[tilespmem:$0x1E280] =	vst v63  }
0x183: {  	s0 =	sshll.u32 @!p5 s0, $0xC;
	s7 =	simm.s32 @p5 $0x1D000  }
0x184: {  	[tilespmem:s7], [sflag:$0xA] =	stream.indirect_vreg.gather @p5 [hbm4b:s8+s3], $0x80, v0, vm1, $0xb8;
	[tilespmem:$0x1E280] =	vst v63  }
0x185: {  	s0 =	sadd.s32 @!p5 $0xFFFFF000, s0;
	s7 =	simm.s32 @p5 $0x1D800  }
0x186: {  	[tilespmem:s7], [sflag:$0xA] =	stream.indirect_vreg.gather @p5 [hbm4b:s13+s3], $0x80, v0, vm1, $0xb8;
	[tilespmem:$0x1E280] =	vst v63  }
0x187: {  	s0 =	sshrl.u32 @!p5 s0, $0x3;
	s3 =	rddreg [dreg:$0x5]  }
0x188: {  	s7 =	simm.s32 @!p5 $0x18000;
	s0 =	sadd.s32 @!p5 s3, s0;
	s3 =	simm.s32 @!p5 $0x0  }
0x189: {  	[tilespmem:s7], [sflag:$0xA] =	stream.linear.gather @!p5 [hbm4b:s0+s3], $0x1000, $0x38;
	[tilespmem:$0x1E280] =	vst v63  }
.LBB2_6:
0x18a: {  	s0 =	smulhi.u32 $0x86186187, s24;
	s3 =	sadd.s32 $0xFFFFFFFA, s19  }
0x18b: {  	p5 =	sge.u32 s3, s6  }
0x18c: {  	s12 =	ssub.s32 s24, s0;
	s7 =	sadd.s32 @!p5 s10, s5  }
0x18d: {  	s3 =	sshrl.u32 s12, $0x1;
	s8 =	sadd.s32 @!p5 $0x40, s7  }
0x18e: {  	s0 =	sadd.s32 s0, s3;
	s3 =	smulhi.u32 @!p5 $0x86186187, s8  }
0x18f: {  	s0 =	sshrl.u32 s0, $0x4  }
0x190: {  	s9 =	smul.u32 $0x15, s0;
	s8 =	ssub.s32 @!p5 s8, s3  }
0x191: {  	s8 =	sshrl.u32 @!p5 s8, $0x1  }
0x192: {  	s0 =	smul.u32 $0x7E000, s0;
	s9 =	ssub.s32 $0x2C, s9;
	s3 =	sadd.s32 @!p5 s3, s8  }
0x193: {  	s3 =	sshrl.u32 @!p5 s3, $0x4;
	s7 =	sadd.s32 @!p5 s9, s7  }
0x194: {  	s0 =	ssub.s32 s22, s0;
	s8 =	sadd.s32 @!p5 $0xFFFFFFEF, s3;
	p0 =	seq.s32 @!p5 s7, $0x0  }
0x195: {  	s3 =	smul.u32 @!p5 $0x7D000, s3;
	p6 =	slt.u32 @!p5 s8, $0xFFFFFFF0;
	p0 =	por !p0, p5  }
0x196: {  	s0 =	simm.s32 @!p0 $0x77000;
	p0 =	por !p6, p5  }
0x197: {  	s0 =	sadd.s32 @!p5 s3, s0;
	s3 =	simm.s32 @!p0 $0x8  }
0x198: {  	p6 =	por p6, p5;
	_ =	swait.ge @!p0 [sflag:s3], $0x6000  }
0x199: {  	s8 =	simm.s32 @!p0 $0xC000;
	s7 =	sshrl.u32 @!p5 s0, $0x3;
	[sflag:s3] =	ssyncset.done @!p0 $0x0  }
0x19a: {  	s7 =	sadd.s32 @!p5 s2, s7;
	[sflag:s3] =	ssyncadd.s32 @!p0 $0xFFFFA000;
	s3 =	simm.s32 @!p0 $0x0  }
0x19b: {  	[hbm4b:s7+s3] =	stream.linear.scatter @!p0 [tilespmem:s8], [sflag:$0xD], $0x6000, $0x38;
	[tilespmem:$0x1E280] =	vst v63  }
0x19c: {  	s3 =	simm.s32 @!p6 $0x8  }
0x19d: {  	s0 =	sshrl.u32 @!p6 s0, $0x3;
	_ =	swait.ge @!p6 [sflag:s3], $0x1000  }
0x19e: {  	s0 =	sadd.s32 @!p6 s2, s0;
	[sflag:s3] =	ssyncset.done @!p6 $0x0  }
0x19f: {  	s8 =	simm.s32 @!p6 $0xC000;
	[sflag:s3] =	ssyncadd.s32 @!p6 $0xFFFFF000;
	s3 =	simm.s32 @!p6 $0x0  }
0x1a0: {  	[hbm4b:s7+s3] =	stream.linear.scatter @!p6 [tilespmem:s8], [sflag:$0xD], $0x1000, $0x38;
	[tilespmem:$0x1E280] =	vst v63  }
0x1a1: {  	s7 =	sadd.s32 @!p6 $0x200, s0  }
0x1a2: {  	[hbm4b:s7+s3] =	stream.linear.scatter @!p6 [tilespmem:s8], [sflag:$0xD], $0x1000, $0x38;
	[tilespmem:$0x1E280] =	vst v63  }
0x1a3: {  	s7 =	sadd.s32 @!p6 $0x400, s0  }
0x1a4: {  	[hbm4b:s7+s3] =	stream.linear.scatter @!p6 [tilespmem:s8], [sflag:$0xD], $0x1000, $0x38;
	[tilespmem:$0x1E280] =	vst v63  }
0x1a5: {  	s7 =	sadd.s32 @!p6 $0x600, s0  }
0x1a6: {  	[hbm4b:s7+s3] =	stream.linear.scatter @!p6 [tilespmem:s8], [sflag:$0xD], $0x1000, $0x38;
	[tilespmem:$0x1E280] =	vst v63  }
0x1a7: {  	s14 =	sadd.s32 $0xFFFFFFFE, s19;
	s9 =	sadd.s32 @!p6 $0x800, s0;
	s7 =	smulhi.u32 $0x86186187, s16  }
0x1a8: {  	[hbm4b:s9+s3] =	stream.linear.scatter @!p6 [tilespmem:s8], [sflag:$0xD], $0x1000, $0x38;
	[tilespmem:$0x1E280] =	vst v63  }
0x1a9: {  	p5 =	sge.u32 s14, s6;
	s12 =	ssub.s32 s16, s7  }
0x1aa: {  	s15 =	smov.u32 s2;
	s2 =	sshrl.u32 s12, $0x1;
	s12 =	sadd.s32 @!p5 s10, s5  }
0x1ab: {  	s0 =	sadd.s32 @!p6 $0xA00, s0;
	s9 =	sadd.s32 @!p5 $0xC0, s12  }
0x1ac: {  	[hbm4b:s0+s3] =	stream.linear.scatter @!p6 [tilespmem:s8], [sflag:$0xD], $0x1000, $0x38;
	[tilespmem:$0x1E280] =	vst v63  }
0x1ad: {  	s7 =	sadd.s32 s7, s2;
	s14 =	smulhi.u32 @!p5 $0x86186187, s9  }
0x1ae: {  	s7 =	sshrl.u32 s7, $0x4  }
0x1af: {  	s8 =	smul.u32 $0x15, s7;
	s3 =	ssub.s32 @!p5 s9, s14  }
0x1b0: {  	s3 =	sshrl.u32 @!p5 s3, $0x1  }
0x1b1: {  	s7 =	smul.u32 $0xFFFFFC10, s7;
	s0 =	ssub.s32 $0xAC, s8;
	s3 =	sadd.s32 @!p5 s14, s3  }
0x1b2: {  	s0 =	sadd.s32 @!p5 s0, s12;
	s3 =	sshrl.u32 @!p5 s3, $0x4  }
0x1b3: {  	p0 =	seq.s32 @!p5 s0, $0x0;
	s0 =	sadd.s32 @!p5 s7, s4;
	s3 =	smax.u32 @!p5 s3, $0x10  }
0x1b4: {  	s0 =	sadd.s32 @!p5 $0xFFFFF400, s0;
	p0 =	por !p0, p5;
	s3 =	smul.u32 @!p5 $0x3E8, s3  }
0x1b5: {  	s0 =	simm.s32 @!p0 $0x3B8  }
.Ltmp6:
0x1b6: {  	s0 =	sadd.s32 @!p5 s0, s3;
	(pc) =	sbr.rel @p4 .LBB2_8-.Ltmp6, $4  }
0x1b7: {  	s0 =	sadd.s32 @!p5 $0xFFFFC180, s0  }
0x1b8: {  	s2 =	rddreg [dreg:$0x4];
	s0 =	sshrl.u32 @!p5 s0, $0x3  }
0x1b9: {  	s7 =	simm.s32 @!p5 $0x1E080;
	s3 =	simm.s32 @!p5 $0x0;
	s0 =	sadd.s32 @!p5 s2, s0  }
0x1ba: {  	[tilespmem:s7], [sflag:$0x2] =	stream.linear.gather @!p5 [hbm4b:s0+s3], $0x30, $0x38;
	[tilespmem:$0x1E280] =	vst v63  }
0x1bb: {  	s0 =	sadd.s32 s10, s5  }
0x1bc: {  	s0 =	sadd.s32 $0xA0, s0  }
0x1bd: {  	s3 =	smulhi.u32 $0x86186187, s0  }
0x1be: {  	s2 =	simm.s32 $0x1  }
0x1bf: {  	_ =	swait.ge [sflag:s2], $0x30;
	s0 =	ssub.s32 s0, s3  }
0x1c0: {  	[sflag:s2] =	ssyncset.done $0x0;
	s0 =	sshrl.u32 s0, $0x1  }
0x1c1: {  	s12 =	simm.s32 $0xB;
	[sflag:s2] =	ssyncadd.s32 $0xFFFFFFD0;
	s0 =	sadd.s32 s3, s0  }
0x1c2: {  	_ =	swait.ge [sflag:s12], $0x6000;
	s0 =	sshrl.u32 s0, $0x4  }
0x1c3: {  	[sflag:s12] =	ssyncset.done $0x0;
	s14 =	sadd.s32 $0xFFFFFFEF, s0  }
0x1c4: {  	[sflag:s12] =	ssyncadd.s32 $0xFFFFA000;
	p4 =	slt.u32 s14, $0xFFFFFFF0  }
0x1c5: {  	v0 =	vld @p4 [tilespmem:$0x1E000];
	_ =	sdelay $0x4  }
0x1c6: {  	v1 =	vshll.u32 @p4 v0, $0x2  }
0x1c7: {  	v2 =	vlaneseq.u32 @p4;
	v0 =	vand.u32 @p4 $0x7, v0;
	v1 =	vand.u32 @p4 $0xFFFFFFE0, v1  }
0x1c8: {  	v3 =	vshrl.u32 @p4 v2, $0x3;
	v0 =	vor.u32 @p4 v0, v1;
	v1 =	vand.u32 @p4 $0x7, v2  }
0x1c9: {  	v3 =	vmul.u32 @p4 $0x8, v3;
	v4 =	vperm.xlane @p4 v0, v1;
	_ =	sdelay $0x1  }
0x1ca: {  	v4 =	vadd.s32 @p4 v3, v4  }
0x1cb: {  	v2 =	vor.u32 @p4 $0x8, v2  }
0x1cc: {  	v0 =	vperm.xlane @p4 v0, v2;
	_ =	sdelay $0x1  }
0x1cd: {  	s2 =	rddreg [dreg:$0x1];
	vm1 =	vmmov @p4 $0xffff;
	s3 =	simm.s32 @p4 $0x0;
	v0 =	vadd.s32 @p4 v3, v0  }
0x1ce: {  	[tilespmem:s3], [sflag:$0x6] =	stream.indirect_vreg.gather @p4 [hbm4b:s2+s3], $0x80, v4, vm1, $0xb8;
	[tilespmem:$0x1E280] =	vst v63  }
0x1cf: {  	s7 =	simm.s32 @p4 $0x800  }
0x1d0: {  	[tilespmem:s7], [sflag:$0x6] =	stream.indirect_vreg.gather @p4 [hbm4b:s13+s3], $0x80, v4, vm1, $0xb8;
	[tilespmem:$0x1E280] =	vst v63  }
0x1d1: {  	s7 =	simm.s32 @p4 $0x1000  }
0x1d2: {  	[tilespmem:s7], [sflag:$0x6] =	stream.indirect_vreg.gather @p4 [hbm4b:s2+s3], $0x80, v0, vm1, $0xb8;
	[tilespmem:$0x1E280] =	vst v63  }
0x1d3: {  	s7 =	simm.s32 @p4 $0x1800  }
0x1d4: {  	[tilespmem:s7], [sflag:$0x6] =	stream.indirect_vreg.gather @p4 [hbm4b:s13+s3], $0x80, v0, vm1, $0xb8;
	[tilespmem:$0x1E280] =	vst v63  }
0x1d5: {  	v0 =	vld @p4 [tilespmem:$0x1E010];
	_ =	sdelay $0x4  }
0x1d6: {  	v4 =	vshll.u32 @p4 v0, $0x2  }
0x1d7: {  	v0 =	vand.u32 @p4 $0x7, v0;
	v4 =	vand.u32 @p4 $0xFFFFFFE0, v4  }
0x1d8: {  	v0 =	vor.u32 @p4 v0, v4  }
0x1d9: {  	v4 =	vperm.xlane @p4 v0, v1;
	_ =	sdelay $0x1  }
0x1da: {  	v4 =	vadd.s32 @p4 v3, v4;
	_ =	sdelay $0x1  }
0x1db: {  	v0 =	vperm.xlane @p4 v0, v2;
	_ =	sdelay $0x1  }
0x1dc: {  	s7 =	simm.s32 @p4 $0x2000;
	v0 =	vadd.s32 @p4 v3, v0  }
0x1dd: {  	[tilespmem:s7], [sflag:$0x6] =	stream.indirect_vreg.gather @p4 [hbm4b:s2+s3], $0x80, v4, vm1, $0xb8;
	[tilespmem:$0x1E280] =	vst v63  }
0x1de: {  	s7 =	simm.s32 @p4 $0x2800  }
0x1df: {  	[tilespmem:s7], [sflag:$0x6] =	stream.indirect_vreg.gather @p4 [hbm4b:s13+s3], $0x80, v4, vm1, $0xb8;
	[tilespmem:$0x1E280] =	vst v63  }
0x1e0: {  	s7 =	simm.s32 @p4 $0x3000  }
0x1e1: {  	[tilespmem:s7], [sflag:$0x6] =	stream.indirect_vreg.gather @p4 [hbm4b:s2+s3], $0x80, v0, vm1, $0xb8;
	[tilespmem:$0x1E280] =	vst v63  }
0x1e2: {  	s7 =	simm.s32 @p4 $0x3800  }
0x1e3: {  	[tilespmem:s7], [sflag:$0x6] =	stream.indirect_vreg.gather @p4 [hbm4b:s13+s3], $0x80, v0, vm1, $0xb8;
	[tilespmem:$0x1E280] =	vst v63  }
0x1e4: {  	v0 =	vld @p4 [tilespmem:$0x1E020];
	_ =	sdelay $0x4  }
0x1e5: {  	v4 =	vshll.u32 @p4 v0, $0x2  }
0x1e6: {  	v0 =	vand.u32 @p4 $0x7, v0;
	v4 =	vand.u32 @p4 $0xFFFFFFE0, v4  }
0x1e7: {  	v0 =	vor.u32 @p4 v0, v4  }
0x1e8: {  	v1 =	vperm.xlane @p4 v0, v1;
	_ =	sdelay $0x1  }
0x1e9: {  	v1 =	vadd.s32 @p4 v3, v1;
	_ =	sdelay $0x1  }
0x1ea: {  	v0 =	vperm.xlane @p4 v0, v2;
	_ =	sdelay $0x1  }
0x1eb: {  	s7 =	simm.s32 @p4 $0x4000;
	v0 =	vadd.s32 @p4 v3, v0  }
0x1ec: {  	[tilespmem:s7], [sflag:$0x6] =	stream.indirect_vreg.gather @p4 [hbm4b:s2+s3], $0x80, v1, vm1, $0xb8;
	[tilespmem:$0x1E280] =	vst v63  }
0x1ed: {  	s0 =	sshll.u32 @!p4 s0, $0xC;
	s7 =	simm.s32 @p4 $0x4800  }
0x1ee: {  	[tilespmem:s7], [sflag:$0x6] =	stream.indirect_vreg.gather @p4 [hbm4b:s13+s3], $0x80, v1, vm1, $0xb8;
	[tilespmem:$0x1E280] =	vst v63  }
0x1ef: {  	s0 =	sadd.s32 @!p4 $0xFFFFF000, s0;
	s7 =	simm.s32 @p4 $0x5000  }
0x1f0: {  	[tilespmem:s7], [sflag:$0x6] =	stream.indirect_vreg.gather @p4 [hbm4b:s2+s3], $0x80, v0, vm1, $0xb8;
	[tilespmem:$0x1E280] =	vst v63  }
0x1f1: {  	s0 =	sshrl.u32 @!p4 s0, $0x3;
	s7 =	simm.s32 @p4 $0x5800;
	s2 =	rddreg [dreg:$0x5]  }
0x1f2: {  	[tilespmem:s7], [sflag:$0x6] =	stream.indirect_vreg.gather @p4 [hbm4b:s13+s3], $0x80, v0, vm1, $0xb8;
	[tilespmem:$0x1E280] =	vst v63  }
0x1f3: {  	s0 =	sadd.s32 @!p4 s2, s0;
	s3 =	simm.s32 @!p4 $0x0  }
0x1f4: {  	[tilespmem:s3], [sflag:$0x6] =	stream.linear.gather @!p4 [hbm4b:s0+s3], $0x1000, $0x38;
	[tilespmem:$0x1E280] =	vst v63  }
.LBB2_8:
0x1f5: {  	s0 =	smulhi.u32 $0x86186187, s30;
	_ =	sdelay $0x1  }
0x1f6: {  	s7 =	sadd.s32 @!p3 s10, s5;
	s3 =	ssub.s32 s30, s0  }
0x1f7: {  	s8 =	sadd.s32 @!p3 $0x60, s7;
	s3 =	sshrl.u32 s3, $0x1  }
0x1f8: {  	s0 =	sadd.s32 s0, s3;
	s3 =	smulhi.u32 @!p3 $0x86186187, s8  }
0x1f9: {  	s0 =	sshrl.u32 s0, $0x4  }
0x1fa: {  	s9 =	smul.u32 $0x15, s0;
	s8 =	ssub.s32 @!p3 s8, s3  }
0x1fb: {  	s8 =	sshrl.u32 @!p3 s8, $0x1  }
0x1fc: {  	s0 =	smul.u32 $0x7E000, s0;
	s9 =	ssub.s32 $0x4C, s9;
	s3 =	sadd.s32 @!p3 s3, s8  }
0x1fd: {  	s3 =	sshrl.u32 @!p3 s3, $0x4;
	s7 =	sadd.s32 @!p3 s9, s7  }
0x1fe: {  	s0 =	ssub.s32 s21, s0;
	s8 =	sadd.s32 @!p3 $0xFFFFFFEF, s3;
	p0 =	seq.s32 @!p3 s7, $0x0  }
0x1ff: {  	s3 =	smul.u32 @!p3 $0x7D000, s3;
	p4 =	slt.u32 @!p3 s8, $0xFFFFFFF0;
	p0 =	por !p0, p3  }
0x200: {  	s0 =	simm.s32 @!p0 $0x77000;
	p0 =	por !p4, p3  }
0x201: {  	s0 =	sadd.s32 @!p3 s3, s0;
	s3 =	simm.s32 @!p0 $0x9  }
0x202: {  	p4 =	por p4, p3;
	_ =	swait.ge @!p0 [sflag:s3], $0x6000  }
0x203: {  	s8 =	simm.s32 @!p0 $0x12000;
	s7 =	sshrl.u32 @!p3 s0, $0x3;
	[sflag:s3] =	ssyncset.done @!p0 $0x0  }
0x204: {  	s7 =	sadd.s32 @!p3 s15, s7;
	[sflag:s3] =	ssyncadd.s32 @!p0 $0xFFFFA000;
	s3 =	simm.s32 @!p0 $0x0  }
0x205: {  	[hbm4b:s7+s3] =	stream.linear.scatter @!p0 [tilespmem:s8], [sflag:$0xE], $0x6000, $0x38;
	[tilespmem:$0x1E280] =	vst v63  }
0x206: {  	s3 =	simm.s32 @!p4 $0x9  }
0x207: {  	s0 =	sshrl.u32 @!p4 s0, $0x3;
	_ =	swait.ge @!p4 [sflag:s3], $0x1000  }
0x208: {  	s0 =	sadd.s32 @!p4 s15, s0;
	[sflag:s3] =	ssyncset.done @!p4 $0x0  }
0x209: {  	s8 =	simm.s32 @!p4 $0x12000;
	[sflag:s3] =	ssyncadd.s32 @!p4 $0xFFFFF000;
	s3 =	simm.s32 @!p4 $0x0  }
0x20a: {  	[hbm4b:s7+s3] =	stream.linear.scatter @!p4 [tilespmem:s8], [sflag:$0xE], $0x1000, $0x38;
	[tilespmem:$0x1E280] =	vst v63  }
0x20b: {  	s7 =	sadd.s32 @!p4 $0x200, s0  }
0x20c: {  	[hbm4b:s7+s3] =	stream.linear.scatter @!p4 [tilespmem:s8], [sflag:$0xE], $0x1000, $0x38;
	[tilespmem:$0x1E280] =	vst v63  }
0x20d: {  	s7 =	sadd.s32 @!p4 $0x400, s0  }
0x20e: {  	[hbm4b:s7+s3] =	stream.linear.scatter @!p4 [tilespmem:s8], [sflag:$0xE], $0x1000, $0x38;
	[tilespmem:$0x1E280] =	vst v63  }
0x20f: {  	s7 =	sadd.s32 @!p4 $0x600, s0  }
0x210: {  	[hbm4b:s7+s3] =	stream.linear.scatter @!p4 [tilespmem:s8], [sflag:$0xE], $0x1000, $0x38;
	[tilespmem:$0x1E280] =	vst v63  }
0x211: {  	s14 =	sadd.s32 $0xFFFFFFFF, s19;
	s9 =	sadd.s32 @!p4 $0x800, s0;
	s7 =	smulhi.u32 $0x86186187, s17  }
0x212: {  	[hbm4b:s9+s3] =	stream.linear.scatter @!p4 [tilespmem:s8], [sflag:$0xE], $0x1000, $0x38;
	[tilespmem:$0x1E280] =	vst v63  }
0x213: {  	p3 =	sge.u32 s14, s6;
	s12 =	ssub.s32 s17, s7  }
0x214: {  	s2 =	sshrl.u32 s12, $0x1;
	s12 =	sadd.s32 @!p3 s10, s5  }
0x215: {  	s0 =	sadd.s32 @!p4 $0xA00, s0;
	s9 =	sadd.s32 @!p3 $0xE0, s12  }
0x216: {  	[hbm4b:s0+s3] =	stream.linear.scatter @!p4 [tilespmem:s8], [sflag:$0xE], $0x1000, $0x38;
	[tilespmem:$0x1E280] =	vst v63  }
0x217: {  	s7 =	sadd.s32 s7, s2;
	s14 =	smulhi.u32 @!p3 $0x86186187, s9  }
0x218: {  	s7 =	sshrl.u32 s7, $0x4  }
0x219: {  	s8 =	smul.u32 $0x15, s7;
	s3 =	ssub.s32 @!p3 s9, s14  }
0x21a: {  	s3 =	sshrl.u32 @!p3 s3, $0x1  }
0x21b: {  	s7 =	smul.u32 $0xFFFFFC10, s7;
	s0 =	ssub.s32 $0xCC, s8;
	s3 =	sadd.s32 @!p3 s14, s3  }
0x21c: {  	s0 =	sadd.s32 @!p3 s0, s12;
	s3 =	sshrl.u32 @!p3 s3, $0x4  }
0x21d: {  	p0 =	seq.s32 @!p3 s0, $0x0;
	s0 =	sadd.s32 @!p3 s7, s4;
	s3 =	smax.u32 @!p3 s3, $0x10  }
0x21e: {  	s0 =	sadd.s32 @!p3 $0xFFFFFA00, s0;
	p0 =	por !p0, p3;
	s3 =	smul.u32 @!p3 $0x3E8, s3  }
0x21f: {  	s0 =	simm.s32 @!p0 $0x3B8  }
.Ltmp7:
0x220: {  	s0 =	sadd.s32 @!p3 s0, s3;
	(pc) =	sbr.rel @p5 .LBB2_10-.Ltmp7, $4  }
0x221: {  	s0 =	sadd.s32 @!p3 $0xFFFFC180, s0  }
0x222: {  	s2 =	rddreg [dreg:$0x4];
	s0 =	sshrl.u32 @!p3 s0, $0x3  }
0x223: {  	s7 =	simm.s32 @!p3 $0x1E100;
	s3 =	simm.s32 @!p3 $0x0;
	s0 =	sadd.s32 @!p3 s2, s0  }
0x224: {  	[tilespmem:s7], [sflag:$0x3] =	stream.linear.gather @!p3 [hbm4b:s0+s3], $0x30, $0x38;
	[tilespmem:$0x1E280] =	vst v63  }
0x225: {  	s0 =	sadd.s32 s10, s5  }
0x226: {  	s0 =	sadd.s32 $0xC0, s0  }
0x227: {  	s3 =	smulhi.u32 $0x86186187, s0  }
0x228: {  	s2 =	simm.s32 $0x2  }
0x229: {  	_ =	swait.ge [sflag:s2], $0x30;
	s0 =	ssub.s32 s0, s3  }
0x22a: {  	[sflag:s2] =	ssyncset.done $0x0;
	s0 =	sshrl.u32 s0, $0x1  }
0x22b: {  	s12 =	simm.s32 $0xC;
	[sflag:s2] =	ssyncadd.s32 $0xFFFFFFD0;
	s0 =	sadd.s32 s3, s0  }
0x22c: {  	_ =	swait.ge [sflag:s12], $0x6000;
	s0 =	sshrl.u32 s0, $0x4  }
0x22d: {  	[sflag:s12] =	ssyncset.done $0x0;
	s14 =	sadd.s32 $0xFFFFFFEF, s0  }
0x22e: {  	[sflag:s12] =	ssyncadd.s32 $0xFFFFA000;
	p4 =	slt.u32 s14, $0xFFFFFFF0  }
0x22f: {  	v0 =	vld @p4 [tilespmem:$0x1E080];
	_ =	sdelay $0x4  }
0x230: {  	v1 =	vshll.u32 @p4 v0, $0x2  }
0x231: {  	v2 =	vlaneseq.u32 @p4;
	v0 =	vand.u32 @p4 $0x7, v0;
	v1 =	vand.u32 @p4 $0xFFFFFFE0, v1  }
0x232: {  	v3 =	vshrl.u32 @p4 v2, $0x3;
	v0 =	vor.u32 @p4 v0, v1;
	v1 =	vand.u32 @p4 $0x7, v2  }
0x233: {  	v3 =	vmul.u32 @p4 $0x8, v3;
	v4 =	vperm.xlane @p4 v0, v1;
	_ =	sdelay $0x1  }
0x234: {  	v4 =	vadd.s32 @p4 v3, v4  }
0x235: {  	v2 =	vor.u32 @p4 $0x8, v2  }
0x236: {  	v0 =	vperm.xlane @p4 v0, v2;
	_ =	sdelay $0x1  }
0x237: {  	s2 =	rddreg [dreg:$0x1];
	vm1 =	vmmov @p4 $0xffff;
	s3 =	simm.s32 @p4 $0x0;
	s7 =	simm.s32 @p4 $0x6000;
	v0 =	vadd.s32 @p4 v3, v0  }
0x238: {  	[tilespmem:s7], [sflag:$0x7] =	stream.indirect_vreg.gather @p4 [hbm4b:s2+s3], $0x80, v4, vm1, $0xb8;
	[tilespmem:$0x1E280] =	vst v63  }
0x239: {  	s7 =	simm.s32 @p4 $0x6800  }
0x23a: {  	[tilespmem:s7], [sflag:$0x7] =	stream.indirect_vreg.gather @p4 [hbm4b:s13+s3], $0x80, v4, vm1, $0xb8;
	[tilespmem:$0x1E280] =	vst v63  }
0x23b: {  	s7 =	simm.s32 @p4 $0x7000  }
0x23c: {  	[tilespmem:s7], [sflag:$0x7] =	stream.indirect_vreg.gather @p4 [hbm4b:s2+s3], $0x80, v0, vm1, $0xb8;
	[tilespmem:$0x1E280] =	vst v63  }
0x23d: {  	s7 =	simm.s32 @p4 $0x7800  }
0x23e: {  	[tilespmem:s7], [sflag:$0x7] =	stream.indirect_vreg.gather @p4 [hbm4b:s13+s3], $0x80, v0, vm1, $0xb8;
	[tilespmem:$0x1E280] =	vst v63  }
0x23f: {  	v0 =	vld @p4 [tilespmem:$0x1E090];
	_ =	sdelay $0x4  }
0x240: {  	v4 =	vshll.u32 @p4 v0, $0x2  }
0x241: {  	v0 =	vand.u32 @p4 $0x7, v0;
	v4 =	vand.u32 @p4 $0xFFFFFFE0, v4  }
0x242: {  	v0 =	vor.u32 @p4 v0, v4  }
0x243: {  	v4 =	vperm.xlane @p4 v0, v1;
	_ =	sdelay $0x1  }
0x244: {  	v4 =	vadd.s32 @p4 v3, v4;
	_ =	sdelay $0x1  }
0x245: {  	v0 =	vperm.xlane @p4 v0, v2;
	_ =	sdelay $0x1  }
0x246: {  	s7 =	simm.s32 @p4 $0x8000;
	v0 =	vadd.s32 @p4 v3, v0  }
0x247: {  	[tilespmem:s7], [sflag:$0x7] =	stream.indirect_vreg.gather @p4 [hbm4b:s2+s3], $0x80, v4, vm1, $0xb8;
	[tilespmem:$0x1E280] =	vst v63  }
0x248: {  	s7 =	simm.s32 @p4 $0x8800  }
0x249: {  	[tilespmem:s7], [sflag:$0x7] =	stream.indirect_vreg.gather @p4 [hbm4b:s13+s3], $0x80, v4, vm1, $0xb8;
	[tilespmem:$0x1E280] =	vst v63  }
0x24a: {  	s7 =	simm.s32 @p4 $0x9000  }
0x24b: {  	[tilespmem:s7], [sflag:$0x7] =	stream.indirect_vreg.gather @p4 [hbm4b:s2+s3], $0x80, v0, vm1, $0xb8;
	[tilespmem:$0x1E280] =	vst v63  }
0x24c: {  	s7 =	simm.s32 @p4 $0x9800  }
0x24d: {  	[tilespmem:s7], [sflag:$0x7] =	stream.indirect_vreg.gather @p4 [hbm4b:s13+s3], $0x80, v0, vm1, $0xb8;
	[tilespmem:$0x1E280] =	vst v63  }
0x24e: {  	v0 =	vld @p4 [tilespmem:$0x1E0A0];
	_ =	sdelay $0x4  }
0x24f: {  	v4 =	vshll.u32 @p4 v0, $0x2  }
0x250: {  	v0 =	vand.u32 @p4 $0x7, v0;
	v4 =	vand.u32 @p4 $0xFFFFFFE0, v4  }
0x251: {  	v0 =	vor.u32 @p4 v0, v4  }
0x252: {  	v1 =	vperm.xlane @p4 v0, v1;
	_ =	sdelay $0x1  }
0x253: {  	v1 =	vadd.s32 @p4 v3, v1;
	_ =	sdelay $0x1  }
0x254: {  	v0 =	vperm.xlane @p4 v0, v2;
	_ =	sdelay $0x1  }
0x255: {  	s7 =	simm.s32 @p4 $0xA000;
	v0 =	vadd.s32 @p4 v3, v0  }
0x256: {  	[tilespmem:s7], [sflag:$0x7] =	stream.indirect_vreg.gather @p4 [hbm4b:s2+s3], $0x80, v1, vm1, $0xb8;
	[tilespmem:$0x1E280] =	vst v63  }
0x257: {  	s0 =	sshll.u32 @!p4 s0, $0xC;
	s7 =	simm.s32 @p4 $0xA800  }
0x258: {  	[tilespmem:s7], [sflag:$0x7] =	stream.indirect_vreg.gather @p4 [hbm4b:s13+s3], $0x80, v1, vm1, $0xb8;
	[tilespmem:$0x1E280] =	vst v63  }
0x259: {  	s0 =	sadd.s32 @!p4 $0xFFFFF000, s0;
	s7 =	simm.s32 @p4 $0xB000  }
0x25a: {  	[tilespmem:s7], [sflag:$0x7] =	stream.indirect_vreg.gather @p4 [hbm4b:s2+s3], $0x80, v0, vm1, $0xb8;
	[tilespmem:$0x1E280] =	vst v63  }
0x25b: {  	s0 =	sshrl.u32 @!p4 s0, $0x3;
	s7 =	simm.s32 @p4 $0xB800;
	s2 =	rddreg [dreg:$0x5]  }
0x25c: {  	[tilespmem:s7], [sflag:$0x7] =	stream.indirect_vreg.gather @p4 [hbm4b:s13+s3], $0x80, v0, vm1, $0xb8;
	[tilespmem:$0x1E280] =	vst v63  }
0x25d: {  	s0 =	sadd.s32 @!p4 s2, s0;
	s3 =	simm.s32 @!p4 $0x0;
	s7 =	simm.s32 @!p4 $0x6000  }
0x25e: {  	[tilespmem:s7], [sflag:$0x7] =	stream.linear.gather @!p4 [hbm4b:s0+s3], $0x1000, $0x38;
	[tilespmem:$0x1E280] =	vst v63  }
.LBB2_10:
0x25f: {  	s0 =	smul.u32 $0x7E000, s11  }
0x260: {  	s3 =	sadd.s32 @!p1 $0xFFFFFFEF, s1  }
0x261: {  	s1 =	smul.u32 @!p1 $0x7D000, s1;
	p0 =	slt.u32 @!p1 s3, $0xFFFFFFF0;
	s0 =	ssub.s32 s25, s0  }
0x262: {  	s0 =	simm.s32 @!p2 $0x77000;
	p2 =	por !p0, p1  }
0x263: {  	s0 =	sadd.s32 @!p1 s1, s0;
	s1 =	simm.s32 @!p2 $0xA  }
0x264: {  	s3 =	sshrl.u32 @!p1 s0, $0x3;
	_ =	swait.ge @!p2 [sflag:s1], $0x6000  }
0x265: {  	s7 =	simm.s32 @!p2 $0x18000;
	s3 =	sadd.s32 @!p1 s15, s3;
	[sflag:s1] =	ssyncset.done @!p2 $0x0  }
0x266: {  	p1 =	por p0, p1;
	[sflag:s1] =	ssyncadd.s32 @!p2 $0xFFFFA000;
	s1 =	simm.s32 @!p2 $0x0  }
0x267: {  	[hbm4b:s3+s1] =	stream.linear.scatter @!p2 [tilespmem:s7], [sflag:$0xF], $0x6000, $0x38;
	[tilespmem:$0x1E280] =	vst v63  }
0x268: {  	s1 =	simm.s32 @!p1 $0xA  }
0x269: {  	_ =	swait.ge @!p1 [sflag:s1], $0x1000  }
0x26a: {  	s0 =	sshrl.u32 @!p1 s0, $0x3;
	s7 =	simm.s32 @!p1 $0x18000;
	[sflag:s1] =	ssyncset.done @!p1 $0x0  }
0x26b: {  	s0 =	sadd.s32 @!p1 s15, s0;
	[sflag:s1] =	ssyncadd.s32 @!p1 $0xFFFFF000;
	s1 =	simm.s32 @!p1 $0x0  }
0x26c: {  	[hbm4b:s3+s1] =	stream.linear.scatter @!p1 [tilespmem:s7], [sflag:$0xF], $0x1000, $0x38;
	[tilespmem:$0x1E280] =	vst v63  }
0x26d: {  	s3 =	sadd.s32 @!p1 $0x200, s0  }
0x26e: {  	[hbm4b:s3+s1] =	stream.linear.scatter @!p1 [tilespmem:s7], [sflag:$0xF], $0x1000, $0x38;
	[tilespmem:$0x1E280] =	vst v63  }
0x26f: {  	s3 =	sadd.s32 @!p1 $0x400, s0  }
0x270: {  	[hbm4b:s3+s1] =	stream.linear.scatter @!p1 [tilespmem:s7], [sflag:$0xF], $0x1000, $0x38;
	[tilespmem:$0x1E280] =	vst v63  }
0x271: {  	s3 =	sadd.s32 @!p1 $0x600, s0  }
0x272: {  	[hbm4b:s3+s1] =	stream.linear.scatter @!p1 [tilespmem:s7], [sflag:$0xF], $0x1000, $0x38;
	[tilespmem:$0x1E280] =	vst v63  }
0x273: {  	s3 =	sadd.s32 @!p1 $0x800, s0  }
0x274: {  	[hbm4b:s3+s1] =	stream.linear.scatter @!p1 [tilespmem:s7], [sflag:$0xF], $0x1000, $0x38;
	[tilespmem:$0x1E280] =	vst v63  }
0x275: {  	s12 =	smulhi.u32 $0x86186187, s18;
	s0 =	sadd.s32 @!p1 $0xA00, s0  }
0x276: {  	[hbm4b:s0+s1] =	stream.linear.scatter @!p1 [tilespmem:s7], [sflag:$0xF], $0x1000, $0x38;
	[tilespmem:$0x1E280] =	vst v63  }
0x277: {  	p1 =	sge.u32 s19, s6  }
0x278: {  	s14 =	ssub.s32 s18, s12;
	s1 =	sadd.s32 @!p1 s10, s5  }
0x279: {  	s0 =	sshrl.u32 s14, $0x1;
	s7 =	sadd.s32 @!p1 $0x100, s1  }
0x27a: {  	s0 =	sadd.s32 s12, s0;
	s3 =	smulhi.u32 @!p1 $0x86186187, s7  }
0x27b: {  	s0 =	sshrl.u32 s0, $0x4  }
0x27c: {  	s8 =	smul.u32 $0x15, s0;
	s7 =	ssub.s32 @!p1 s7, s3  }
0x27d: {  	s7 =	sshrl.u32 @!p1 s7, $0x1  }
0x27e: {  	s8 =	ssub.s32 $0xEC, s8;
	s3 =	sadd.s32 @!p1 s3, s7  }
0x27f: {  	s0 =	smul.u32 $0xFFFFFC10, s0;
	s1 =	sadd.s32 @!p1 s8, s1;
	s3 =	sshrl.u32 @!p1 s3, $0x4  }
0x280: {  	p0 =	seq.s32 @!p1 s1, $0x0;
	s3 =	smax.u32 @!p1 s3, $0x10  }
0x281: {  	s0 =	sadd.s32 @!p1 s0, s4;
	p0 =	por !p0, p1;
	s1 =	smul.u32 @!p1 $0x3E8, s3  }
0x282: {  	s0 =	simm.s32 @!p0 $0x3B8  }
.Ltmp8:
0x283: {  	s0 =	sadd.s32 @!p1 s0, s1;
	(pc) =	sbr.rel @p3 .LBB2_12-.Ltmp8, $4  }
0x284: {  	s0 =	sadd.s32 @!p1 $0xFFFFC180, s0  }
0x285: {  	s1 =	rddreg [dreg:$0x4];
	s0 =	sshrl.u32 @!p1 s0, $0x3  }
0x286: {  	s3 =	simm.s32 @!p1 $0x1E180;
	s0 =	sadd.s32 @!p1 s1, s0;
	s1 =	simm.s32 @!p1 $0x0  }
0x287: {  	[tilespmem:s3], [sflag:$0x4] =	stream.linear.gather @!p1 [hbm4b:s0+s1], $0x30, $0x38;
	[tilespmem:$0x1E280] =	vst v63  }
0x288: {  	s0 =	sadd.s32 s10, s5  }
0x289: {  	s0 =	sadd.s32 $0xE0, s0  }
0x28a: {  	s1 =	smulhi.u32 $0x86186187, s0  }
0x28b: {  	s2 =	simm.s32 $0x3  }
0x28c: {  	_ =	swait.ge [sflag:s2], $0x30;
	s0 =	ssub.s32 s0, s1  }
0x28d: {  	[sflag:s2] =	ssyncset.done $0x0;
	s0 =	sshrl.u32 s0, $0x1  }
0x28e: {  	s12 =	simm.s32 $0xD;
	[sflag:s2] =	ssyncadd.s32 $0xFFFFFFD0;
	s0 =	sadd.s32 s1, s0  }
0x28f: {  	_ =	swait.ge [sflag:s12], $0x6000;
	s0 =	sshrl.u32 s0, $0x4  }
0x290: {  	[sflag:s12] =	ssyncset.done $0x0;
	s14 =	sadd.s32 $0xFFFFFFEF, s0  }
0x291: {  	[sflag:s12] =	ssyncadd.s32 $0xFFFFA000;
	p1 =	slt.u32 s14, $0xFFFFFFF0  }
0x292: {  	v0 =	vld @p1 [tilespmem:$0x1E100];
	_ =	sdelay $0x4  }
0x293: {  	v1 =	vshll.u32 @p1 v0, $0x2  }
0x294: {  	v2 =	vlaneseq.u32 @p1;
	v0 =	vand.u32 @p1 $0x7, v0;
	v1 =	vand.u32 @p1 $0xFFFFFFE0, v1  }
0x295: {  	v3 =	vshrl.u32 @p1 v2, $0x3;
	v0 =	vor.u32 @p1 v0, v1;
	v1 =	vand.u32 @p1 $0x7, v2  }
0x296: {  	v3 =	vmul.u32 @p1 $0x8, v3;
	v4 =	vperm.xlane @p1 v0, v1;
	_ =	sdelay $0x1  }
0x297: {  	v4 =	vadd.s32 @p1 v3, v4  }
0x298: {  	v2 =	vor.u32 @p1 $0x8, v2  }
0x299: {  	v0 =	vperm.xlane @p1 v0, v2;
	_ =	sdelay $0x1  }
0x29a: {  	s2 =	rddreg [dreg:$0x1];
	vm1 =	vmmov @p1 $0xffff;
	s1 =	simm.s32 @p1 $0x0;
	s3 =	simm.s32 @p1 $0xC000;
	v0 =	vadd.s32 @p1 v3, v0  }
0x29b: {  	[tilespmem:s3], [sflag:$0x8] =	stream.indirect_vreg.gather @p1 [hbm4b:s2+s1], $0x80, v4, vm1, $0xb8;
	[tilespmem:$0x1E280] =	vst v63  }
0x29c: {  	s3 =	simm.s32 @p1 $0xC800  }
0x29d: {  	[tilespmem:s3], [sflag:$0x8] =	stream.indirect_vreg.gather @p1 [hbm4b:s13+s1], $0x80, v4, vm1, $0xb8;
	[tilespmem:$0x1E280] =	vst v63  }
0x29e: {  	s3 =	simm.s32 @p1 $0xD000  }
0x29f: {  	[tilespmem:s3], [sflag:$0x8] =	stream.indirect_vreg.gather @p1 [hbm4b:s2+s1], $0x80, v0, vm1, $0xb8;
	[tilespmem:$0x1E280] =	vst v63  }
0x2a0: {  	s3 =	simm.s32 @p1 $0xD800  }
0x2a1: {  	[tilespmem:s3], [sflag:$0x8] =	stream.indirect_vreg.gather @p1 [hbm4b:s13+s1], $0x80, v0, vm1, $0xb8;
	[tilespmem:$0x1E280] =	vst v63  }
0x2a2: {  	v0 =	vld @p1 [tilespmem:$0x1E110];
	_ =	sdelay $0x4  }
0x2a3: {  	v4 =	vshll.u32 @p1 v0, $0x2  }
0x2a4: {  	v0 =	vand.u32 @p1 $0x7, v0;
	v4 =	vand.u32 @p1 $0xFFFFFFE0, v4  }
0x2a5: {  	v0 =	vor.u32 @p1 v0, v4  }
0x2a6: {  	v4 =	vperm.xlane @p1 v0, v1;
	_ =	sdelay $0x1  }
0x2a7: {  	v4 =	vadd.s32 @p1 v3, v4;
	_ =	sdelay $0x1  }
0x2a8: {  	v0 =	vperm.xlane @p1 v0, v2;
	_ =	sdelay $0x1  }
0x2a9: {  	s3 =	simm.s32 @p1 $0xE000;
	v0 =	vadd.s32 @p1 v3, v0  }
0x2aa: {  	[tilespmem:s3], [sflag:$0x8] =	stream.indirect_vreg.gather @p1 [hbm4b:s2+s1], $0x80, v4, vm1, $0xb8;
	[tilespmem:$0x1E280] =	vst v63  }
0x2ab: {  	s3 =	simm.s32 @p1 $0xE800  }
0x2ac: {  	[tilespmem:s3], [sflag:$0x8] =	stream.indirect_vreg.gather @p1 [hbm4b:s13+s1], $0x80, v4, vm1, $0xb8;
	[tilespmem:$0x1E280] =	vst v63  }
0x2ad: {  	s3 =	simm.s32 @p1 $0xF000  }
0x2ae: {  	[tilespmem:s3], [sflag:$0x8] =	stream.indirect_vreg.gather @p1 [hbm4b:s2+s1], $0x80, v0, vm1, $0xb8;
	[tilespmem:$0x1E280] =	vst v63  }
0x2af: {  	s3 =	simm.s32 @p1 $0xF800  }
0x2b0: {  	[tilespmem:s3], [sflag:$0x8] =	stream.indirect_vreg.gather @p1 [hbm4b:s13+s1], $0x80, v0, vm1, $0xb8;
	[tilespmem:$0x1E280] =	vst v63  }
0x2b1: {  	v0 =	vld @p1 [tilespmem:$0x1E120];
	_ =	sdelay $0x4  }
0x2b2: {  	v4 =	vshll.u32 @p1 v0, $0x2  }
0x2b3: {  	v0 =	vand.u32 @p1 $0x7, v0;
	v4 =	vand.u32 @p1 $0xFFFFFFE0, v4  }
0x2b4: {  	v0 =	vor.u32 @p1 v0, v4  }
0x2b5: {  	v1 =	vperm.xlane @p1 v0, v1;
	_ =	sdelay $0x1  }
0x2b6: {  	v1 =	vadd.s32 @p1 v3, v1;
	_ =	sdelay $0x1  }
0x2b7: {  	v0 =	vperm.xlane @p1 v0, v2;
	_ =	sdelay $0x1  }
0x2b8: {  	s3 =	simm.s32 @p1 $0x10000;
	v0 =	vadd.s32 @p1 v3, v0  }
0x2b9: {  	[tilespmem:s3], [sflag:$0x8] =	stream.indirect_vreg.gather @p1 [hbm4b:s2+s1], $0x80, v1, vm1, $0xb8;
	[tilespmem:$0x1E280] =	vst v63  }
0x2ba: {  	s3 =	simm.s32 @p1 $0x10800  }
0x2bb: {  	[tilespmem:s3], [sflag:$0x8] =	stream.indirect_vreg.gather @p1 [hbm4b:s13+s1], $0x80, v1, vm1, $0xb8;
	[tilespmem:$0x1E280] =	vst v63  }
0x2bc: {  	s0 =	sshll.u32 @!p1 s0, $0xC;
	s3 =	simm.s32 @p1 $0x11000  }
0x2bd: {  	[tilespmem:s3], [sflag:$0x8] =	stream.indirect_vreg.gather @p1 [hbm4b:s2+s1], $0x80, v0, vm1, $0xb8;
	[tilespmem:$0x1E280] =	vst v63  }
.Ltmp9:
0x2be: {  	s0 =	sadd.s32 @!p1 $0xFFFFF000, s0;
	s3 =	simm.s32 @p1 $0x11800;
	(pc) =	sbr.rel .LBB2_12-.Ltmp9, $4  }
0x2bf: {  	[tilespmem:s3], [sflag:$0x8] =	stream.indirect_vreg.gather @p1 [hbm4b:s13+s1], $0x80, v0, vm1, $0xb8;
	[tilespmem:$0x1E280] =	vst v63  }
0x2c0: {  	s0 =	sshrl.u32 @!p1 s0, $0x3;
	s1 =	rddreg [dreg:$0x5]  }
0x2c1: {  	s3 =	simm.s32 @!p1 $0xC000;
	s0 =	sadd.s32 @!p1 s1, s0;
	s1 =	simm.s32 @!p1 $0x0  }
0x2c2: {  	[tilespmem:s3], [sflag:$0x8] =	stream.linear.gather @!p1 [hbm4b:s0+s1], $0x1000, $0x38;
	[tilespmem:$0x1E280] =	vst v63  }
.LBB2_14:
0x2c3: {  	_ =	sfence.sel $0x180000  }
0x2c4: {  	[bflag:$0x0] =	sbarrier.arrive $0xFFFF  }
0x2c5: {  	_ =	strace $0x90000047  }
0x2c6: {  	s0 =	stileid.u32;
	[bflag:$0x2] =	sbarrier.arrive $0xFFFF  }
0x2c7: {  	p0 =	sne.s32 s0, $0x0;
	s0 =	rddreg [dreg:$0x3]  }
0x2c8: {  	s0 =	sadd.s32 @!p0 $0x100000, s0  }
0x2c9: {  	[sflag:s0] =	ssyncadd.tile.s32 @!p0 $0x1;
	_ =	shalt  }
.Lfunc_end2:
_tile_overlayer_lowered:
.L_overlay_start_2:
0x2ca: {  	(tag) =	ssettag $0x2  }
0x2cb: {  	s0 =	rddreg [dreg:$0x0];
	s2 =	stileid.u32  }
0x2cc: {  	s1 =	rddreg [dreg:$0x1];
	p0 =	sne.s32 s2, $0x0  }
0x2cd: {  	s3 =	rddreg [dreg:$0x2];
	[bflag:$0x3] =	sbarrier.arrive $0xFFFF;
	s2 =	simm.s32 @!p0 $0x1C10  }
0x2ce: {  	[timem:s3], [sflag:s2] =	dma.local @!p0 [hbm:s0], s1  }
0x2cf: {  	s0 =	simm.s32 @!p0 $0x10  }
0x2d0: {  	_ =	swait.ge @!p0 [sflag:s0], s1  }
0x2d1: {  	s1 =	ssub.s32 @!p0 $0x0, s1;
	[sflag:s0] =	ssyncset.done @!p0 $0x0  }
0x2d2: {  	[sflag:s0] =	ssyncadd.s32 @!p0 s1  }
0x2d3: {  	[bflag:$0x3] =	sbarrier.arrive $0xFFFF  }
0x2d4: {  	_ =	shalt  }

</sc_bundles>
